<compile_context>
chip_gen: v7x
topology: tpu7x:2x2x1
jax: 0.10.2.dev20260603
libtpu: 0.0.44.dev20260713+nightly
codegen_flags: <defaults>
</compile_context>

<pallas_src>
import functools

import jax
import jax.numpy as jnp
from jax import lax
from jax.experimental import pallas as pl
from jax.experimental.pallas import tpu as pltpu
from jax.experimental.pallas import tpu_sc as plsc

N = 10000
E = 320000
D = 128
NPAD = 10240
EPAD = 327680
ROWS_PER_TILE = NPAD // 16
EW = 128
NWIN = EPAD // EW
PAD_ROW = N
Z_ROWS = 10112

_mesh = plsc.VectorSubcoreMesh(core_axis_name="c", subcore_axis_name="s")


NB = 4
NBA = 2
GSUB = 4


def _deg_body(dst_hbm, deg_hbm, deg_sh, idx_v, ones_v, zero_v, isem, ssem,
              *, n_sc):
    c = lax.axis_index("c")
    s = lax.axis_index("s")
    wid = s * n_sc + c
    for i in range(ROWS_PER_TILE // 16):
        zero_v[pl.ds(i * 16, 16)] = jnp.zeros((16,), jnp.float32)
    for i in range(EW // 16):
        ones_v[pl.ds(i * 16, 16)] = jnp.ones((16,), jnp.float32)
    pltpu.sync_copy(zero_v, deg_sh.at[pl.ds(s * ROWS_PER_TILE, ROWS_PER_TILE)])
    plsc.subcore_barrier()

    wins = NWIN // (16 * n_sc)
    base = wid * wins

    for b in range(NB):
        pltpu.make_async_copy(dst_hbm.at[base + b], idx_v.at[b],
                              isem.at[b]).start()

    def body(r, carry):
        j0 = r * NB
        for b in range(NB):
            j = j0 + b
            pltpu.make_async_copy(dst_hbm.at[base + j], idx_v.at[b],
                                  isem.at[b]).wait()
            pltpu.make_async_copy(ones_v, deg_sh.at[idx_v.at[b]],
                                  ssem.at[b]).start(add=True)
        for b in range(NB):
            j2 = j0 + NB + b
            pltpu.make_async_copy(ones_v, deg_sh.at[idx_v.at[b]],
                                  ssem.at[b]).wait()

            @pl.when(j2 < wins)
            def _():
                pltpu.make_async_copy(dst_hbm.at[base + j2], idx_v.at[b],
                                      isem.at[b]).start()

        return carry

    lax.fori_loop(0, wins // NB, body, 0)
    plsc.subcore_barrier()
    pltpu.sync_copy(deg_sh.at[pl.ds(s * ROWS_PER_TILE, ROWS_PER_TILE)],
                    deg_hbm.at[c, pl.ds(s * ROWS_PER_TILE, ROWS_PER_TILE)])


def _agg_body(yp_hbm, y_hbm, src_hbm, dst_hbm, z_hbm, z_sh, sidx_v, didx_v,
              rows_v, frows_v, isem, dsem, gsem, ssem, *, n_sc):
    c = lax.axis_index("c")
    s = lax.axis_index("s")
    zrpt = Z_ROWS // 16
    pltpu.sync_copy(y_hbm.at[pl.ds(s * zrpt, zrpt), :],
                    z_sh.at[pl.ds(s * zrpt, zrpt), :])
    plsc.subcore_barrier()

    wins = NWIN // (16 * n_sc)
    base = (c * 16 + s) * wins

    for b in range(NBA):
        pltpu.make_async_copy(src_hbm.at[base + b], sidx_v.at[b],
                              isem.at[b]).start()
        pltpu.make_async_copy(dst_hbm.at[base + b], didx_v.at[b],
                              dsem.at[b]).start()

    def body(r, carry):
        j0 = r * NBA
        for b in range(NBA):
            j = j0 + b

            @pl.when(r > 0)
            def _():
                pltpu.make_async_copy(frows_v.at[b], z_sh.at[didx_v.at[b]],
                                      ssem.at[b]).wait()
                pltpu.make_async_copy(dst_hbm.at[base + j], didx_v.at[b],
                                      dsem.at[b]).start()

            pltpu.make_async_copy(src_hbm.at[base + j], sidx_v.at[b],
                                  isem.at[b]).wait()
            for g in range(GSUB):
                gw = EW // GSUB
                pltpu.make_async_copy(
                    yp_hbm.at[sidx_v.at[b, pl.ds(g * gw, gw)]],
                    rows_v.at[b, pl.ds(g * gw, gw), :],
                    gsem.at[b]).start()
        for b in range(NBA):
            j = j0 + b
            pltpu.make_async_copy(dst_hbm.at[base + j], didx_v.at[b],
                                  dsem.at[b]).wait()
            for g in range(GSUB):
                gw = EW // GSUB
                pltpu.make_async_copy(
                    yp_hbm.at[sidx_v.at[b, pl.ds(g * gw, gw)]],
                    rows_v.at[b, pl.ds(g * gw, gw), :],
                    gsem.at[b]).wait()

            rv = rows_v.at[b]
            fv = frows_v.at[b]

            def rbody(r2, carry):
                for k in range(4):
                    chunk = rv[r2, pl.ds(k * 16, 16)]
                    lo = plsc.bitcast(chunk << 16, jnp.float32)
                    hi = plsc.bitcast(chunk & jnp.int32(-65536), jnp.float32)
                    fv[r2, pl.ds(k * 16, 16)] = lo
                    fv[r2, pl.ds(64 + k * 16, 16)] = hi
                return carry

            lax.fori_loop(0, EW, rbody, 0)
            pltpu.make_async_copy(frows_v.at[b], z_sh.at[didx_v.at[b]],
                                  ssem.at[b]).start(add=True)

            @pl.when(j + NBA < wins)
            def _():
                pltpu.make_async_copy(src_hbm.at[base + j + NBA], sidx_v.at[b],
                                      isem.at[b]).start()

        return carry

    lax.fori_loop(0, wins // NBA, body, 0)
    for b in range(NBA):
        pltpu.make_async_copy(frows_v.at[b], z_sh.at[didx_v.at[b]],
                              ssem.at[b]).wait()
    plsc.subcore_barrier()
    zrpt2 = Z_ROWS // 16
    pltpu.sync_copy(z_sh.at[pl.ds(s * zrpt2, zrpt2), :],
                    z_hbm.at[c, pl.ds(s * zrpt2, zrpt2), :])


def _mm_body(x_ref, w_ref, dega_ref, degb_ref, y_ref, yp_ref, dis_ref, *, rb):
    i = pl.program_id(0)
    rows = i * rb + lax.broadcasted_iota(jnp.int32, (rb, 1), 0)
    valid = rows < N
    xb = jnp.where(valid, x_ref[...], 0.0)
    deg = dega_ref[0, 0] + degb_ref[0, 0] + 1.0
    dis = lax.rsqrt(deg).reshape(rb, 1)
    xw = jnp.dot(xb, w_ref[...], preferred_element_type=jnp.float32)
    y = xw * dis
    y_ref[...] = y
    dis_ref[...] = dis
    u = lax.bitcast_convert_type(y.astype(jnp.bfloat16), jnp.uint16)
    lo = u[:, :64].astype(jnp.uint32)
    hi = u[:, 64:].astype(jnp.uint32)
    yp_ref[...] = lax.bitcast_convert_type(lo | (hi << 16), jnp.int32)


def _out_body(z0_ref, z1_ref, y_ref, dis_ref, b_ref, o_ref):
    z = z0_ref[0] + z1_ref[0] - y_ref[...]
    o_ref[...] = z * dis_ref[...] + b_ref[...]


def kernel(x, edge_index, W, b):
    pad = jnp.full((EPAD - E,), PAD_ROW, dtype=jnp.int32)
    src2 = jnp.concatenate([edge_index[0], pad]).reshape(NWIN, EW)
    dst2 = jnp.concatenate([edge_index[1], pad]).reshape(NWIN, EW)

    info = plsc.get_sparse_core_info()
    n_sc = info.num_cores

    deg_kernel = functools.partial(
        pl.kernel,
        out_type=jax.ShapeDtypeStruct((2, NPAD), jnp.float32),
        mesh=_mesh,
        scratch_types=[
            pltpu.VMEM_SHARED((NPAD,), jnp.float32),
            pltpu.VMEM((NB, EW), jnp.int32),
            pltpu.VMEM((EW,), jnp.float32),
            pltpu.VMEM((ROWS_PER_TILE,), jnp.float32),
            pltpu.SemaphoreType.DMA((NB,)),
            pltpu.SemaphoreType.DMA((NB,)),
        ],
    )(functools.partial(_deg_body, n_sc=n_sc))
    deg2 = deg_kernel(dst2)
    deg3 = deg2.reshape(2, 1, NPAD)

    RB = 1024
    grid = NPAD // RB
    y_yp_dis = pl.pallas_call(
        functools.partial(_mm_body, rb=RB),
        grid=(grid,),
        in_specs=[
            pl.BlockSpec((RB, D), lambda i: (i, 0)),
            pl.BlockSpec((D, D), lambda i: (0, 0)),
            pl.BlockSpec((1, 1, RB), lambda i: (0, 0, i)),
            pl.BlockSpec((1, 1, RB), lambda i: (1, 0, i)),
        ],
        out_specs=[
            pl.BlockSpec((RB, D), lambda i: (i, 0)),
            pl.BlockSpec((RB, D // 2), lambda i: (i, 0)),
            pl.BlockSpec((RB, 1), lambda i: (i, 0)),
        ],
        out_shape=[
            jax.ShapeDtypeStruct((NPAD, D), jnp.float32),
            jax.ShapeDtypeStruct((NPAD, D // 2), jnp.int32),
            jax.ShapeDtypeStruct((NPAD, 1), jnp.float32),
        ],
    )(x, W, deg3, deg3)
    y, yp, dis = y_yp_dis
    del deg2, deg3

    agg_kernel = pl.kernel(
        functools.partial(_agg_body, n_sc=n_sc),
        out_type=jax.ShapeDtypeStruct((2, Z_ROWS, D), jnp.float32),
        mesh=_mesh,
        scratch_types=[
            pltpu.VMEM_SHARED((Z_ROWS, D), jnp.float32),
            pltpu.VMEM((NBA, EW), jnp.int32),
            pltpu.VMEM((NBA, EW), jnp.int32),
            pltpu.VMEM((NBA, EW, D // 2), jnp.int32),
            pltpu.VMEM((NBA, EW, D), jnp.float32),
            pltpu.SemaphoreType.DMA((NBA,)),
            pltpu.SemaphoreType.DMA((NBA,)),
            pltpu.SemaphoreType.DMA((NBA,)),
            pltpu.SemaphoreType.DMA((NBA,)),
        ],
        compiler_params=pltpu.CompilerParams(use_tc_tiling_on_sc=False,
                                             needs_layout_passes=False),
    )
    z2 = agg_kernel(yp, y, src2, dst2)

    RBO = 1000
    out = pl.pallas_call(
        _out_body,
        grid=(N // RBO,),
        in_specs=[
            pl.BlockSpec((1, RBO, D), lambda i: (0, i, 0)),
            pl.BlockSpec((1, RBO, D), lambda i: (1, i, 0)),
            pl.BlockSpec((RBO, D), lambda i: (i, 0)),
            pl.BlockSpec((RBO, 1), lambda i: (i, 0)),
            pl.BlockSpec((1, D), lambda i: (0, 0)),
        ],
        out_specs=pl.BlockSpec((RBO, D), lambda i: (i, 0)),
        out_shape=jax.ShapeDtypeStruct((N, D), jnp.float32),
    )(z2, z2, y, dis, b.reshape(1, D))
    return out

# --- scband reference (transcript-rebuilt; emitter-appended) ---
"""Pipeline reference for scband-linear-encoder-75909251990060 (READ-ONLY COPY).

The authoritative reference and input builder live on the scoring server;
editing this copy changes nothing except your own understanding.
"""

import jax, jax.numpy as jnp
import numpy as np

N = 10000
E = 320000
D_IN = 128
D_OUT = 128


def setup_inputs(seed: int = 0) -> dict:
    key = jax.random.key(seed)
    k1, k2, k3 = jax.random.split(key, 3)
    x = jax.random.normal(k1, (N, D_IN), dtype=jnp.float32)
    edge_index = jax.random.randint(k2, (2, E), 0, N, dtype=jnp.int32)
    # GCNConv linear weight (glorot-style init), bias zeros (matches PyG defaults)
    W = jax.random.normal(k3, (D_IN, D_OUT), dtype=jnp.float32) * (1.0 / np.sqrt(D_IN))
    b = jnp.zeros((D_OUT,), dtype=jnp.float32)
    return {"x": x, "edge_index": edge_index, "W": W, "b": b}


def reference(x, edge_index, W, b):
    # Faithful GCNConv (PyG defaults): add self-loops, symmetric normalization,
    # linear transform, scatter-add aggregation by dst, then bias.
    n = x.shape[0]
    loop = jnp.arange(n, dtype=edge_index.dtype)
    src = jnp.concatenate([edge_index[0], loop])
    dst = jnp.concatenate([edge_index[1], loop])
    # degree computed on dst (col) with unit edge weights, incl. self loops
    deg = jnp.zeros((n,), dtype=x.dtype).at[dst].add(jnp.asarray(1.0, x.dtype))
    deg_inv_sqrt = jnp.where(deg > 0, jax.lax.rsqrt(jnp.maximum(deg, 1e-12)), 0.0)
    norm = deg_inv_sqrt[src] * deg_inv_sqrt[dst]
    xw = x @ W  # linear transform (no bias inside; bias added after aggregation)
    msg = xw[src] * norm[:, None]  # gather + scale
    out = jnp.zeros((n, xw.shape[1]), dtype=x.dtype).at[dst].add(msg)  # scatter-add
    return out + b

if __name__ == "__main__":
    import jax
    _d = setup_inputs()
    print(jax.jit(kernel)(*tuple(_d.values())))

</pallas_src>

<mosaic_0001>
#map = affine_map<(d0, d1) -> (0, 0)>
#map1 = affine_map<(d0, d1) -> (0, 0, 0)>
module attributes {stable_mosaic.version = 14 : i64} {
  func.func @_agg_body(%arg0: i32, %arg1: i32, %arg2: memref<10240x64xi32, #tpu.memory_space<hbm>>, %arg3: memref<10240x128xf32, #tpu.memory_space<hbm>>, %arg4: memref<2560x128xi32, #tpu.memory_space<hbm>>, %arg5: memref<2560x128xi32, #tpu.memory_space<hbm>>, %arg6: memref<2x10112x128xf32, #tpu.memory_space<hbm>>, %arg7: memref<10112x128xf32, #tpu.memory_space<vmem_shared>>, %arg8: memref<2x128xi32, #tpu.memory_space<vmem>>, %arg9: memref<2x128xi32, #tpu.memory_space<vmem>>, %arg10: memref<2x128x64xi32, #tpu.memory_space<vmem>>, %arg11: memref<2x128x128xf32, #tpu.memory_space<vmem>>, %arg12: memref<2x!tpu.dma_semaphore, #tpu.memory_space<semaphore_mem>>, %arg13: memref<2x!tpu.dma_semaphore, #tpu.memory_space<semaphore_mem>>, %arg14: memref<2x!tpu.dma_semaphore, #tpu.memory_space<semaphore_mem>>, %arg15: memref<2x!tpu.dma_semaphore, #tpu.memory_space<semaphore_mem>>) attributes {dimension_semantics = [#tpu.dimension_semantics<core_parallel>, #tpu.dimension_semantics<subcore_parallel>], iteration_bounds = array<i64: 2, 16>, scalar_prefetch = 0 : i64, scratch_operands = 9 : i64, tpu.core_type = #tpu.core_type<sc_vector_subcore>, window_params = [{transform_indices = #map}, {transform_indices = #map}, {transform_indices = #map}, {transform_indices = #map}, {transform_indices = #map1}]} {
    %mul3A = arith.constant 632 : i32
    %mul3A_0 = arith.muli %arg1, %mul3A : i32
    %mul3A_1 = arith.constant 632 : i32
    %mul3A_2 = arith.muli %arg1, %mul3A_1 : i32
    "tpu.region"() ({
      %run_scoped3A = tpu.sem_alloc : memref<!tpu.dma_semaphore, #tpu.memory_space<semaphore_mem>>
      %dma_start3A_117 = arith.constant 0 : i32
      %dma_start3A_118 = tpu.memref_slice %arg7[%mul3A_2, %dma_start3A_117] : memref<10112x128xf32, #tpu.memory_space<vmem_shared>> -> memref<632x128xf32, #tpu.memory_space<vmem_shared>>
      %dma_start3A_119 = arith.constant 0 : i32
      %dma_start3A_120 = tpu.memref_slice %arg3[%mul3A_0, %dma_start3A_119] : memref<10240x128xf32, #tpu.memory_space<hbm>> -> memref<632x128xf32, #tpu.memory_space<hbm>>
      tpu.enqueue_dma source(%dma_start3A_120 : memref<632x128xf32, #tpu.memory_space<hbm>>) target(%dma_start3A_118 : memref<632x128xf32, #tpu.memory_space<vmem_shared>>) target_semaphore(%run_scoped3A : memref<!tpu.dma_semaphore, #tpu.memory_space<semaphore_mem>>)
      %dma_wait3A_121 = arith.constant 0 : i32
      %dma_wait3A_122 = tpu.memref_slice %arg7[%mul3A_2, %dma_wait3A_121] : memref<10112x128xf32, #tpu.memory_space<vmem_shared>> -> memref<632x128xf32, #tpu.memory_space<vmem_shared>>
      %dma_wait3A_123 = arith.constant 0 : i32
      %dma_wait3A_124 = tpu.memref_slice %arg3[%mul3A_0, %dma_wait3A_123] : memref<10240x128xf32, #tpu.memory_space<hbm>> -> memref<632x128xf32, #tpu.memory_space<hbm>>
      tpu.wait_dma2 semaphore(%run_scoped3A : memref<!tpu.dma_semaphore, #tpu.memory_space<semaphore_mem>>) src(%dma_wait3A_124 : memref<632x128xf32, #tpu.memory_space<hbm>>) dst(%dma_wait3A_122 : memref<632x128xf32, #tpu.memory_space<vmem_shared>>)
      tpu.yield
    }) : () -> ()
    %barrier3A = arith.constant 0 : index
    tpu.barrier barrier_id(%barrier3A)
    %mul3A_3 = arith.constant 16 : i32
    %mul3A_4 = arith.muli %arg0, %mul3A_3 : i32
    %add3A = arith.addi %mul3A_4, %arg1 : i32
    %mul3A_5 = arith.constant 80 : i32
    %mul3A_6 = arith.muli %add3A, %mul3A_5 : i32
    %add3A_7 = arith.constant 0 : i32
    %add3A_8 = arith.addi %mul3A_6, %add3A_7 : i32
    %dma_start3A = arith.constant 0 : i32
    %dma_start3A_9 = arith.constant 0 : i32
    %dma_start3A_10 = arith.constant 0 : i32
    %dma_start3A_11 = tpu.memref_slice %arg8[%dma_start3A, %dma_start3A_10] : memref<2x128xi32, #tpu.memory_space<vmem>> -> memref<1x128xi32, #tpu.memory_space<vmem>>
    %dma_start3A_12 = tpu.memref_squeeze %dma_start3A_11 : memref<1x128xi32, #tpu.memory_space<vmem>> -> memref<128xi32, #tpu.memory_space<vmem>>
    %dma_start3A_13 = arith.constant 0 : i32
    %dma_start3A_14 = tpu.memref_slice %arg4[%add3A_8, %dma_start3A_13] : memref<2560x128xi32, #tpu.memory_space<hbm>> -> memref<1x128xi32, #tpu.memory_space<hbm>>
    %dma_start3A_15 = tpu.memref_squeeze %dma_start3A_14 : memref<1x128xi32, #tpu.memory_space<hbm>> -> memref<128xi32, #tpu.memory_space<hbm>>
    %dma_start3A_16 = tpu.memref_slice %arg12[%dma_start3A_9] : memref<2x!tpu.dma_semaphore, #tpu.memory_space<semaphore_mem>> -> memref<1x!tpu.dma_semaphore, #tpu.memory_space<semaphore_mem>>
    %dma_start3A_17 = tpu.memref_squeeze %dma_start3A_16 : memref<1x!tpu.dma_semaphore, #tpu.memory_space<semaphore_mem>> -> memref<!tpu.dma_semaphore, #tpu.memory_space<semaphore_mem>>
    %dma_start3A_18 = arith.constant 0 : i32
    %dma_start3A_19 = tpu.memref_slice %arg8[%dma_start3A, %dma_start3A_18] : memref<2x128xi32, #tpu.memory_space<vmem>> -> memref<1x128xi32, #tpu.memory_space<vmem>>
    %dma_start3A_20 = tpu.memref_squeeze %dma_start3A_19 : memref<1x128xi32, #tpu.memory_space<vmem>> -> memref<128xi32, #tpu.memory_space<vmem>>
    %dma_start3A_21 = arith.constant 0 : i32
    %dma_start3A_22 = tpu.memref_slice %arg4[%add3A_8, %dma_start3A_21] : memref<2560x128xi32, #tpu.memory_space<hbm>> -> memref<1x128xi32, #tpu.memory_space<hbm>>
    %dma_start3A_23 = tpu.memref_squeeze %dma_start3A_22 : memref<1x128xi32, #tpu.memory_space<hbm>> -> memref<128xi32, #tpu.memory_space<hbm>>
    tpu.enqueue_dma source(%dma_start3A_23 : memref<128xi32, #tpu.memory_space<hbm>>) target(%dma_start3A_20 : memref<128xi32, #tpu.memory_space<vmem>>) target_semaphore(%dma_start3A_17 : memref<!tpu.dma_semaphore, #tpu.memory_space<semaphore_mem>>)
    %add3A_24 = arith.constant 0 : i32
    %add3A_25 = arith.addi %mul3A_6, %add3A_24 : i32
    %dma_start3A_26 = arith.constant 0 : i32
    %dma_start3A_27 = arith.constant 0 : i32
    %dma_start3A_28 = arith.constant 0 : i32
    %dma_start3A_29 = tpu.memref_slice %arg9[%dma_start3A_26, %dma_start3A_28] : memref<2x128xi32, #tpu.memory_space<vmem>> -> memref<1x128xi32, #tpu.memory_space<vmem>>
    %dma_start3A_30 = tpu.memref_squeeze %dma_start3A_29 : memref<1x128xi32, #tpu.memory_space<vmem>> -> memref<128xi32, #tpu.memory_space<vmem>>
    %dma_start3A_31 = arith.constant 0 : i32
    %dma_start3A_32 = tpu.memref_slice %arg5[%add3A_25, %dma_start3A_31] : memref<2560x128xi32, #tpu.memory_space<hbm>> -> memref<1x128xi32, #tpu.memory_space<hbm>>
    %dma_start3A_33 = tpu.memref_squeeze %dma_start3A_32 : memref<1x128xi32, #tpu.memory_space<hbm>> -> memref<128xi32, #tpu.memory_space<hbm>>
    %dma_start3A_34 = tpu.memref_slice %arg13[%dma_start3A_27] : memref<2x!tpu.dma_semaphore, #tpu.memory_space<semaphore_mem>> -> memref<1x!tpu.dma_semaphore, #tpu.memory_space<semaphore_mem>>
    %dma_start3A_35 = tpu.memref_squeeze %dma_start3A_34 : memref<1x!tpu.dma_semaphore, #tpu.memory_space<semaphore_mem>> -> memref<!tpu.dma_semaphore, #tpu.memory_space<semaphore_mem>>
    %dma_start3A_36 = arith.constant 0 : i32
    %dma_start3A_37 = tpu.memref_slice %arg9[%dma_start3A_26, %dma_start3A_36] : memref<2x128xi32, #tpu.memory_space<vmem>> -> memref<1x128xi32, #tpu.memory_space<vmem>>
    %dma_start3A_38 = tpu.memref_squeeze %dma_start3A_37 : memref<1x128xi32, #tpu.memory_space<vmem>> -> memref<128xi32, #tpu.memory_space<vmem>>
    %dma_start3A_39 = arith.constant 0 : i32
    %dma_start3A_40 = tpu.memref_slice %arg5[%add3A_25, %dma_start3A_39] : memref<2560x128xi32, #tpu.memory_space<hbm>> -> memref<1x128xi32, #tpu.memory_space<hbm>>
    %dma_start3A_41 = tpu.memref_squeeze %dma_start3A_40 : memref<1x128xi32, #tpu.memory_space<hbm>> -> memref<128xi32, #tpu.memory_space<hbm>>
    tpu.enqueue_dma source(%dma_start3A_41 : memref<128xi32, #tpu.memory_space<hbm>>) target(%dma_start3A_38 : memref<128xi32, #tpu.memory_space<vmem>>) target_semaphore(%dma_start3A_35 : memref<!tpu.dma_semaphore, #tpu.memory_space<semaphore_mem>>)
    %add3A_42 = arith.constant 1 : i32
    %add3A_43 = arith.addi %mul3A_6, %add3A_42 : i32
    %dma_start3A_44 = arith.constant 1 : i32
    %dma_start3A_45 = arith.constant 1 : i32
    %dma_start3A_46 = arith.constant 0 : i32
    %dma_start3A_47 = tpu.memref_slice %arg8[%dma_start3A_44, %dma_start3A_46] : memref<2x128xi32, #tpu.memory_space<vmem>> -> memref<1x128xi32, #tpu.memory_space<vmem>>
    %dma_start3A_48 = tpu.memref_squeeze %dma_start3A_47 : memref<1x128xi32, #tpu.memory_space<vmem>> -> memref<128xi32, #tpu.memory_space<vmem>>
    %dma_start3A_49 = arith.constant 0 : i32
    %dma_start3A_50 = tpu.memref_slice %arg4[%add3A_43, %dma_start3A_49] : memref<2560x128xi32, #tpu.memory_space<hbm>> -> memref<1x128xi32, #tpu.memory_space<hbm>>
    %dma_start3A_51 = tpu.memref_squeeze %dma_start3A_50 : memref<1x128xi32, #tpu.memory_space<hbm>> -> memref<128xi32, #tpu.memory_space<hbm>>
    %dma_start3A_52 = tpu.memref_slice %arg12[%dma_start3A_45] : memref<2x!tpu.dma_semaphore, #tpu.memory_space<semaphore_mem>> -> memref<1x!tpu.dma_semaphore, #tpu.memory_space<semaphore_mem>>
    %dma_start3A_53 = tpu.memref_squeeze %dma_start3A_52 : memref<1x!tpu.dma_semaphore, #tpu.memory_space<semaphore_mem>> -> memref<!tpu.dma_semaphore, #tpu.memory_space<semaphore_mem>>
    %dma_start3A_54 = arith.constant 0 : i32
    %dma_start3A_55 = tpu.memref_slice %arg8[%dma_start3A_44, %dma_start3A_54] : memref<2x128xi32, #tpu.memory_space<vmem>> -> memref<1x128xi32, #tpu.memory_space<vmem>>
    %dma_start3A_56 = tpu.memref_squeeze %dma_start3A_55 : memref<1x128xi32, #tpu.memory_space<vmem>> -> memref<128xi32, #tpu.memory_space<vmem>>
    %dma_start3A_57 = arith.constant 0 : i32
    %dma_start3A_58 = tpu.memref_slice %arg4[%add3A_43, %dma_start3A_57] : memref<2560x128xi32, #tpu.memory_space<hbm>> -> memref<1x128xi32, #tpu.memory_space<hbm>>
    %dma_start3A_59 = tpu.memref_squeeze %dma_start3A_58 : memref<1x128xi32, #tpu.memory_space<hbm>> -> memref<128xi32, #tpu.memory_space<hbm>>
    tpu.enqueue_dma source(%dma_start3A_59 : memref<128xi32, #tpu.memory_space<hbm>>) target(%dma_start3A_56 : memref<128xi32, #tpu.memory_space<vmem>>) target_semaphore(%dma_start3A_53 : memref<!tpu.dma_semaphore, #tpu.memory_space<semaphore_mem>>)
    %add3A_60 = arith.constant 1 : i32
    %add3A_61 = arith.addi %mul3A_6, %add3A_60 : i32
    %dma_start3A_62 = arith.constant 1 : i32
    %dma_start3A_63 = arith.constant 1 : i32
    %dma_start3A_64 = arith.constant 0 : i32
    %dma_start3A_65 = tpu.memref_slice %arg9[%dma_start3A_62, %dma_start3A_64] : memref<2x128xi32, #tpu.memory_space<vmem>> -> memref<1x128xi32, #tpu.memory_space<vmem>>
    %dma_start3A_66 = tpu.memref_squeeze %dma_start3A_65 : memref<1x128xi32, #tpu.memory_space<vmem>> -> memref<128xi32, #tpu.memory_space<vmem>>
    %dma_start3A_67 = arith.constant 0 : i32
    %dma_start3A_68 = tpu.memref_slice %arg5[%add3A_61, %dma_start3A_67] : memref<2560x128xi32, #tpu.memory_space<hbm>> -> memref<1x128xi32, #tpu.memory_space<hbm>>
    %dma_start3A_69 = tpu.memref_squeeze %dma_start3A_68 : memref<1x128xi32, #tpu.memory_space<hbm>> -> memref<128xi32, #tpu.memory_space<hbm>>
    %dma_start3A_70 = tpu.memref_slice %arg13[%dma_start3A_63] : memref<2x!tpu.dma_semaphore, #tpu.memory_space<semaphore_mem>> -> memref<1x!tpu.dma_semaphore, #tpu.memory_space<semaphore_mem>>
    %dma_start3A_71 = tpu.memref_squeeze %dma_start3A_70 : memref<1x!tpu.dma_semaphore, #tpu.memory_space<semaphore_mem>> -> memref<!tpu.dma_semaphore, #tpu.memory_space<semaphore_mem>>
    %dma_start3A_72 = arith.constant 0 : i32
    %dma_start3A_73 = tpu.memref_slice %arg9[%dma_start3A_62, %dma_start3A_72] : memref<2x128xi32, #tpu.memory_space<vmem>> -> memref<1x128xi32, #tpu.memory_space<vmem>>
    %dma_start3A_74 = tpu.memref_squeeze %dma_start3A_73 : memref<1x128xi32, #tpu.memory_space<vmem>> -> memref<128xi32, #tpu.memory_space<vmem>>
    %dma_start3A_75 = arith.constant 0 : i32
    %dma_start3A_76 = tpu.memref_slice %arg5[%add3A_61, %dma_start3A_75] : memref<2560x128xi32, #tpu.memory_space<hbm>> -> memref<1x128xi32, #tpu.memory_space<hbm>>
    %dma_start3A_77 = tpu.memref_squeeze %dma_start3A_76 : memref<1x128xi32, #tpu.memory_space<hbm>> -> memref<128xi32, #tpu.memory_space<hbm>>
    tpu.enqueue_dma source(%dma_start3A_77 : memref<128xi32, #tpu.memory_space<hbm>>) target(%dma_start3A_74 : memref<128xi32, #tpu.memory_space<vmem>>) target_semaphore(%dma_start3A_71 : memref<!tpu.dma_semaphore, #tpu.memory_space<semaphore_mem>>)
    %scan3A = arith.constant 0 : i32
    %scan3A_78 = arith.constant 0 : i32
    %scan3A_79 = arith.constant 40 : i32
    %scan3A_80 = arith.addi %scan3A_78, %scan3A_79 : i32
    %scan3A_81 = arith.constant 1 : i32
    scf.for %scan3A_117 = %scan3A_78 to %scan3A_80 step %scan3A_81  : i32 {
      %mul3A_118 = arith.constant 2 : i32
      %mul3A_119 = arith.muli %scan3A_117, %mul3A_118 : i32
      %add3A_120 = arith.constant 0 : i32
      %add3A_121 = arith.addi %mul3A_119, %add3A_120 : i32
      %gt3A = arith.constant 0 : i32
      %gt3A_122 = arith.cmpi sgt, %scan3A_117, %gt3A : i32
      %convert_element_type3A = arith.extui %gt3A_122 : i1 to i32
      %cond3A = arith.constant 0 : i32
      %cond3A_123 = arith.cmpi ne, %convert_element_type3A, %cond3A : i32
      scf.if %cond3A_123 {
        %dma_wait3A_502 = arith.constant 0 : i32
        %dma_wait3A_503 = arith.constant 0 : i32
        %dma_wait3A_504 = arith.constant 0 : i32
        %dma_wait3A_505 = arith.constant 0 : i32
        %dma_wait3A_506 = arith.constant 0 : i32
        %dma_wait3A_507 = tpu.memref_slice %arg11[%dma_wait3A_502, %dma_wait3A_505, %dma_wait3A_506] : memref<2x128x128xf32, #tpu.memory_space<vmem>> -> memref<1x128x128xf32, #tpu.memory_space<vmem>>
        %dma_wait3A_508 = tpu.memref_squeeze %dma_wait3A_507 : memref<1x128x128xf32, #tpu.memory_space<vmem>> -> memref<128x128xf32, #tpu.memory_space<vmem>>
        %dma_wait3A_509 = arith.constant 0 : i32
        %dma_wait3A_510 = tpu.memref_slice %arg9[%dma_wait3A_503, %dma_wait3A_509] : memref<2x128xi32, #tpu.memory_space<vmem>> -> memref<1x128xi32, #tpu.memory_space<vmem>>
        %dma_wait3A_511 = tpu.memref_squeeze %dma_wait3A_510 : memref<1x128xi32, #tpu.memory_space<vmem>> -> memref<128xi32, #tpu.memory_space<vmem>>
        %dma_wait3A_512 = arith.constant 0 : i32
        %dma_wait3A_513 = arith.constant 0 : i32
        %dma_wait3A_514 = tpu.memref_slice %arg7[%dma_wait3A_512, %dma_wait3A_513] : memref<10112x128xf32, #tpu.memory_space<vmem_shared>> -> memref<10112x128xf32, #tpu.memory_space<vmem_shared>>
        %dma_wait3A_515 = tpu.memref_slice %arg15[%dma_wait3A_504] : memref<2x!tpu.dma_semaphore, #tpu.memory_space<semaphore_mem>> -> memref<1x!tpu.dma_semaphore, #tpu.memory_space<semaphore_mem>>
        %dma_wait3A_516 = tpu.memref_squeeze %dma_wait3A_515 : memref<1x!tpu.dma_semaphore, #tpu.memory_space<semaphore_mem>> -> memref<!tpu.dma_semaphore, #tpu.memory_space<semaphore_mem>>
        tpu.wait_indirect_dma semaphore(%dma_wait3A_516 : memref<!tpu.dma_semaphore, #tpu.memory_space<semaphore_mem>>) src(%dma_wait3A_508 : memref<128x128xf32, #tpu.memory_space<vmem>>) dst(%dma_wait3A_514 : memref<10112x128xf32, #tpu.memory_space<vmem_shared>>)
        %add3A_517 = arith.addi %mul3A_6, %add3A_121 : i32
        %dma_start3A_518 = arith.constant 0 : i32
        %dma_start3A_519 = arith.constant 0 : i32
        %dma_start3A_520 = arith.constant 0 : i32
        %dma_start3A_521 = tpu.memref_slice %arg9[%dma_start3A_518, %dma_start3A_520] : memref<2x128xi32, #tpu.memory_space<vmem>> -> memref<1x128xi32, #tpu.memory_space<vmem>>
        %dma_start3A_522 = tpu.memref_squeeze %dma_start3A_521 : memref<1x128xi32, #tpu.memory_space<vmem>> -> memref<128xi32, #tpu.memory_space<vmem>>
        %dma_start3A_523 = arith.constant 0 : i32
        %dma_start3A_524 = tpu.memref_slice %arg5[%add3A_517, %dma_start3A_523] : memref<2560x128xi32, #tpu.memory_space<hbm>> -> memref<1x128xi32, #tpu.memory_space<hbm>>
        %dma_start3A_525 = tpu.memref_squeeze %dma_start3A_524 : memref<1x128xi32, #tpu.memory_space<hbm>> -> memref<128xi32, #tpu.memory_space<hbm>>
        %dma_start3A_526 = tpu.memref_slice %arg13[%dma_start3A_519] : memref<2x!tpu.dma_semaphore, #tpu.memory_space<semaphore_mem>> -> memref<1x!tpu.dma_semaphore, #tpu.memory_space<semaphore_mem>>
        %dma_start3A_527 = tpu.memref_squeeze %dma_start3A_526 : memref<1x!tpu.dma_semaphore, #tpu.memory_space<semaphore_mem>> -> memref<!tpu.dma_semaphore, #tpu.memory_space<semaphore_mem>>
        %dma_start3A_528 = arith.constant 0 : i32
        %dma_start3A_529 = tpu.memref_slice %arg9[%dma_start3A_518, %dma_start3A_528] : memref<2x128xi32, #tpu.memory_space<vmem>> -> memref<1x128xi32, #tpu.memory_space<vmem>>
        %dma_start3A_530 = tpu.memref_squeeze %dma_start3A_529 : memref<1x128xi32, #tpu.memory_space<vmem>> -> memref<128xi32, #tpu.memory_space<vmem>>
        %dma_start3A_531 = arith.constant 0 : i32
        %dma_start3A_532 = tpu.memref_slice %arg5[%add3A_517, %dma_start3A_531] : memref<2560x128xi32, #tpu.memory_space<hbm>> -> memref<1x128xi32, #tpu.memory_space<hbm>>
        %dma_start3A_533 = tpu.memref_squeeze %dma_start3A_532 : memref<1x128xi32, #tpu.memory_space<hbm>> -> memref<128xi32, #tpu.memory_space<hbm>>
        tpu.enqueue_dma source(%dma_start3A_533 : memref<128xi32, #tpu.memory_space<hbm>>) target(%dma_start3A_530 : memref<128xi32, #tpu.memory_space<vmem>>) target_semaphore(%dma_start3A_527 : memref<!tpu.dma_semaphore, #tpu.memory_space<semaphore_mem>>)
      } else {
      }
      %add3A_124 = arith.addi %mul3A_6, %add3A_121 : i32
      %dma_wait3A_125 = arith.constant 0 : i32
      %dma_wait3A_126 = arith.constant 0 : i32
      %dma_wait3A_127 = arith.constant 0 : i32
      %dma_wait3A_128 = tpu.memref_slice %arg8[%dma_wait3A_125, %dma_wait3A_127] : memref<2x128xi32, #tpu.memory_space<vmem>> -> memref<1x128xi32, #tpu.memory_space<vmem>>
      %dma_wait3A_129 = tpu.memref_squeeze %dma_wait3A_128 : memref<1x128xi32, #tpu.memory_space<vmem>> -> memref<128xi32, #tpu.memory_space<vmem>>
      %dma_wait3A_130 = arith.constant 0 : i32
      %dma_wait3A_131 = tpu.memref_slice %arg4[%add3A_124, %dma_wait3A_130] : memref<2560x128xi32, #tpu.memory_space<hbm>> -> memref<1x128xi32, #tpu.memory_space<hbm>>
      %dma_wait3A_132 = tpu.memref_squeeze %dma_wait3A_131 : memref<1x128xi32, #tpu.memory_space<hbm>> -> memref<128xi32, #tpu.memory_space<hbm>>
      %dma_wait3A_133 = tpu.memref_slice %arg12[%dma_wait3A_126] : memref<2x!tpu.dma_semaphore, #tpu.memory_space<semaphore_mem>> -> memref<1x!tpu.dma_semaphore, #tpu.memory_space<semaphore_mem>>
      %dma_wait3A_134 = tpu.memref_squeeze %dma_wait3A_133 : memref<1x!tpu.dma_semaphore, #tpu.memory_space<semaphore_mem>> -> memref<!tpu.dma_semaphore, #tpu.memory_space<semaphore_mem>>
      %dma_wait3A_135 = arith.constant 0 : i32
      %dma_wait3A_136 = tpu.memref_slice %arg8[%dma_wait3A_125, %dma_wait3A_135] : memref<2x128xi32, #tpu.memory_space<vmem>> -> memref<1x128xi32, #tpu.memory_space<vmem>>
      %dma_wait3A_137 = tpu.memref_squeeze %dma_wait3A_136 : memref<1x128xi32, #tpu.memory_space<vmem>> -> memref<128xi32, #tpu.memory_space<vmem>>
      %dma_wait3A_138 = arith.constant 0 : i32
      %dma_wait3A_139 = tpu.memref_slice %arg4[%add3A_124, %dma_wait3A_138] : memref<2560x128xi32, #tpu.memory_space<hbm>> -> memref<1x128xi32, #tpu.memory_space<hbm>>
      %dma_wait3A_140 = tpu.memref_squeeze %dma_wait3A_139 : memref<1x128xi32, #tpu.memory_space<hbm>> -> memref<128xi32, #tpu.memory_space<hbm>>
      tpu.wait_dma2 semaphore(%dma_wait3A_134 : memref<!tpu.dma_semaphore, #tpu.memory_space<semaphore_mem>>) src(%dma_wait3A_140 : memref<128xi32, #tpu.memory_space<hbm>>) dst(%dma_wait3A_137 : memref<128xi32, #tpu.memory_space<vmem>>)
      %dma_start3A_141 = arith.constant 0 : i32
      %dma_start3A_142 = arith.constant 0 : i32
      %dma_start3A_143 = arith.constant 0 : i32
      %dma_start3A_144 = arith.constant 0 : i32
      %dma_start3A_145 = arith.constant 0 : i32
      %dma_start3A_146 = tpu.memref_slice %arg10[%dma_start3A_142, %dma_start3A_144, %dma_start3A_145] : memref<2x128x64xi32, #tpu.memory_space<vmem>> -> memref<1x32x64xi32, #tpu.memory_space<vmem>>
      %dma_start3A_147 = tpu.memref_squeeze %dma_start3A_146 : memref<1x32x64xi32, #tpu.memory_space<vmem>> -> memref<32x64xi32, #tpu.memory_space<vmem>>
      %dma_start3A_148 = arith.constant 0 : i32
      %dma_start3A_149 = tpu.memref_slice %arg8[%dma_start3A_141, %dma_start3A_148] : memref<2x128xi32, #tpu.memory_space<vmem>> -> memref<1x32xi32, #tpu.memory_space<vmem>>
      %dma_start3A_150 = tpu.memref_squeeze %dma_start3A_149 : memref<1x32xi32, #tpu.memory_space<vmem>> -> memref<32xi32, #tpu.memory_space<vmem>>
      %dma_start3A_151 = arith.constant 0 : i32
      %dma_start3A_152 = arith.constant 0 : i32
      %dma_start3A_153 = tpu.memref_slice %arg2[%dma_start3A_151, %dma_start3A_152] : memref<10240x64xi32, #tpu.memory_space<hbm>> -> memref<10240x64xi32, #tpu.memory_space<hbm>>
      %dma_start3A_154 = tpu.memref_slice %arg14[%dma_start3A_143] : memref<2x!tpu.dma_semaphore, #tpu.memory_space<semaphore_mem>> -> memref<1x!tpu.dma_semaphore, #tpu.memory_space<semaphore_mem>>
      %dma_start3A_155 = tpu.memref_squeeze %dma_start3A_154 : memref<1x!tpu.dma_semaphore, #tpu.memory_space<semaphore_mem>> -> memref<!tpu.dma_semaphore, #tpu.memory_space<semaphore_mem>>
      tpu.enqueue_indirect_dma source(%dma_start3A_153 : memref<10240x64xi32, #tpu.memory_space<hbm>>) target(%dma_start3A_147 : memref<32x64xi32, #tpu.memory_space<vmem>>) offsets(%dma_start3A_150 : memref<32xi32, #tpu.memory_space<vmem>>) semaphore(%dma_start3A_155 : memref<!tpu.dma_semaphore, #tpu.memory_space<semaphore_mem>>)
      %dma_start3A_156 = arith.constant 0 : i32
      %dma_start3A_157 = arith.constant 0 : i32
      %dma_start3A_158 = arith.constant 0 : i32
      %dma_start3A_159 = arith.constant 32 : i32
      %dma_start3A_160 = arith.constant 0 : i32
      %dma_start3A_161 = tpu.memref_slice %arg10[%dma_start3A_157, %dma_start3A_159, %dma_start3A_160] : memref<2x128x64xi32, #tpu.memory_space<vmem>> -> memref<1x32x64xi32, #tpu.memory_space<vmem>>
      %dma_start3A_162 = tpu.memref_squeeze %dma_start3A_161 : memref<1x32x64xi32, #tpu.memory_space<vmem>> -> memref<32x64xi32, #tpu.memory_space<vmem>>
      %dma_start3A_163 = arith.constant 32 : i32
      %dma_start3A_164 = tpu.memref_slice %arg8[%dma_start3A_156, %dma_start3A_163] : memref<2x128xi32, #tpu.memory_space<vmem>> -> memref<1x32xi32, #tpu.memory_space<vmem>>
      %dma_start3A_165 = tpu.memref_squeeze %dma_start3A_164 : memref<1x32xi32, #tpu.memory_space<vmem>> -> memref<32xi32, #tpu.memory_space<vmem>>
      %dma_start3A_166 = arith.constant 0 : i32
      %dma_start3A_167 = arith.constant 0 : i32
      %dma_start3A_168 = tpu.memref_slice %arg2[%dma_start3A_166, %dma_start3A_167] : memref<10240x64xi32, #tpu.memory_space<hbm>> -> memref<10240x64xi32, #tpu.memory_space<hbm>>
      %dma_start3A_169 = tpu.memref_slice %arg14[%dma_start3A_158] : memref<2x!tpu.dma_semaphore, #tpu.memory_space<semaphore_mem>> -> memref<1x!tpu.dma_semaphore, #tpu.memory_space<semaphore_mem>>
      %dma_start3A_170 = tpu.memref_squeeze %dma_start3A_169 : memref<1x!tpu.dma_semaphore, #tpu.memory_space<semaphore_mem>> -> memref<!tpu.dma_semaphore, #tpu.memory_space<semaphore_mem>>
      tpu.enqueue_indirect_dma source(%dma_start3A_168 : memref<10240x64xi32, #tpu.memory_space<hbm>>) target(%dma_start3A_162 : memref<32x64xi32, #tpu.memory_space<vmem>>) offsets(%dma_start3A_165 : memref<32xi32, #tpu.memory_space<vmem>>) semaphore(%dma_start3A_170 : memref<!tpu.dma_semaphore, #tpu.memory_space<semaphore_mem>>)
      %dma_start3A_171 = arith.constant 0 : i32
      %dma_start3A_172 = arith.constant 0 : i32
      %dma_start3A_173 = arith.constant 0 : i32
      %dma_start3A_174 = arith.constant 64 : i32
      %dma_start3A_175 = arith.constant 0 : i32
      %dma_start3A_176 = tpu.memref_slice %arg10[%dma_start3A_172, %dma_start3A_174, %dma_start3A_175] : memref<2x128x64xi32, #tpu.memory_space<vmem>> -> memref<1x32x64xi32, #tpu.memory_space<vmem>>
      %dma_start3A_177 = tpu.memref_squeeze %dma_start3A_176 : memref<1x32x64xi32, #tpu.memory_space<vmem>> -> memref<32x64xi32, #tpu.memory_space<vmem>>
      %dma_start3A_178 = arith.constant 64 : i32
      %dma_start3A_179 = tpu.memref_slice %arg8[%dma_start3A_171, %dma_start3A_178] : memref<2x128xi32, #tpu.memory_space<vmem>> -> memref<1x32xi32, #tpu.memory_space<vmem>>
      %dma_start3A_180 = tpu.memref_squeeze %dma_start3A_179 : memref<1x32xi32, #tpu.memory_space<vmem>> -> memref<32xi32, #tpu.memory_space<vmem>>
      %dma_start3A_181 = arith.constant 0 : i32
      %dma_start3A_182 = arith.constant 0 : i32
      %dma_start3A_183 = tpu.memref_slice %arg2[%dma_start3A_181, %dma_start3A_182] : memref<10240x64xi32, #tpu.memory_space<hbm>> -> memref<10240x64xi32, #tpu.memory_space<hbm>>
      %dma_start3A_184 = tpu.memref_slice %arg14[%dma_start3A_173] : memref<2x!tpu.dma_semaphore, #tpu.memory_space<semaphore_mem>> -> memref<1x!tpu.dma_semaphore, #tpu.memory_space<semaphore_mem>>
      %dma_start3A_185 = tpu.memref_squeeze %dma_start3A_184 : memref<1x!tpu.dma_semaphore, #tpu.memory_space<semaphore_mem>> -> memref<!tpu.dma_semaphore, #tpu.memory_space<semaphore_mem>>
      tpu.enqueue_indirect_dma source(%dma_start3A_183 : memref<10240x64xi32, #tpu.memory_space<hbm>>) target(%dma_start3A_177 : memref<32x64xi32, #tpu.memory_space<vmem>>) offsets(%dma_start3A_180 : memref<32xi32, #tpu.memory_space<vmem>>) semaphore(%dma_start3A_185 : memref<!tpu.dma_semaphore, #tpu.memory_space<semaphore_mem>>)
      %dma_start3A_186 = arith.constant 0 : i32
      %dma_start3A_187 = arith.constant 0 : i32
      %dma_start3A_188 = arith.constant 0 : i32
      %dma_start3A_189 = arith.constant 96 : i32
      %dma_start3A_190 = arith.constant 0 : i32
      %dma_start3A_191 = tpu.memref_slice %arg10[%dma_start3A_187, %dma_start3A_189, %dma_start3A_190] : memref<2x128x64xi32, #tpu.memory_space<vmem>> -> memref<1x32x64xi32, #tpu.memory_space<vmem>>
      %dma_start3A_192 = tpu.memref_squeeze %dma_start3A_191 : memref<1x32x64xi32, #tpu.memory_space<vmem>> -> memref<32x64xi32, #tpu.memory_space<vmem>>
      %dma_start3A_193 = arith.constant 96 : i32
      %dma_start3A_194 = tpu.memref_slice %arg8[%dma_start3A_186, %dma_start3A_193] : memref<2x128xi32, #tpu.memory_space<vmem>> -> memref<1x32xi32, #tpu.memory_space<vmem>>
      %dma_start3A_195 = tpu.memref_squeeze %dma_start3A_194 : memref<1x32xi32, #tpu.memory_space<vmem>> -> memref<32xi32, #tpu.memory_space<vmem>>
      %dma_start3A_196 = arith.constant 0 : i32
      %dma_start3A_197 = arith.constant 0 : i32
      %dma_start3A_198 = tpu.memref_slice %arg2[%dma_start3A_196, %dma_start3A_197] : memref<10240x64xi32, #tpu.memory_space<hbm>> -> memref<10240x64xi32, #tpu.memory_space<hbm>>
      %dma_start3A_199 = tpu.memref_slice %arg14[%dma_start3A_188] : memref<2x!tpu.dma_semaphore, #tpu.memory_space<semaphore_mem>> -> memref<1x!tpu.dma_semaphore, #tpu.memory_space<semaphore_mem>>
      %dma_start3A_200 = tpu.memref_squeeze %dma_start3A_199 : memref<1x!tpu.dma_semaphore, #tpu.memory_space<semaphore_mem>> -> memref<!tpu.dma_semaphore, #tpu.memory_space<semaphore_mem>>
      tpu.enqueue_indirect_dma source(%dma_start3A_198 : memref<10240x64xi32, #tpu.memory_space<hbm>>) target(%dma_start3A_192 : memref<32x64xi32, #tpu.memory_space<vmem>>) offsets(%dma_start3A_195 : memref<32xi32, #tpu.memory_space<vmem>>) semaphore(%dma_start3A_200 : memref<!tpu.dma_semaphore, #tpu.memory_space<semaphore_mem>>)
      %add3A_201 = arith.constant 1 : i32
      %add3A_202 = arith.addi %mul3A_119, %add3A_201 : i32
      %gt3A_203 = arith.constant 0 : i32
      %gt3A_204 = arith.cmpi sgt, %scan3A_117, %gt3A_203 : i32
      %convert_element_type3A_205 = arith.extui %gt3A_204 : i1 to i32
      %cond3A_206 = arith.constant 0 : i32
      %cond3A_207 = arith.cmpi ne, %convert_element_type3A_205, %cond3A_206 : i32
      scf.if %cond3A_207 {
        %dma_wait3A_502 = arith.constant 1 : i32
        %dma_wait3A_503 = arith.constant 1 : i32
        %dma_wait3A_504 = arith.constant 1 : i32
        %dma_wait3A_505 = arith.constant 0 : i32
        %dma_wait3A_506 = arith.constant 0 : i32
        %dma_wait3A_507 = tpu.memref_slice %arg11[%dma_wait3A_502, %dma_wait3A_505, %dma_wait3A_506] : memref<2x128x128xf32, #tpu.memory_space<vmem>> -> memref<1x128x128xf32, #tpu.memory_space<vmem>>
        %dma_wait3A_508 = tpu.memref_squeeze %dma_wait3A_507 : memref<1x128x128xf32, #tpu.memory_space<vmem>> -> memref<128x128xf32, #tpu.memory_space<vmem>>
        %dma_wait3A_509 = arith.constant 0 : i32
        %dma_wait3A_510 = tpu.memref_slice %arg9[%dma_wait3A_503, %dma_wait3A_509] : memref<2x128xi32, #tpu.memory_space<vmem>> -> memref<1x128xi32, #tpu.memory_space<vmem>>
        %dma_wait3A_511 = tpu.memref_squeeze %dma_wait3A_510 : memref<1x128xi32, #tpu.memory_space<vmem>> -> memref<128xi32, #tpu.memory_space<vmem>>
        %dma_wait3A_512 = arith.constant 0 : i32
        %dma_wait3A_513 = arith.constant 0 : i32
        %dma_wait3A_514 = tpu.memref_slice %arg7[%dma_wait3A_512, %dma_wait3A_513] : memref<10112x128xf32, #tpu.memory_space<vmem_shared>> -> memref<10112x128xf32, #tpu.memory_space<vmem_shared>>
        %dma_wait3A_515 = tpu.memref_slice %arg15[%dma_wait3A_504] : memref<2x!tpu.dma_semaphore, #tpu.memory_space<semaphore_mem>> -> memref<1x!tpu.dma_semaphore, #tpu.memory_space<semaphore_mem>>
        %dma_wait3A_516 = tpu.memref_squeeze %dma_wait3A_515 : memref<1x!tpu.dma_semaphore, #tpu.memory_space<semaphore_mem>> -> memref<!tpu.dma_semaphore, #tpu.memory_space<semaphore_mem>>
        tpu.wait_indirect_dma semaphore(%dma_wait3A_516 : memref<!tpu.dma_semaphore, #tpu.memory_space<semaphore_mem>>) src(%dma_wait3A_508 : memref<128x128xf32, #tpu.memory_space<vmem>>) dst(%dma_wait3A_514 : memref<10112x128xf32, #tpu.memory_space<vmem_shared>>)
        %add3A_517 = arith.addi %mul3A_6, %add3A_202 : i32
        %dma_start3A_518 = arith.constant 1 : i32
        %dma_start3A_519 = arith.constant 1 : i32
        %dma_start3A_520 = arith.constant 0 : i32
        %dma_start3A_521 = tpu.memref_slice %arg9[%dma_start3A_518, %dma_start3A_520] : memref<2x128xi32, #tpu.memory_space<vmem>> -> memref<1x128xi32, #tpu.memory_space<vmem>>
        %dma_start3A_522 = tpu.memref_squeeze %dma_start3A_521 : memref<1x128xi32, #tpu.memory_space<vmem>> -> memref<128xi32, #tpu.memory_space<vmem>>
        %dma_start3A_523 = arith.constant 0 : i32
        %dma_start3A_524 = tpu.memref_slice %arg5[%add3A_517, %dma_start3A_523] : memref<2560x128xi32, #tpu.memory_space<hbm>> -> memref<1x128xi32, #tpu.memory_space<hbm>>
        %dma_start3A_525 = tpu.memref_squeeze %dma_start3A_524 : memref<1x128xi32, #tpu.memory_space<hbm>> -> memref<128xi32, #tpu.memory_space<hbm>>
        %dma_start3A_526 = tpu.memref_slice %arg13[%dma_start3A_519] : memref<2x!tpu.dma_semaphore, #tpu.memory_space<semaphore_mem>> -> memref<1x!tpu.dma_semaphore, #tpu.memory_space<semaphore_mem>>
        %dma_start3A_527 = tpu.memref_squeeze %dma_start3A_526 : memref<1x!tpu.dma_semaphore, #tpu.memory_space<semaphore_mem>> -> memref<!tpu.dma_semaphore, #tpu.memory_space<semaphore_mem>>
        %dma_start3A_528 = arith.constant 0 : i32
        %dma_start3A_529 = tpu.memref_slice %arg9[%dma_start3A_518, %dma_start3A_528] : memref<2x128xi32, #tpu.memory_space<vmem>> -> memref<1x128xi32, #tpu.memory_space<vmem>>
        %dma_start3A_530 = tpu.memref_squeeze %dma_start3A_529 : memref<1x128xi32, #tpu.memory_space<vmem>> -> memref<128xi32, #tpu.memory_space<vmem>>
        %dma_start3A_531 = arith.constant 0 : i32
        %dma_start3A_532 = tpu.memref_slice %arg5[%add3A_517, %dma_start3A_531] : memref<2560x128xi32, #tpu.memory_space<hbm>> -> memref<1x128xi32, #tpu.memory_space<hbm>>
        %dma_start3A_533 = tpu.memref_squeeze %dma_start3A_532 : memref<1x128xi32, #tpu.memory_space<hbm>> -> memref<128xi32, #tpu.memory_space<hbm>>
        tpu.enqueue_dma source(%dma_start3A_533 : memref<128xi32, #tpu.memory_space<hbm>>) target(%dma_start3A_530 : memref<128xi32, #tpu.memory_space<vmem>>) target_semaphore(%dma_start3A_527 : memref<!tpu.dma_semaphore, #tpu.memory_space<semaphore_mem>>)
      } else {
      }
      %add3A_208 = arith.addi %mul3A_6, %add3A_202 : i32
      %dma_wait3A_209 = arith.constant 1 : i32
      %dma_wait3A_210 = arith.constant 1 : i32
      %dma_wait3A_211 = arith.constant 0 : i32
      %dma_wait3A_212 = tpu.memref_slice %arg8[%dma_wait3A_209, %dma_wait3A_211] : memref<2x128xi32, #tpu.memory_space<vmem>> -> memref<1x128xi32, #tpu.memory_space<vmem>>
      %dma_wait3A_213 = tpu.memref_squeeze %dma_wait3A_212 : memref<1x128xi32, #tpu.memory_space<vmem>> -> memref<128xi32, #tpu.memory_space<vmem>>
      %dma_wait3A_214 = arith.constant 0 : i32
      %dma_wait3A_215 = tpu.memref_slice %arg4[%add3A_208, %dma_wait3A_214] : memref<2560x128xi32, #tpu.memory_space<hbm>> -> memref<1x128xi32, #tpu.memory_space<hbm>>
      %dma_wait3A_216 = tpu.memref_squeeze %dma_wait3A_215 : memref<1x128xi32, #tpu.memory_space<hbm>> -> memref<128xi32, #tpu.memory_space<hbm>>
      %dma_wait3A_217 = tpu.memref_slice %arg12[%dma_wait3A_210] : memref<2x!tpu.dma_semaphore, #tpu.memory_space<semaphore_mem>> -> memref<1x!tpu.dma_semaphore, #tpu.memory_space<semaphore_mem>>
      %dma_wait3A_218 = tpu.memref_squeeze %dma_wait3A_217 : memref<1x!tpu.dma_semaphore, #tpu.memory_space<semaphore_mem>> -> memref<!tpu.dma_semaphore, #tpu.memory_space<semaphore_mem>>
      %dma_wait3A_219 = arith.constant 0 : i32
      %dma_wait3A_220 = tpu.memref_slice %arg8[%dma_wait3A_209, %dma_wait3A_219] : memref<2x128xi32, #tpu.memory_space<vmem>> -> memref<1x128xi32, #tpu.memory_space<vmem>>
      %dma_wait3A_221 = tpu.memref_squeeze %dma_wait3A_220 : memref<1x128xi32, #tpu.memory_space<vmem>> -> memref<128xi32, #tpu.memory_space<vmem>>
      %dma_wait3A_222 = arith.constant 0 : i32
      %dma_wait3A_223 = tpu.memref_slice %arg4[%add3A_208, %dma_wait3A_222] : memref<2560x128xi32, #tpu.memory_space<hbm>> -> memref<1x128xi32, #tpu.memory_space<hbm>>
      %dma_wait3A_224 = tpu.memref_squeeze %dma_wait3A_223 : memref<1x128xi32, #tpu.memory_space<hbm>> -> memref<128xi32, #tpu.memory_space<hbm>>
      tpu.wait_dma2 semaphore(%dma_wait3A_218 : memref<!tpu.dma_semaphore, #tpu.memory_space<semaphore_mem>>) src(%dma_wait3A_224 : memref<128xi32, #tpu.memory_space<hbm>>) dst(%dma_wait3A_221 : memref<128xi32, #tpu.memory_space<vmem>>)
      %dma_start3A_225 = arith.constant 1 : i32
      %dma_start3A_226 = arith.constant 1 : i32
      %dma_start3A_227 = arith.constant 1 : i32
      %dma_start3A_228 = arith.constant 0 : i32
      %dma_start3A_229 = arith.constant 0 : i32
      %dma_start3A_230 = tpu.memref_slice %arg10[%dma_start3A_226, %dma_start3A_228, %dma_start3A_229] : memref<2x128x64xi32, #tpu.memory_space<vmem>> -> memref<1x32x64xi32, #tpu.memory_space<vmem>>
      %dma_start3A_231 = tpu.memref_squeeze %dma_start3A_230 : memref<1x32x64xi32, #tpu.memory_space<vmem>> -> memref<32x64xi32, #tpu.memory_space<vmem>>
      %dma_start3A_232 = arith.constant 0 : i32
      %dma_start3A_233 = tpu.memref_slice %arg8[%dma_start3A_225, %dma_start3A_232] : memref<2x128xi32, #tpu.memory_space<vmem>> -> memref<1x32xi32, #tpu.memory_space<vmem>>
      %dma_start3A_234 = tpu.memref_squeeze %dma_start3A_233 : memref<1x32xi32, #tpu.memory_space<vmem>> -> memref<32xi32, #tpu.memory_space<vmem>>
      %dma_start3A_235 = arith.constant 0 : i32
      %dma_start3A_236 = arith.constant 0 : i32
      %dma_start3A_237 = tpu.memref_slice %arg2[%dma_start3A_235, %dma_start3A_236] : memref<10240x64xi32, #tpu.memory_space<hbm>> -> memref<10240x64xi32, #tpu.memory_space<hbm>>
      %dma_start3A_238 = tpu.memref_slice %arg14[%dma_start3A_227] : memref<2x!tpu.dma_semaphore, #tpu.memory_space<semaphore_mem>> -> memref<1x!tpu.dma_semaphore, #tpu.memory_space<semaphore_mem>>
      %dma_start3A_239 = tpu.memref_squeeze %dma_start3A_238 : memref<1x!tpu.dma_semaphore, #tpu.memory_space<semaphore_mem>> -> memref<!tpu.dma_semaphore, #tpu.memory_space<semaphore_mem>>
      tpu.enqueue_indirect_dma source(%dma_start3A_237 : memref<10240x64xi32, #tpu.memory_space<hbm>>) target(%dma_start3A_231 : memref<32x64xi32, #tpu.memory_space<vmem>>) offsets(%dma_start3A_234 : memref<32xi32, #tpu.memory_space<vmem>>) semaphore(%dma_start3A_239 : memref<!tpu.dma_semaphore, #tpu.memory_space<semaphore_mem>>)
      %dma_start3A_240 = arith.constant 1 : i32
      %dma_start3A_241 = arith.constant 1 : i32
      %dma_start3A_242 = arith.constant 1 : i32
      %dma_start3A_243 = arith.constant 32 : i32
      %dma_start3A_244 = arith.constant 0 : i32
      %dma_start3A_245 = tpu.memref_slice %arg10[%dma_start3A_241, %dma_start3A_243, %dma_start3A_244] : memref<2x128x64xi32, #tpu.memory_space<vmem>> -> memref<1x32x64xi32, #tpu.memory_space<vmem>>
      %dma_start3A_246 = tpu.memref_squeeze %dma_start3A_245 : memref<1x32x64xi32, #tpu.memory_space<vmem>> -> memref<32x64xi32, #tpu.memory_space<vmem>>
      %dma_start3A_247 = arith.constant 32 : i32
      %dma_start3A_248 = tpu.memref_slice %arg8[%dma_start3A_240, %dma_start3A_247] : memref<2x128xi32, #tpu.memory_space<vmem>> -> memref<1x32xi32, #tpu.memory_space<vmem>>
      %dma_start3A_249 = tpu.memref_squeeze %dma_start3A_248 : memref<1x32xi32, #tpu.memory_space<vmem>> -> memref<32xi32, #tpu.memory_space<vmem>>
      %dma_start3A_250 = arith.constant 0 : i32
      %dma_start3A_251 = arith.constant 0 : i32
      %dma_start3A_252 = tpu.memref_slice %arg2[%dma_start3A_250, %dma_start3A_251] : memref<10240x64xi32, #tpu.memory_space<hbm>> -> memref<10240x64xi32, #tpu.memory_space<hbm>>
      %dma_start3A_253 = tpu.memref_slice %arg14[%dma_start3A_242] : memref<2x!tpu.dma_semaphore, #tpu.memory_space<semaphore_mem>> -> memref<1x!tpu.dma_semaphore, #tpu.memory_space<semaphore_mem>>
      %dma_start3A_254 = tpu.memref_squeeze %dma_start3A_253 : memref<1x!tpu.dma_semaphore, #tpu.memory_space<semaphore_mem>> -> memref<!tpu.dma_semaphore, #tpu.memory_space<semaphore_mem>>
      tpu.enqueue_indirect_dma source(%dma_start3A_252 : memref<10240x64xi32, #tpu.memory_space<hbm>>) target(%dma_start3A_246 : memref<32x64xi32, #tpu.memory_space<vmem>>) offsets(%dma_start3A_249 : memref<32xi32, #tpu.memory_space<vmem>>) semaphore(%dma_start3A_254 : memref<!tpu.dma_semaphore, #tpu.memory_space<semaphore_mem>>)
      %dma_start3A_255 = arith.constant 1 : i32
      %dma_start3A_256 = arith.constant 1 : i32
      %dma_start3A_257 = arith.constant 1 : i32
      %dma_start3A_258 = arith.constant 64 : i32
      %dma_start3A_259 = arith.constant 0 : i32
      %dma_start3A_260 = tpu.memref_slice %arg10[%dma_start3A_256, %dma_start3A_258, %dma_start3A_259] : memref<2x128x64xi32, #tpu.memory_space<vmem>> -> memref<1x32x64xi32, #tpu.memory_space<vmem>>
      %dma_start3A_261 = tpu.memref_squeeze %dma_start3A_260 : memref<1x32x64xi32, #tpu.memory_space<vmem>> -> memref<32x64xi32, #tpu.memory_space<vmem>>
      %dma_start3A_262 = arith.constant 64 : i32
      %dma_start3A_263 = tpu.memref_slice %arg8[%dma_start3A_255, %dma_start3A_262] : memref<2x128xi32, #tpu.memory_space<vmem>> -> memref<1x32xi32, #tpu.memory_space<vmem>>
      %dma_start3A_264 = tpu.memref_squeeze %dma_start3A_263 : memref<1x32xi32, #tpu.memory_space<vmem>> -> memref<32xi32, #tpu.memory_space<vmem>>
      %dma_start3A_265 = arith.constant 0 : i32
      %dma_start3A_266 = arith.constant 0 : i32
      %dma_start3A_267 = tpu.memref_slice %arg2[%dma_start3A_265, %dma_start3A_266] : memref<10240x64xi32, #tpu.memory_space<hbm>> -> memref<10240x64xi32, #tpu.memory_space<hbm>>
      %dma_start3A_268 = tpu.memref_slice %arg14[%dma_start3A_257] : memref<2x!tpu.dma_semaphore, #tpu.memory_space<semaphore_mem>> -> memref<1x!tpu.dma_semaphore, #tpu.memory_space<semaphore_mem>>
      %dma_start3A_269 = tpu.memref_squeeze %dma_start3A_268 : memref<1x!tpu.dma_semaphore, #tpu.memory_space<semaphore_mem>> -> memref<!tpu.dma_semaphore, #tpu.memory_space<semaphore_mem>>
      tpu.enqueue_indirect_dma source(%dma_start3A_267 : memref<10240x64xi32, #tpu.memory_space<hbm>>) target(%dma_start3A_261 : memref<32x64xi32, #tpu.memory_space<vmem>>) offsets(%dma_start3A_264 : memref<32xi32, #tpu.memory_space<vmem>>) semaphore(%dma_start3A_269 : memref<!tpu.dma_semaphore, #tpu.memory_space<semaphore_mem>>)
      %dma_start3A_270 = arith.constant 1 : i32
      %dma_start3A_271 = arith.constant 1 : i32
      %dma_start3A_272 = arith.constant 1 : i32
      %dma_start3A_273 = arith.constant 96 : i32
      %dma_start3A_274 = arith.constant 0 : i32
      %dma_start3A_275 = tpu.memref_slice %arg10[%dma_start3A_271, %dma_start3A_273, %dma_start3A_274] : memref<2x128x64xi32, #tpu.memory_space<vmem>> -> memref<1x32x64xi32, #tpu.memory_space<vmem>>
      %dma_start3A_276 = tpu.memref_squeeze %dma_start3A_275 : memref<1x32x64xi32, #tpu.memory_space<vmem>> -> memref<32x64xi32, #tpu.memory_space<vmem>>
      %dma_start3A_277 = arith.constant 96 : i32
      %dma_start3A_278 = tpu.memref_slice %arg8[%dma_start3A_270, %dma_start3A_277] : memref<2x128xi32, #tpu.memory_space<vmem>> -> memref<1x32xi32, #tpu.memory_space<vmem>>
      %dma_start3A_279 = tpu.memref_squeeze %dma_start3A_278 : memref<1x32xi32, #tpu.memory_space<vmem>> -> memref<32xi32, #tpu.memory_space<vmem>>
      %dma_start3A_280 = arith.constant 0 : i32
      %dma_start3A_281 = arith.constant 0 : i32
      %dma_start3A_282 = tpu.memref_slice %arg2[%dma_start3A_280, %dma_start3A_281] : memref<10240x64xi32, #tpu.memory_space<hbm>> -> memref<10240x64xi32, #tpu.memory_space<hbm>>
      %dma_start3A_283 = tpu.memref_slice %arg14[%dma_start3A_272] : memref<2x!tpu.dma_semaphore, #tpu.memory_space<semaphore_mem>> -> memref<1x!tpu.dma_semaphore, #tpu.memory_space<semaphore_mem>>
      %dma_start3A_284 = tpu.memref_squeeze %dma_start3A_283 : memref<1x!tpu.dma_semaphore, #tpu.memory_space<semaphore_mem>> -> memref<!tpu.dma_semaphore, #tpu.memory_space<semaphore_mem>>
      tpu.enqueue_indirect_dma source(%dma_start3A_282 : memref<10240x64xi32, #tpu.memory_space<hbm>>) target(%dma_start3A_276 : memref<32x64xi32, #tpu.memory_space<vmem>>) offsets(%dma_start3A_279 : memref<32xi32, #tpu.memory_space<vmem>>) semaphore(%dma_start3A_284 : memref<!tpu.dma_semaphore, #tpu.memory_space<semaphore_mem>>)
      %add3A_285 = arith.constant 0 : i32
      %add3A_286 = arith.addi %mul3A_119, %add3A_285 : i32
      %add3A_287 = arith.addi %mul3A_6, %add3A_286 : i32
      %dma_wait3A_288 = arith.constant 0 : i32
      %dma_wait3A_289 = arith.constant 0 : i32
      %dma_wait3A_290 = arith.constant 0 : i32
      %dma_wait3A_291 = tpu.memref_slice %arg9[%dma_wait3A_288, %dma_wait3A_290] : memref<2x128xi32, #tpu.memory_space<vmem>> -> memref<1x128xi32, #tpu.memory_space<vmem>>
      %dma_wait3A_292 = tpu.memref_squeeze %dma_wait3A_291 : memref<1x128xi32, #tpu.memory_space<vmem>> -> memref<128xi32, #tpu.memory_space<vmem>>
      %dma_wait3A_293 = arith.constant 0 : i32
      %dma_wait3A_294 = tpu.memref_slice %arg5[%add3A_287, %dma_wait3A_293] : memref<2560x128xi32, #tpu.memory_space<hbm>> -> memref<1x128xi32, #tpu.memory_space<hbm>>
      %dma_wait3A_295 = tpu.memref_squeeze %dma_wait3A_294 : memref<1x128xi32, #tpu.memory_space<hbm>> -> memref<128xi32, #tpu.memory_space<hbm>>
      %dma_wait3A_296 = tpu.memref_slice %arg13[%dma_wait3A_289] : memref<2x!tpu.dma_semaphore, #tpu.memory_space<semaphore_mem>> -> memref<1x!tpu.dma_semaphore, #tpu.memory_space<semaphore_mem>>
      %dma_wait3A_297 = tpu.memref_squeeze %dma_wait3A_296 : memref<1x!tpu.dma_semaphore, #tpu.memory_space<semaphore_mem>> -> memref<!tpu.dma_semaphore, #tpu.memory_space<semaphore_mem>>
      %dma_wait3A_298 = arith.constant 0 : i32
      %dma_wait3A_299 = tpu.memref_slice %arg9[%dma_wait3A_288, %dma_wait3A_298] : memref<2x128xi32, #tpu.memory_space<vmem>> -> memref<1x128xi32, #tpu.memory_space<vmem>>
      %dma_wait3A_300 = tpu.memref_squeeze %dma_wait3A_299 : memref<1x128xi32, #tpu.memory_space<vmem>> -> memref<128xi32, #tpu.memory_space<vmem>>
      %dma_wait3A_301 = arith.constant 0 : i32
      %dma_wait3A_302 = tpu.memref_slice %arg5[%add3A_287, %dma_wait3A_301] : memref<2560x128xi32, #tpu.memory_space<hbm>> -> memref<1x128xi32, #tpu.memory_space<hbm>>
      %dma_wait3A_303 = tpu.memref_squeeze %dma_wait3A_302 : memref<1x128xi32, #tpu.memory_space<hbm>> -> memref<128xi32, #tpu.memory_space<hbm>>
      tpu.wait_dma2 semaphore(%dma_wait3A_297 : memref<!tpu.dma_semaphore, #tpu.memory_space<semaphore_mem>>) src(%dma_wait3A_303 : memref<128xi32, #tpu.memory_space<hbm>>) dst(%dma_wait3A_300 : memref<128xi32, #tpu.memory_space<vmem>>)
      %dma_wait3A_304 = arith.constant 0 : i32
      %dma_wait3A_305 = arith.constant 0 : i32
      %dma_wait3A_306 = arith.constant 0 : i32
      %dma_wait3A_307 = arith.constant 0 : i32
      %dma_wait3A_308 = arith.constant 0 : i32
      %dma_wait3A_309 = tpu.memref_slice %arg10[%dma_wait3A_305, %dma_wait3A_307, %dma_wait3A_308] : memref<2x128x64xi32, #tpu.memory_space<vmem>> -> memref<1x32x64xi32, #tpu.memory_space<vmem>>
      %dma_wait3A_310 = tpu.memref_squeeze %dma_wait3A_309 : memref<1x32x64xi32, #tpu.memory_space<vmem>> -> memref<32x64xi32, #tpu.memory_space<vmem>>
      %dma_wait3A_311 = arith.constant 0 : i32
      %dma_wait3A_312 = tpu.memref_slice %arg8[%dma_wait3A_304, %dma_wait3A_311] : memref<2x128xi32, #tpu.memory_space<vmem>> -> memref<1x32xi32, #tpu.memory_space<vmem>>
      %dma_wait3A_313 = tpu.memref_squeeze %dma_wait3A_312 : memref<1x32xi32, #tpu.memory_space<vmem>> -> memref<32xi32, #tpu.memory_space<vmem>>
      %dma_wait3A_314 = arith.constant 0 : i32
      %dma_wait3A_315 = arith.constant 0 : i32
      %dma_wait3A_316 = tpu.memref_slice %arg2[%dma_wait3A_314, %dma_wait3A_315] : memref<10240x64xi32, #tpu.memory_space<hbm>> -> memref<10240x64xi32, #tpu.memory_space<hbm>>
      %dma_wait3A_317 = tpu.memref_slice %arg14[%dma_wait3A_306] : memref<2x!tpu.dma_semaphore, #tpu.memory_space<semaphore_mem>> -> memref<1x!tpu.dma_semaphore, #tpu.memory_space<semaphore_mem>>
      %dma_wait3A_318 = tpu.memref_squeeze %dma_wait3A_317 : memref<1x!tpu.dma_semaphore, #tpu.memory_space<semaphore_mem>> -> memref<!tpu.dma_semaphore, #tpu.memory_space<semaphore_mem>>
      tpu.wait_indirect_dma semaphore(%dma_wait3A_318 : memref<!tpu.dma_semaphore, #tpu.memory_space<semaphore_mem>>) src(%dma_wait3A_316 : memref<10240x64xi32, #tpu.memory_space<hbm>>) dst(%dma_wait3A_310 : memref<32x64xi32, #tpu.memory_space<vmem>>)
      %dma_wait3A_319 = arith.constant 0 : i32
      %dma_wait3A_320 = arith.constant 0 : i32
      %dma_wait3A_321 = arith.constant 0 : i32
      %dma_wait3A_322 = arith.constant 32 : i32
      %dma_wait3A_323 = arith.constant 0 : i32
      %dma_wait3A_324 = tpu.memref_slice %arg10[%dma_wait3A_320, %dma_wait3A_322, %dma_wait3A_323] : memref<2x128x64xi32, #tpu.memory_space<vmem>> -> memref<1x32x64xi32, #tpu.memory_space<vmem>>
      %dma_wait3A_325 = tpu.memref_squeeze %dma_wait3A_324 : memref<1x32x64xi32, #tpu.memory_space<vmem>> -> memref<32x64xi32, #tpu.memory_space<vmem>>
      %dma_wait3A_326 = arith.constant 32 : i32
      %dma_wait3A_327 = tpu.memref_slice %arg8[%dma_wait3A_319, %dma_wait3A_326] : memref<2x128xi32, #tpu.memory_space<vmem>> -> memref<1x32xi32, #tpu.memory_space<vmem>>
      %dma_wait3A_328 = tpu.memref_squeeze %dma_wait3A_327 : memref<1x32xi32, #tpu.memory_space<vmem>> -> memref<32xi32, #tpu.memory_space<vmem>>
      %dma_wait3A_329 = arith.constant 0 : i32
      %dma_wait3A_330 = arith.constant 0 : i32
      %dma_wait3A_331 = tpu.memref_slice %arg2[%dma_wait3A_329, %dma_wait3A_330] : memref<10240x64xi32, #tpu.memory_space<hbm>> -> memref<10240x64xi32, #tpu.memory_space<hbm>>
      %dma_wait3A_332 = tpu.memref_slice %arg14[%dma_wait3A_321] : memref<2x!tpu.dma_semaphore, #tpu.memory_space<semaphore_mem>> -> memref<1x!tpu.dma_semaphore, #tpu.memory_space<semaphore_mem>>
      %dma_wait3A_333 = tpu.memref_squeeze %dma_wait3A_332 : memref<1x!tpu.dma_semaphore, #tpu.memory_space<semaphore_mem>> -> memref<!tpu.dma_semaphore, #tpu.memory_space<semaphore_mem>>
      tpu.wait_indirect_dma semaphore(%dma_wait3A_333 : memref<!tpu.dma_semaphore, #tpu.memory_space<semaphore_mem>>) src(%dma_wait3A_331 : memref<10240x64xi32, #tpu.memory_space<hbm>>) dst(%dma_wait3A_325 : memref<32x64xi32, #tpu.memory_space<vmem>>)
      %dma_wait3A_334 = arith.constant 0 : i32
      %dma_wait3A_335 = arith.constant 0 : i32
      %dma_wait3A_336 = arith.constant 0 : i32
      %dma_wait3A_337 = arith.constant 64 : i32
      %dma_wait3A_338 = arith.constant 0 : i32
      %dma_wait3A_339 = tpu.memref_slice %arg10[%dma_wait3A_335, %dma_wait3A_337, %dma_wait3A_338] : memref<2x128x64xi32, #tpu.memory_space<vmem>> -> memref<1x32x64xi32, #tpu.memory_space<vmem>>
      %dma_wait3A_340 = tpu.memref_squeeze %dma_wait3A_339 : memref<1x32x64xi32, #tpu.memory_space<vmem>> -> memref<32x64xi32, #tpu.memory_space<vmem>>
      %dma_wait3A_341 = arith.constant 64 : i32
      %dma_wait3A_342 = tpu.memref_slice %arg8[%dma_wait3A_334, %dma_wait3A_341] : memref<2x128xi32, #tpu.memory_space<vmem>> -> memref<1x32xi32, #tpu.memory_space<vmem>>
      %dma_wait3A_343 = tpu.memref_squeeze %dma_wait3A_342 : memref<1x32xi32, #tpu.memory_space<vmem>> -> memref<32xi32, #tpu.memory_space<vmem>>
      %dma_wait3A_344 = arith.constant 0 : i32
      %dma_wait3A_345 = arith.constant 0 : i32
      %dma_wait3A_346 = tpu.memref_slice %arg2[%dma_wait3A_344, %dma_wait3A_345] : memref<10240x64xi32, #tpu.memory_space<hbm>> -> memref<10240x64xi32, #tpu.memory_space<hbm>>
      %dma_wait3A_347 = tpu.memref_slice %arg14[%dma_wait3A_336] : memref<2x!tpu.dma_semaphore, #tpu.memory_space<semaphore_mem>> -> memref<1x!tpu.dma_semaphore, #tpu.memory_space<semaphore_mem>>
      %dma_wait3A_348 = tpu.memref_squeeze %dma_wait3A_347 : memref<1x!tpu.dma_semaphore, #tpu.memory_space<semaphore_mem>> -> memref<!tpu.dma_semaphore, #tpu.memory_space<semaphore_mem>>
      tpu.wait_indirect_dma semaphore(%dma_wait3A_348 : memref<!tpu.dma_semaphore, #tpu.memory_space<semaphore_mem>>) src(%dma_wait3A_346 : memref<10240x64xi32, #tpu.memory_space<hbm>>) dst(%dma_wait3A_340 : memref<32x64xi32, #tpu.memory_space<vmem>>)
      %dma_wait3A_349 = arith.constant 0 : i32
      %dma_wait3A_350 = arith.constant 0 : i32
      %dma_wait3A_351 = arith.constant 0 : i32
      %dma_wait3A_352 = arith.constant 96 : i32
      %dma_wait3A_353 = arith.constant 0 : i32
      %dma_wait3A_354 = tpu.memref_slice %arg10[%dma_wait3A_350, %dma_wait3A_352, %dma_wait3A_353] : memref<2x128x64xi32, #tpu.memory_space<vmem>> -> memref<1x32x64xi32, #tpu.memory_space<vmem>>
      %dma_wait3A_355 = tpu.memref_squeeze %dma_wait3A_354 : memref<1x32x64xi32, #tpu.memory_space<vmem>> -> memref<32x64xi32, #tpu.memory_space<vmem>>
      %dma_wait3A_356 = arith.constant 96 : i32
      %dma_wait3A_357 = tpu.memref_slice %arg8[%dma_wait3A_349, %dma_wait3A_356] : memref<2x128xi32, #tpu.memory_space<vmem>> -> memref<1x32xi32, #tpu.memory_space<vmem>>
      %dma_wait3A_358 = tpu.memref_squeeze %dma_wait3A_357 : memref<1x32xi32, #tpu.memory_space<vmem>> -> memref<32xi32, #tpu.memory_space<vmem>>
      %dma_wait3A_359 = arith.constant 0 : i32
      %dma_wait3A_360 = arith.constant 0 : i32
      %dma_wait3A_361 = tpu.memref_slice %arg2[%dma_wait3A_359, %dma_wait3A_360] : memref<10240x64xi32, #tpu.memory_space<hbm>> -> memref<10240x64xi32, #tpu.memory_space<hbm>>
      %dma_wait3A_362 = tpu.memref_slice %arg14[%dma_wait3A_351] : memref<2x!tpu.dma_semaphore, #tpu.memory_space<semaphore_mem>> -> memref<1x!tpu.dma_semaphore, #tpu.memory_space<semaphore_mem>>
      %dma_wait3A_363 = tpu.memref_squeeze %dma_wait3A_362 : memref<1x!tpu.dma_semaphore, #tpu.memory_space<semaphore_mem>> -> memref<!tpu.dma_semaphore, #tpu.memory_space<semaphore_mem>>
      tpu.wait_indirect_dma semaphore(%dma_wait3A_363 : memref<!tpu.dma_semaphore, #tpu.memory_space<semaphore_mem>>) src(%dma_wait3A_361 : memref<10240x64xi32, #tpu.memory_space<hbm>>) dst(%dma_wait3A_355 : memref<32x64xi32, #tpu.memory_space<vmem>>)
      %scan3A_364 = arith.constant 0 : i32
      %scan3A_365 = arith.constant 0 : i32
      %scan3A_366 = arith.constant 0 : i32
      %scan3A_367 = arith.constant 0 : i32
      %scan3A_368 = arith.constant 128 : i32
      %scan3A_369 = arith.addi %scan3A_367, %scan3A_368 : i32
      %scan3A_370 = arith.constant 1 : i32
      scf.for %scan3A_502 = %scan3A_367 to %scan3A_369 step %scan3A_370  : i32 {
        %get3A = arith.constant 0 : i32
        %get3A_503 = arith.constant 0 : i32
        %get3A_504 = tpu.memref_slice %arg10[%scan3A_365, %get3A, %get3A_503] : memref<2x128x64xi32, #tpu.memory_space<vmem>> -> memref<1x128x64xi32, #tpu.memory_space<vmem>>
        %get3A_505 = tpu.memref_squeeze %get3A_504 : memref<1x128x64xi32, #tpu.memory_space<vmem>> -> memref<128x64xi32, #tpu.memory_space<vmem>>
        %get3A_506 = arith.index_cast %scan3A_502 : i32 to index
        %get3A_507 = arith.constant 0 : index
        %get3A_508 = tpu.vector_load %get3A_505[%get3A_506, %get3A_507] {strides = array<i32>} : memref<128x64xi32, #tpu.memory_space<vmem>>, vector<16xi32>,
        %shift_left3A = arith.constant 16 : i32
        %shift_left3A_509 = vector.broadcast %shift_left3A : i32 to vector<16xi32>
        %shift_left3A_510 = arith.shli %get3A_508, %shift_left3A_509 : vector<16xi32>
        %bitcast3A = vector.bitcast %shift_left3A_510 : vector<16xi32> to vector<16xf32>
        %and3A = arith.constant -65536 : i32
        %and3A_511 = vector.broadcast %and3A : i32 to vector<16xi32>
        %and3A_512 = arith.andi %get3A_508, %and3A_511 : vector<16xi32>
        %bitcast3A_513 = vector.bitcast %and3A_512 : vector<16xi32> to vector<16xf32>
        %swap3A = arith.constant 0 : i32
        %swap3A_514 = arith.constant 0 : i32
        %swap3A_515 = tpu.memref_slice %arg11[%scan3A_366, %swap3A, %swap3A_514] : memref<2x128x128xf32, #tpu.memory_space<vmem>> -> memref<1x128x128xf32, #tpu.memory_space<vmem>>
        %swap3A_516 = tpu.memref_squeeze %swap3A_515 : memref<1x128x128xf32, #tpu.memory_space<vmem>> -> memref<128x128xf32, #tpu.memory_space<vmem>>
        %swap3A_517 = arith.index_cast %scan3A_502 : i32 to index
        %swap3A_518 = arith.constant 0 : index
        %swap3A_519 = tpu.vector_load %swap3A_516[%swap3A_517, %swap3A_518] {strides = array<i32>} : memref<128x128xf32, #tpu.memory_space<vmem>>, vector<16xf32>,
        tpu.vector_store %swap3A_516[%swap3A_517, %swap3A_518], %bitcast3A {strides = array<i32>} : memref<128x128xf32, #tpu.memory_space<vmem>>, vector<16xf32>,
        %swap3A_520 = arith.constant 0 : i32
        %swap3A_521 = arith.constant 0 : i32
        %swap3A_522 = tpu.memref_slice %arg11[%scan3A_366, %swap3A_520, %swap3A_521] : memref<2x128x128xf32, #tpu.memory_space<vmem>> -> memref<1x128x128xf32, #tpu.memory_space<vmem>>
        %swap3A_523 = tpu.memref_squeeze %swap3A_522 : memref<1x128x128xf32, #tpu.memory_space<vmem>> -> memref<128x128xf32, #tpu.memory_space<vmem>>
        %swap3A_524 = arith.index_cast %scan3A_502 : i32 to index
        %swap3A_525 = arith.constant 64 : index
        %swap3A_526 = tpu.vector_load %swap3A_523[%swap3A_524, %swap3A_525] {strides = array<i32>} : memref<128x128xf32, #tpu.memory_space<vmem>>, vector<16xf32>,
        tpu.vector_store %swap3A_523[%swap3A_524, %swap3A_525], %bitcast3A_513 {strides = array<i32>} : memref<128x128xf32, #tpu.memory_space<vmem>>, vector<16xf32>,
        %get3A_527 = arith.constant 0 : i32
        %get3A_528 = arith.constant 0 : i32
        %get3A_529 = tpu.memref_slice %arg10[%scan3A_365, %get3A_527, %get3A_528] : memref<2x128x64xi32, #tpu.memory_space<vmem>> -> memref<1x128x64xi32, #tpu.memory_space<vmem>>
        %get3A_530 = tpu.memref_squeeze %get3A_529 : memref<1x128x64xi32, #tpu.memory_space<vmem>> -> memref<128x64xi32, #tpu.memory_space<vmem>>
        %get3A_531 = arith.index_cast %scan3A_502 : i32 to index
        %get3A_532 = arith.constant 16 : index
        %get3A_533 = tpu.vector_load %get3A_530[%get3A_531, %get3A_532] {strides = array<i32>} : memref<128x64xi32, #tpu.memory_space<vmem>>, vector<16xi32>,
        %shift_left3A_534 = arith.constant 16 : i32
        %shift_left3A_535 = vector.broadcast %shift_left3A_534 : i32 to vector<16xi32>
        %shift_left3A_536 = arith.shli %get3A_533, %shift_left3A_535 : vector<16xi32>
        %bitcast3A_537 = vector.bitcast %shift_left3A_536 : vector<16xi32> to vector<16xf32>
        %and3A_538 = arith.constant -65536 : i32
        %and3A_539 = vector.broadcast %and3A_538 : i32 to vector<16xi32>
        %and3A_540 = arith.andi %get3A_533, %and3A_539 : vector<16xi32>
        %bitcast3A_541 = vector.bitcast %and3A_540 : vector<16xi32> to vector<16xf32>
        %swap3A_542 = arith.constant 0 : i32
        %swap3A_543 = arith.constant 0 : i32
        %swap3A_544 = tpu.memref_slice %arg11[%scan3A_366, %swap3A_542, %swap3A_543] : memref<2x128x128xf32, #tpu.memory_space<vmem>> -> memref<1x128x128xf32, #tpu.memory_space<vmem>>
        %swap3A_545 = tpu.memref_squeeze %swap3A_544 : memref<1x128x128xf32, #tpu.memory_space<vmem>> -> memref<128x128xf32, #tpu.memory_space<vmem>>
        %swap3A_546 = arith.index_cast %scan3A_502 : i32 to index
        %swap3A_547 = arith.constant 16 : index
        %swap3A_548 = tpu.vector_load %swap3A_545[%swap3A_546, %swap3A_547] {strides = array<i32>} : memref<128x128xf32, #tpu.memory_space<vmem>>, vector<16xf32>,
        tpu.vector_store %swap3A_545[%swap3A_546, %swap3A_547], %bitcast3A_537 {strides = array<i32>} : memref<128x128xf32, #tpu.memory_space<vmem>>, vector<16xf32>,
        %swap3A_549 = arith.constant 0 : i32
        %swap3A_550 = arith.constant 0 : i32
        %swap3A_551 = tpu.memref_slice %arg11[%scan3A_366, %swap3A_549, %swap3A_550] : memref<2x128x128xf32, #tpu.memory_space<vmem>> -> memref<1x128x128xf32, #tpu.memory_space<vmem>>
        %swap3A_552 = tpu.memref_squeeze %swap3A_551 : memref<1x128x128xf32, #tpu.memory_space<vmem>> -> memref<128x128xf32, #tpu.memory_space<vmem>>
        %swap3A_553 = arith.index_cast %scan3A_502 : i32 to index
        %swap3A_554 = arith.constant 80 : index
        %swap3A_555 = tpu.vector_load %swap3A_552[%swap3A_553, %swap3A_554] {strides = array<i32>} : memref<128x128xf32, #tpu.memory_space<vmem>>, vector<16xf32>,
        tpu.vector_store %swap3A_552[%swap3A_553, %swap3A_554], %bitcast3A_541 {strides = array<i32>} : memref<128x128xf32, #tpu.memory_space<vmem>>, vector<16xf32>,
        %get3A_556 = arith.constant 0 : i32
        %get3A_557 = arith.constant 0 : i32
        %get3A_558 = tpu.memref_slice %arg10[%scan3A_365, %get3A_556, %get3A_557] : memref<2x128x64xi32, #tpu.memory_space<vmem>> -> memref<1x128x64xi32, #tpu.memory_space<vmem>>
        %get3A_559 = tpu.memref_squeeze %get3A_558 : memref<1x128x64xi32, #tpu.memory_space<vmem>> -> memref<128x64xi32, #tpu.memory_space<vmem>>
        %get3A_560 = arith.index_cast %scan3A_502 : i32 to index
        %get3A_561 = arith.constant 32 : index
        %get3A_562 = tpu.vector_load %get3A_559[%get3A_560, %get3A_561] {strides = array<i32>} : memref<128x64xi32, #tpu.memory_space<vmem>>, vector<16xi32>,
        %shift_left3A_563 = arith.constant 16 : i32
        %shift_left3A_564 = vector.broadcast %shift_left3A_563 : i32 to vector<16xi32>
        %shift_left3A_565 = arith.shli %get3A_562, %shift_left3A_564 : vector<16xi32>
        %bitcast3A_566 = vector.bitcast %shift_left3A_565 : vector<16xi32> to vector<16xf32>
        %and3A_567 = arith.constant -65536 : i32
        %and3A_568 = vector.broadcast %and3A_567 : i32 to vector<16xi32>
        %and3A_569 = arith.andi %get3A_562, %and3A_568 : vector<16xi32>
        %bitcast3A_570 = vector.bitcast %and3A_569 : vector<16xi32> to vector<16xf32>
        %swap3A_571 = arith.constant 0 : i32
        %swap3A_572 = arith.constant 0 : i32
        %swap3A_573 = tpu.memref_slice %arg11[%scan3A_366, %swap3A_571, %swap3A_572] : memref<2x128x128xf32, #tpu.memory_space<vmem>> -> memref<1x128x128xf32, #tpu.memory_space<vmem>>
        %swap3A_574 = tpu.memref_squeeze %swap3A_573 : memref<1x128x128xf32, #tpu.memory_space<vmem>> -> memref<128x128xf32, #tpu.memory_space<vmem>>
        %swap3A_575 = arith.index_cast %scan3A_502 : i32 to index
        %swap3A_576 = arith.constant 32 : index
        %swap3A_577 = tpu.vector_load %swap3A_574[%swap3A_575, %swap3A_576] {strides = array<i32>} : memref<128x128xf32, #tpu.memory_space<vmem>>, vector<16xf32>,
        tpu.vector_store %swap3A_574[%swap3A_575, %swap3A_576], %bitcast3A_566 {strides = array<i32>} : memref<128x128xf32, #tpu.memory_space<vmem>>, vector<16xf32>,
        %swap3A_578 = arith.constant 0 : i32
        %swap3A_579 = arith.constant 0 : i32
        %swap3A_580 = tpu.memref_slice %arg11[%scan3A_366, %swap3A_578, %swap3A_579] : memref<2x128x128xf32, #tpu.memory_space<vmem>> -> memref<1x128x128xf32, #tpu.memory_space<vmem>>
        %swap3A_581 = tpu.memref_squeeze %swap3A_580 : memref<1x128x128xf32, #tpu.memory_space<vmem>> -> memref<128x128xf32, #tpu.memory_space<vmem>>
        %swap3A_582 = arith.index_cast %scan3A_502 : i32 to index
        %swap3A_583 = arith.constant 96 : index
        %swap3A_584 = tpu.vector_load %swap3A_581[%swap3A_582, %swap3A_583] {strides = array<i32>} : memref<128x128xf32, #tpu.memory_space<vmem>>, vector<16xf32>,
        tpu.vector_store %swap3A_581[%swap3A_582, %swap3A_583], %bitcast3A_570 {strides = array<i32>} : memref<128x128xf32, #tpu.memory_space<vmem>>, vector<16xf32>,
        %get3A_585 = arith.constant 0 : i32
        %get3A_586 = arith.constant 0 : i32
        %get3A_587 = tpu.memref_slice %arg10[%scan3A_365, %get3A_585, %get3A_586] : memref<2x128x64xi32, #tpu.memory_space<vmem>> -> memref<1x128x64xi32, #tpu.memory_space<vmem>>
        %get3A_588 = tpu.memref_squeeze %get3A_587 : memref<1x128x64xi32, #tpu.memory_space<vmem>> -> memref<128x64xi32, #tpu.memory_space<vmem>>
        %get3A_589 = arith.index_cast %scan3A_502 : i32 to index
        %get3A_590 = arith.constant 48 : index
        %get3A_591 = tpu.vector_load %get3A_588[%get3A_589, %get3A_590] {strides = array<i32>} : memref<128x64xi32, #tpu.memory_space<vmem>>, vector<16xi32>,
        %shift_left3A_592 = arith.constant 16 : i32
        %shift_left3A_593 = vector.broadcast %shift_left3A_592 : i32 to vector<16xi32>
        %shift_left3A_594 = arith.shli %get3A_591, %shift_left3A_593 : vector<16xi32>
        %bitcast3A_595 = vector.bitcast %shift_left3A_594 : vector<16xi32> to vector<16xf32>
        %and3A_596 = arith.constant -65536 : i32
        %and3A_597 = vector.broadcast %and3A_596 : i32 to vector<16xi32>
        %and3A_598 = arith.andi %get3A_591, %and3A_597 : vector<16xi32>
        %bitcast3A_599 = vector.bitcast %and3A_598 : vector<16xi32> to vector<16xf32>
        %swap3A_600 = arith.constant 0 : i32
        %swap3A_601 = arith.constant 0 : i32
        %swap3A_602 = tpu.memref_slice %arg11[%scan3A_366, %swap3A_600, %swap3A_601] : memref<2x128x128xf32, #tpu.memory_space<vmem>> -> memref<1x128x128xf32, #tpu.memory_space<vmem>>
        %swap3A_603 = tpu.memref_squeeze %swap3A_602 : memref<1x128x128xf32, #tpu.memory_space<vmem>> -> memref<128x128xf32, #tpu.memory_space<vmem>>
        %swap3A_604 = arith.index_cast %scan3A_502 : i32 to index
        %swap3A_605 = arith.constant 48 : index
        %swap3A_606 = tpu.vector_load %swap3A_603[%swap3A_604, %swap3A_605] {strides = array<i32>} : memref<128x128xf32, #tpu.memory_space<vmem>>, vector<16xf32>,
        tpu.vector_store %swap3A_603[%swap3A_604, %swap3A_605], %bitcast3A_595 {strides = array<i32>} : memref<128x128xf32, #tpu.memory_space<vmem>>, vector<16xf32>,
        %swap3A_607 = arith.constant 0 : i32
        %swap3A_608 = arith.constant 0 : i32
        %swap3A_609 = tpu.memref_slice %arg11[%scan3A_366, %swap3A_607, %swap3A_608] : memref<2x128x128xf32, #tpu.memory_space<vmem>> -> memref<1x128x128xf32, #tpu.memory_space<vmem>>
        %swap3A_610 = tpu.memref_squeeze %swap3A_609 : memref<1x128x128xf32, #tpu.memory_space<vmem>> -> memref<128x128xf32, #tpu.memory_space<vmem>>
        %swap3A_611 = arith.index_cast %scan3A_502 : i32 to index
        %swap3A_612 = arith.constant 112 : index
        %swap3A_613 = tpu.vector_load %swap3A_610[%swap3A_611, %swap3A_612] {strides = array<i32>} : memref<128x128xf32, #tpu.memory_space<vmem>>, vector<16xf32>,
        tpu.vector_store %swap3A_610[%swap3A_611, %swap3A_612], %bitcast3A_599 {strides = array<i32>} : memref<128x128xf32, #tpu.memory_space<vmem>>, vector<16xf32>,
      }
      %scan3A_371 = arith.constant 128 : i32
      %dma_start3A_372 = arith.constant 0 : i32
      %dma_start3A_373 = arith.constant 0 : i32
      %dma_start3A_374 = arith.constant 0 : i32
      %dma_start3A_375 = arith.constant 0 : i32
      %dma_start3A_376 = arith.constant 0 : i32
      %dma_start3A_377 = tpu.memref_slice %arg11[%dma_start3A_372, %dma_start3A_375, %dma_start3A_376] : memref<2x128x128xf32, #tpu.memory_space<vmem>> -> memref<1x128x128xf32, #tpu.memory_space<vmem>>
      %dma_start3A_378 = tpu.memref_squeeze %dma_start3A_377 : memref<1x128x128xf32, #tpu.memory_space<vmem>> -> memref<128x128xf32, #tpu.memory_space<vmem>>
      %dma_start3A_379 = arith.constant 0 : i32
      %dma_start3A_380 = tpu.memref_slice %arg9[%dma_start3A_373, %dma_start3A_379] : memref<2x128xi32, #tpu.memory_space<vmem>> -> memref<1x128xi32, #tpu.memory_space<vmem>>
      %dma_start3A_381 = tpu.memref_squeeze %dma_start3A_380 : memref<1x128xi32, #tpu.memory_space<vmem>> -> memref<128xi32, #tpu.memory_space<vmem>>
      %dma_start3A_382 = arith.constant 0 : i32
      %dma_start3A_383 = arith.constant 0 : i32
      %dma_start3A_384 = tpu.memref_slice %arg7[%dma_start3A_382, %dma_start3A_383] : memref<10112x128xf32, #tpu.memory_space<vmem_shared>> -> memref<10112x128xf32, #tpu.memory_space<vmem_shared>>
      %dma_start3A_385 = tpu.memref_slice %arg15[%dma_start3A_374] : memref<2x!tpu.dma_semaphore, #tpu.memory_space<semaphore_mem>> -> memref<1x!tpu.dma_semaphore, #tpu.memory_space<semaphore_mem>>
      %dma_start3A_386 = tpu.memref_squeeze %dma_start3A_385 : memref<1x!tpu.dma_semaphore, #tpu.memory_space<semaphore_mem>> -> memref<!tpu.dma_semaphore, #tpu.memory_space<semaphore_mem>>
      tpu.enqueue_indirect_dma source(%dma_start3A_378 : memref<128x128xf32, #tpu.memory_space<vmem>>) target(%dma_start3A_384 : memref<10112x128xf32, #tpu.memory_space<vmem_shared>>) offsets(%dma_start3A_381 : memref<128xi32, #tpu.memory_space<vmem>>) semaphore(%dma_start3A_386 : memref<!tpu.dma_semaphore, #tpu.memory_space<semaphore_mem>>) {add = true}
      %add3A_387 = arith.constant 2 : i32
      %add3A_388 = arith.addi %add3A_286, %add3A_387 : i32
      %lt3A = arith.constant 80 : i32
      %lt3A_389 = arith.cmpi slt, %add3A_388, %lt3A : i32
      %convert_element_type3A_390 = arith.extui %lt3A_389 : i1 to i32
      %cond3A_391 = arith.constant 0 : i32
      %cond3A_392 = arith.cmpi ne, %convert_element_type3A_390, %cond3A_391 : i32
      scf.if %cond3A_392 {
        %add3A_502 = arith.addi %mul3A_6, %add3A_286 : i32
        %add3A_503 = arith.constant 2 : i32
        %add3A_504 = arith.addi %add3A_502, %add3A_503 : i32
        %dma_start3A_505 = arith.constant 0 : i32
        %dma_start3A_506 = arith.constant 0 : i32
        %dma_start3A_507 = arith.constant 0 : i32
        %dma_start3A_508 = tpu.memref_slice %arg8[%dma_start3A_505, %dma_start3A_507] : memref<2x128xi32, #tpu.memory_space<vmem>> -> memref<1x128xi32, #tpu.memory_space<vmem>>
        %dma_start3A_509 = tpu.memref_squeeze %dma_start3A_508 : memref<1x128xi32, #tpu.memory_space<vmem>> -> memref<128xi32, #tpu.memory_space<vmem>>
        %dma_start3A_510 = arith.constant 0 : i32
        %dma_start3A_511 = tpu.memref_slice %arg4[%add3A_504, %dma_start3A_510] : memref<2560x128xi32, #tpu.memory_space<hbm>> -> memref<1x128xi32, #tpu.memory_space<hbm>>
        %dma_start3A_512 = tpu.memref_squeeze %dma_start3A_511 : memref<1x128xi32, #tpu.memory_space<hbm>> -> memref<128xi32, #tpu.memory_space<hbm>>
        %dma_start3A_513 = tpu.memref_slice %arg12[%dma_start3A_506] : memref<2x!tpu.dma_semaphore, #tpu.memory_space<semaphore_mem>> -> memref<1x!tpu.dma_semaphore, #tpu.memory_space<semaphore_mem>>
        %dma_start3A_514 = tpu.memref_squeeze %dma_start3A_513 : memref<1x!tpu.dma_semaphore, #tpu.memory_space<semaphore_mem>> -> memref<!tpu.dma_semaphore, #tpu.memory_space<semaphore_mem>>
        %dma_start3A_515 = arith.constant 0 : i32
        %dma_start3A_516 = tpu.memref_slice %arg8[%dma_start3A_505, %dma_start3A_515] : memref<2x128xi32, #tpu.memory_space<vmem>> -> memref<1x128xi32, #tpu.memory_space<vmem>>
        %dma_start3A_517 = tpu.memref_squeeze %dma_start3A_516 : memref<1x128xi32, #tpu.memory_space<vmem>> -> memref<128xi32, #tpu.memory_space<vmem>>
        %dma_start3A_518 = arith.constant 0 : i32
        %dma_start3A_519 = tpu.memref_slice %arg4[%add3A_504, %dma_start3A_518] : memref<2560x128xi32, #tpu.memory_space<hbm>> -> memref<1x128xi32, #tpu.memory_space<hbm>>
        %dma_start3A_520 = tpu.memref_squeeze %dma_start3A_519 : memref<1x128xi32, #tpu.memory_space<hbm>> -> memref<128xi32, #tpu.memory_space<hbm>>
        tpu.enqueue_dma source(%dma_start3A_520 : memref<128xi32, #tpu.memory_space<hbm>>) target(%dma_start3A_517 : memref<128xi32, #tpu.memory_space<vmem>>) target_semaphore(%dma_start3A_514 : memref<!tpu.dma_semaphore, #tpu.memory_space<semaphore_mem>>)
      } else {
      }
      %add3A_393 = arith.constant 1 : i32
      %add3A_394 = arith.addi %mul3A_119, %add3A_393 : i32
      %add3A_395 = arith.addi %mul3A_6, %add3A_394 : i32
      %dma_wait3A_396 = arith.constant 1 : i32
      %dma_wait3A_397 = arith.constant 1 : i32
      %dma_wait3A_398 = arith.constant 0 : i32
      %dma_wait3A_399 = tpu.memref_slice %arg9[%dma_wait3A_396, %dma_wait3A_398] : memref<2x128xi32, #tpu.memory_space<vmem>> -> memref<1x128xi32, #tpu.memory_space<vmem>>
      %dma_wait3A_400 = tpu.memref_squeeze %dma_wait3A_399 : memref<1x128xi32, #tpu.memory_space<vmem>> -> memref<128xi32, #tpu.memory_space<vmem>>
      %dma_wait3A_401 = arith.constant 0 : i32
      %dma_wait3A_402 = tpu.memref_slice %arg5[%add3A_395, %dma_wait3A_401] : memref<2560x128xi32, #tpu.memory_space<hbm>> -> memref<1x128xi32, #tpu.memory_space<hbm>>
      %dma_wait3A_403 = tpu.memref_squeeze %dma_wait3A_402 : memref<1x128xi32, #tpu.memory_space<hbm>> -> memref<128xi32, #tpu.memory_space<hbm>>
      %dma_wait3A_404 = tpu.memref_slice %arg13[%dma_wait3A_397] : memref<2x!tpu.dma_semaphore, #tpu.memory_space<semaphore_mem>> -> memref<1x!tpu.dma_semaphore, #tpu.memory_space<semaphore_mem>>
      %dma_wait3A_405 = tpu.memref_squeeze %dma_wait3A_404 : memref<1x!tpu.dma_semaphore, #tpu.memory_space<semaphore_mem>> -> memref<!tpu.dma_semaphore, #tpu.memory_space<semaphore_mem>>
      %dma_wait3A_406 = arith.constant 0 : i32
      %dma_wait3A_407 = tpu.memref_slice %arg9[%dma_wait3A_396, %dma_wait3A_406] : memref<2x128xi32, #tpu.memory_space<vmem>> -> memref<1x128xi32, #tpu.memory_space<vmem>>
      %dma_wait3A_408 = tpu.memref_squeeze %dma_wait3A_407 : memref<1x128xi32, #tpu.memory_space<vmem>> -> memref<128xi32, #tpu.memory_space<vmem>>
      %dma_wait3A_409 = arith.constant 0 : i32
      %dma_wait3A_410 = tpu.memref_slice %arg5[%add3A_395, %dma_wait3A_409] : memref<2560x128xi32, #tpu.memory_space<hbm>> -> memref<1x128xi32, #tpu.memory_space<hbm>>
      %dma_wait3A_411 = tpu.memref_squeeze %dma_wait3A_410 : memref<1x128xi32, #tpu.memory_space<hbm>> -> memref<128xi32, #tpu.memory_space<hbm>>
      tpu.wait_dma2 semaphore(%dma_wait3A_405 : memref<!tpu.dma_semaphore, #tpu.memory_space<semaphore_mem>>) src(%dma_wait3A_411 : memref<128xi32, #tpu.memory_space<hbm>>) dst(%dma_wait3A_408 : memref<128xi32, #tpu.memory_space<vmem>>)
      %dma_wait3A_412 = arith.constant 1 : i32
      %dma_wait3A_413 = arith.constant 1 : i32
      %dma_wait3A_414 = arith.constant 1 : i32
      %dma_wait3A_415 = arith.constant 0 : i32
      %dma_wait3A_416 = arith.constant 0 : i32
      %dma_wait3A_417 = tpu.memref_slice %arg10[%dma_wait3A_413, %dma_wait3A_415, %dma_wait3A_416] : memref<2x128x64xi32, #tpu.memory_space<vmem>> -> memref<1x32x64xi32, #tpu.memory_space<vmem>>
      %dma_wait3A_418 = tpu.memref_squeeze %dma_wait3A_417 : memref<1x32x64xi32, #tpu.memory_space<vmem>> -> memref<32x64xi32, #tpu.memory_space<vmem>>
      %dma_wait3A_419 = arith.constant 0 : i32
      %dma_wait3A_420 = tpu.memref_slice %arg8[%dma_wait3A_412, %dma_wait3A_419] : memref<2x128xi32, #tpu.memory_space<vmem>> -> memref<1x32xi32, #tpu.memory_space<vmem>>
      %dma_wait3A_421 = tpu.memref_squeeze %dma_wait3A_420 : memref<1x32xi32, #tpu.memory_space<vmem>> -> memref<32xi32, #tpu.memory_space<vmem>>
      %dma_wait3A_422 = arith.constant 0 : i32
      %dma_wait3A_423 = arith.constant 0 : i32
      %dma_wait3A_424 = tpu.memref_slice %arg2[%dma_wait3A_422, %dma_wait3A_423] : memref<10240x64xi32, #tpu.memory_space<hbm>> -> memref<10240x64xi32, #tpu.memory_space<hbm>>
      %dma_wait3A_425 = tpu.memref_slice %arg14[%dma_wait3A_414] : memref<2x!tpu.dma_semaphore, #tpu.memory_space<semaphore_mem>> -> memref<1x!tpu.dma_semaphore, #tpu.memory_space<semaphore_mem>>
      %dma_wait3A_426 = tpu.memref_squeeze %dma_wait3A_425 : memref<1x!tpu.dma_semaphore, #tpu.memory_space<semaphore_mem>> -> memref<!tpu.dma_semaphore, #tpu.memory_space<semaphore_mem>>
      tpu.wait_indirect_dma semaphore(%dma_wait3A_426 : memref<!tpu.dma_semaphore, #tpu.memory_space<semaphore_mem>>) src(%dma_wait3A_424 : memref<10240x64xi32, #tpu.memory_space<hbm>>) dst(%dma_wait3A_418 : memref<32x64xi32, #tpu.memory_space<vmem>>)
      %dma_wait3A_427 = arith.constant 1 : i32
      %dma_wait3A_428 = arith.constant 1 : i32
      %dma_wait3A_429 = arith.constant 1 : i32
      %dma_wait3A_430 = arith.constant 32 : i32
      %dma_wait3A_431 = arith.constant 0 : i32
      %dma_wait3A_432 = tpu.memref_slice %arg10[%dma_wait3A_428, %dma_wait3A_430, %dma_wait3A_431] : memref<2x128x64xi32, #tpu.memory_space<vmem>> -> memref<1x32x64xi32, #tpu.memory_space<vmem>>
      %dma_wait3A_433 = tpu.memref_squeeze %dma_wait3A_432 : memref<1x32x64xi32, #tpu.memory_space<vmem>> -> memref<32x64xi32, #tpu.memory_space<vmem>>
      %dma_wait3A_434 = arith.constant 32 : i32
      %dma_wait3A_435 = tpu.memref_slice %arg8[%dma_wait3A_427, %dma_wait3A_434] : memref<2x128xi32, #tpu.memory_space<vmem>> -> memref<1x32xi32, #tpu.memory_space<vmem>>
      %dma_wait3A_436 = tpu.memref_squeeze %dma_wait3A_435 : memref<1x32xi32, #tpu.memory_space<vmem>> -> memref<32xi32, #tpu.memory_space<vmem>>
      %dma_wait3A_437 = arith.constant 0 : i32
      %dma_wait3A_438 = arith.constant 0 : i32
      %dma_wait3A_439 = tpu.memref_slice %arg2[%dma_wait3A_437, %dma_wait3A_438] : memref<10240x64xi32, #tpu.memory_space<hbm>> -> memref<10240x64xi32, #tpu.memory_space<hbm>>
      %dma_wait3A_440 = tpu.memref_slice %arg14[%dma_wait3A_429] : memref<2x!tpu.dma_semaphore, #tpu.memory_space<semaphore_mem>> -> memref<1x!tpu.dma_semaphore, #tpu.memory_space<semaphore_mem>>
      %dma_wait3A_441 = tpu.memref_squeeze %dma_wait3A_440 : memref<1x!tpu.dma_semaphore, #tpu.memory_space<semaphore_mem>> -> memref<!tpu.dma_semaphore, #tpu.memory_space<semaphore_mem>>
      tpu.wait_indirect_dma semaphore(%dma_wait3A_441 : memref<!tpu.dma_semaphore, #tpu.memory_space<semaphore_mem>>) src(%dma_wait3A_439 : memref<10240x64xi32, #tpu.memory_space<hbm>>) dst(%dma_wait3A_433 : memref<32x64xi32, #tpu.memory_space<vmem>>)
      %dma_wait3A_442 = arith.constant 1 : i32
      %dma_wait3A_443 = arith.constant 1 : i32
      %dma_wait3A_444 = arith.constant 1 : i32
      %dma_wait3A_445 = arith.constant 64 : i32
      %dma_wait3A_446 = arith.constant 0 : i32
      %dma_wait3A_447 = tpu.memref_slice %arg10[%dma_wait3A_443, %dma_wait3A_445, %dma_wait3A_446] : memref<2x128x64xi32, #tpu.memory_space<vmem>> -> memref<1x32x64xi32, #tpu.memory_space<vmem>>
      %dma_wait3A_448 = tpu.memref_squeeze %dma_wait3A_447 : memref<1x32x64xi32, #tpu.memory_space<vmem>> -> memref<32x64xi32, #tpu.memory_space<vmem>>
      %dma_wait3A_449 = arith.constant 64 : i32
      %dma_wait3A_450 = tpu.memref_slice %arg8[%dma_wait3A_442, %dma_wait3A_449] : memref<2x128xi32, #tpu.memory_space<vmem>> -> memref<1x32xi32, #tpu.memory_space<vmem>>
      %dma_wait3A_451 = tpu.memref_squeeze %dma_wait3A_450 : memref<1x32xi32, #tpu.memory_space<vmem>> -> memref<32xi32, #tpu.memory_space<vmem>>
      %dma_wait3A_452 = arith.constant 0 : i32
      %dma_wait3A_453 = arith.constant 0 : i32
      %dma_wait3A_454 = tpu.memref_slice %arg2[%dma_wait3A_452, %dma_wait3A_453] : memref<10240x64xi32, #tpu.memory_space<hbm>> -> memref<10240x64xi32, #tpu.memory_space<hbm>>
      %dma_wait3A_455 = tpu.memref_slice %arg14[%dma_wait3A_444] : memref<2x!tpu.dma_semaphore, #tpu.memory_space<semaphore_mem>> -> memref<1x!tpu.dma_semaphore, #tpu.memory_space<semaphore_mem>>
      %dma_wait3A_456 = tpu.memref_squeeze %dma_wait3A_455 : memref<1x!tpu.dma_semaphore, #tpu.memory_space<semaphore_mem>> -> memref<!tpu.dma_semaphore, #tpu.memory_space<semaphore_mem>>
      tpu.wait_indirect_dma semaphore(%dma_wait3A_456 : memref<!tpu.dma_semaphore, #tpu.memory_space<semaphore_mem>>) src(%dma_wait3A_454 : memref<10240x64xi32, #tpu.memory_space<hbm>>) dst(%dma_wait3A_448 : memref<32x64xi32, #tpu.memory_space<vmem>>)
      %dma_wait3A_457 = arith.constant 1 : i32
      %dma_wait3A_458 = arith.constant 1 : i32
      %dma_wait3A_459 = arith.constant 1 : i32
      %dma_wait3A_460 = arith.constant 96 : i32
      %dma_wait3A_461 = arith.constant 0 : i32
      %dma_wait3A_462 = tpu.memref_slice %arg10[%dma_wait3A_458, %dma_wait3A_460, %dma_wait3A_461] : memref<2x128x64xi32, #tpu.memory_space<vmem>> -> memref<1x32x64xi32, #tpu.memory_space<vmem>>
      %dma_wait3A_463 = tpu.memref_squeeze %dma_wait3A_462 : memref<1x32x64xi32, #tpu.memory_space<vmem>> -> memref<32x64xi32, #tpu.memory_space<vmem>>
      %dma_wait3A_464 = arith.constant 96 : i32
      %dma_wait3A_465 = tpu.memref_slice %arg8[%dma_wait3A_457, %dma_wait3A_464] : memref<2x128xi32, #tpu.memory_space<vmem>> -> memref<1x32xi32, #tpu.memory_space<vmem>>
      %dma_wait3A_466 = tpu.memref_squeeze %dma_wait3A_465 : memref<1x32xi32, #tpu.memory_space<vmem>> -> memref<32xi32, #tpu.memory_space<vmem>>
      %dma_wait3A_467 = arith.constant 0 : i32
      %dma_wait3A_468 = arith.constant 0 : i32
      %dma_wait3A_469 = tpu.memref_slice %arg2[%dma_wait3A_467, %dma_wait3A_468] : memref<10240x64xi32, #tpu.memory_space<hbm>> -> memref<10240x64xi32, #tpu.memory_space<hbm>>
      %dma_wait3A_470 = tpu.memref_slice %arg14[%dma_wait3A_459] : memref<2x!tpu.dma_semaphore, #tpu.memory_space<semaphore_mem>> -> memref<1x!tpu.dma_semaphore, #tpu.memory_space<semaphore_mem>>
      %dma_wait3A_471 = tpu.memref_squeeze %dma_wait3A_470 : memref<1x!tpu.dma_semaphore, #tpu.memory_space<semaphore_mem>> -> memref<!tpu.dma_semaphore, #tpu.memory_space<semaphore_mem>>
      tpu.wait_indirect_dma semaphore(%dma_wait3A_471 : memref<!tpu.dma_semaphore, #tpu.memory_space<semaphore_mem>>) src(%dma_wait3A_469 : memref<10240x64xi32, #tpu.memory_space<hbm>>) dst(%dma_wait3A_463 : memref<32x64xi32, #tpu.memory_space<vmem>>)
      %scan3A_472 = arith.constant 0 : i32
      %scan3A_473 = arith.constant 1 : i32
      %scan3A_474 = arith.constant 1 : i32
      %scan3A_475 = arith.constant 0 : i32
      %scan3A_476 = arith.constant 128 : i32
      %scan3A_477 = arith.addi %scan3A_475, %scan3A_476 : i32
      %scan3A_478 = arith.constant 1 : i32
      scf.for %scan3A_502 = %scan3A_475 to %scan3A_477 step %scan3A_478  : i32 {
        %get3A = arith.constant 0 : i32
        %get3A_503 = arith.constant 0 : i32
        %get3A_504 = tpu.memref_slice %arg10[%scan3A_473, %get3A, %get3A_503] : memref<2x128x64xi32, #tpu.memory_space<vmem>> -> memref<1x128x64xi32, #tpu.memory_space<vmem>>
        %get3A_505 = tpu.memref_squeeze %get3A_504 : memref<1x128x64xi32, #tpu.memory_space<vmem>> -> memref<128x64xi32, #tpu.memory_space<vmem>>
        %get3A_506 = arith.index_cast %scan3A_502 : i32 to index
        %get3A_507 = arith.constant 0 : index
        %get3A_508 = tpu.vector_load %get3A_505[%get3A_506, %get3A_507] {strides = array<i32>} : memref<128x64xi32, #tpu.memory_space<vmem>>, vector<16xi32>,
        %shift_left3A = arith.constant 16 : i32
        %shift_left3A_509 = vector.broadcast %shift_left3A : i32 to vector<16xi32>
        %shift_left3A_510 = arith.shli %get3A_508, %shift_left3A_509 : vector<16xi32>
        %bitcast3A = vector.bitcast %shift_left3A_510 : vector<16xi32> to vector<16xf32>
        %and3A = arith.constant -65536 : i32
        %and3A_511 = vector.broadcast %and3A : i32 to vector<16xi32>
        %and3A_512 = arith.andi %get3A_508, %and3A_511 : vector<16xi32>
        %bitcast3A_513 = vector.bitcast %and3A_512 : vector<16xi32> to vector<16xf32>
        %swap3A = arith.constant 0 : i32
        %swap3A_514 = arith.constant 0 : i32
        %swap3A_515 = tpu.memref_slice %arg11[%scan3A_474, %swap3A, %swap3A_514] : memref<2x128x128xf32, #tpu.memory_space<vmem>> -> memref<1x128x128xf32, #tpu.memory_space<vmem>>
        %swap3A_516 = tpu.memref_squeeze %swap3A_515 : memref<1x128x128xf32, #tpu.memory_space<vmem>> -> memref<128x128xf32, #tpu.memory_space<vmem>>
        %swap3A_517 = arith.index_cast %scan3A_502 : i32 to index
        %swap3A_518 = arith.constant 0 : index
        %swap3A_519 = tpu.vector_load %swap3A_516[%swap3A_517, %swap3A_518] {strides = array<i32>} : memref<128x128xf32, #tpu.memory_space<vmem>>, vector<16xf32>,
        tpu.vector_store %swap3A_516[%swap3A_517, %swap3A_518], %bitcast3A {strides = array<i32>} : memref<128x128xf32, #tpu.memory_space<vmem>>, vector<16xf32>,
        %swap3A_520 = arith.constant 0 : i32
        %swap3A_521 = arith.constant 0 : i32
        %swap3A_522 = tpu.memref_slice %arg11[%scan3A_474, %swap3A_520, %swap3A_521] : memref<2x128x128xf32, #tpu.memory_space<vmem>> -> memref<1x128x128xf32, #tpu.memory_space<vmem>>
        %swap3A_523 = tpu.memref_squeeze %swap3A_522 : memref<1x128x128xf32, #tpu.memory_space<vmem>> -> memref<128x128xf32, #tpu.memory_space<vmem>>
        %swap3A_524 = arith.index_cast %scan3A_502 : i32 to index
        %swap3A_525 = arith.constant 64 : index
        %swap3A_526 = tpu.vector_load %swap3A_523[%swap3A_524, %swap3A_525] {strides = array<i32>} : memref<128x128xf32, #tpu.memory_space<vmem>>, vector<16xf32>,
        tpu.vector_store %swap3A_523[%swap3A_524, %swap3A_525], %bitcast3A_513 {strides = array<i32>} : memref<128x128xf32, #tpu.memory_space<vmem>>, vector<16xf32>,
        %get3A_527 = arith.constant 0 : i32
        %get3A_528 = arith.constant 0 : i32
        %get3A_529 = tpu.memref_slice %arg10[%scan3A_473, %get3A_527, %get3A_528] : memref<2x128x64xi32, #tpu.memory_space<vmem>> -> memref<1x128x64xi32, #tpu.memory_space<vmem>>
        %get3A_530 = tpu.memref_squeeze %get3A_529 : memref<1x128x64xi32, #tpu.memory_space<vmem>> -> memref<128x64xi32, #tpu.memory_space<vmem>>
        %get3A_531 = arith.index_cast %scan3A_502 : i32 to index
        %get3A_532 = arith.constant 16 : index
        %get3A_533 = tpu.vector_load %get3A_530[%get3A_531, %get3A_532] {strides = array<i32>} : memref<128x64xi32, #tpu.memory_space<vmem>>, vector<16xi32>,
        %shift_left3A_534 = arith.constant 16 : i32
        %shift_left3A_535 = vector.broadcast %shift_left3A_534 : i32 to vector<16xi32>
        %shift_left3A_536 = arith.shli %get3A_533, %shift_left3A_535 : vector<16xi32>
        %bitcast3A_537 = vector.bitcast %shift_left3A_536 : vector<16xi32> to vector<16xf32>
        %and3A_538 = arith.constant -65536 : i32
        %and3A_539 = vector.broadcast %and3A_538 : i32 to vector<16xi32>
        %and3A_540 = arith.andi %get3A_533, %and3A_539 : vector<16xi32>
        %bitcast3A_541 = vector.bitcast %and3A_540 : vector<16xi32> to vector<16xf32>
        %swap3A_542 = arith.constant 0 : i32
        %swap3A_543 = arith.constant 0 : i32
        %swap3A_544 = tpu.memref_slice %arg11[%scan3A_474, %swap3A_542, %swap3A_543] : memref<2x128x128xf32, #tpu.memory_space<vmem>> -> memref<1x128x128xf32, #tpu.memory_space<vmem>>
        %swap3A_545 = tpu.memref_squeeze %swap3A_544 : memref<1x128x128xf32, #tpu.memory_space<vmem>> -> memref<128x128xf32, #tpu.memory_space<vmem>>
        %swap3A_546 = arith.index_cast %scan3A_502 : i32 to index
        %swap3A_547 = arith.constant 16 : index
        %swap3A_548 = tpu.vector_load %swap3A_545[%swap3A_546, %swap3A_547] {strides = array<i32>} : memref<128x128xf32, #tpu.memory_space<vmem>>, vector<16xf32>,
        tpu.vector_store %swap3A_545[%swap3A_546, %swap3A_547], %bitcast3A_537 {strides = array<i32>} : memref<128x128xf32, #tpu.memory_space<vmem>>, vector<16xf32>,
        %swap3A_549 = arith.constant 0 : i32
        %swap3A_550 = arith.constant 0 : i32
        %swap3A_551 = tpu.memref_slice %arg11[%scan3A_474, %swap3A_549, %swap3A_550] : memref<2x128x128xf32, #tpu.memory_space<vmem>> -> memref<1x128x128xf32, #tpu.memory_space<vmem>>
        %swap3A_552 = tpu.memref_squeeze %swap3A_551 : memref<1x128x128xf32, #tpu.memory_space<vmem>> -> memref<128x128xf32, #tpu.memory_space<vmem>>
        %swap3A_553 = arith.index_cast %scan3A_502 : i32 to index
        %swap3A_554 = arith.constant 80 : index
        %swap3A_555 = tpu.vector_load %swap3A_552[%swap3A_553, %swap3A_554] {strides = array<i32>} : memref<128x128xf32, #tpu.memory_space<vmem>>, vector<16xf32>,
        tpu.vector_store %swap3A_552[%swap3A_553, %swap3A_554], %bitcast3A_541 {strides = array<i32>} : memref<128x128xf32, #tpu.memory_space<vmem>>, vector<16xf32>,
        %get3A_556 = arith.constant 0 : i32
        %get3A_557 = arith.constant 0 : i32
        %get3A_558 = tpu.memref_slice %arg10[%scan3A_473, %get3A_556, %get3A_557] : memref<2x128x64xi32, #tpu.memory_space<vmem>> -> memref<1x128x64xi32, #tpu.memory_space<vmem>>
        %get3A_559 = tpu.memref_squeeze %get3A_558 : memref<1x128x64xi32, #tpu.memory_space<vmem>> -> memref<128x64xi32, #tpu.memory_space<vmem>>
        %get3A_560 = arith.index_cast %scan3A_502 : i32 to index
        %get3A_561 = arith.constant 32 : index
        %get3A_562 = tpu.vector_load %get3A_559[%get3A_560, %get3A_561] {strides = array<i32>} : memref<128x64xi32, #tpu.memory_space<vmem>>, vector<16xi32>,
        %shift_left3A_563 = arith.constant 16 : i32
        %shift_left3A_564 = vector.broadcast %shift_left3A_563 : i32 to vector<16xi32>
        %shift_left3A_565 = arith.shli %get3A_562, %shift_left3A_564 : vector<16xi32>
        %bitcast3A_566 = vector.bitcast %shift_left3A_565 : vector<16xi32> to vector<16xf32>
        %and3A_567 = arith.constant -65536 : i32
        %and3A_568 = vector.broadcast %and3A_567 : i32 to vector<16xi32>
        %and3A_569 = arith.andi %get3A_562, %and3A_568 : vector<16xi32>
        %bitcast3A_570 = vector.bitcast %and3A_569 : vector<16xi32> to vector<16xf32>
        %swap3A_571 = arith.constant 0 : i32
        %swap3A_572 = arith.constant 0 : i32
        %swap3A_573 = tpu.memref_slice %arg11[%scan3A_474, %swap3A_571, %swap3A_572] : memref<2x128x128xf32, #tpu.memory_space<vmem>> -> memref<1x128x128xf32, #tpu.memory_space<vmem>>
        %swap3A_574 = tpu.memref_squeeze %swap3A_573 : memref<1x128x128xf32, #tpu.memory_space<vmem>> -> memref<128x128xf32, #tpu.memory_space<vmem>>
        %swap3A_575 = arith.index_cast %scan3A_502 : i32 to index
        %swap3A_576 = arith.constant 32 : index
        %swap3A_577 = tpu.vector_load %swap3A_574[%swap3A_575, %swap3A_576] {strides = array<i32>} : memref<128x128xf32, #tpu.memory_space<vmem>>, vector<16xf32>,
        tpu.vector_store %swap3A_574[%swap3A_575, %swap3A_576], %bitcast3A_566 {strides = array<i32>} : memref<128x128xf32, #tpu.memory_space<vmem>>, vector<16xf32>,
        %swap3A_578 = arith.constant 0 : i32
        %swap3A_579 = arith.constant 0 : i32
        %swap3A_580 = tpu.memref_slice %arg11[%scan3A_474, %swap3A_578, %swap3A_579] : memref<2x128x128xf32, #tpu.memory_space<vmem>> -> memref<1x128x128xf32, #tpu.memory_space<vmem>>
        %swap3A_581 = tpu.memref_squeeze %swap3A_580 : memref<1x128x128xf32, #tpu.memory_space<vmem>> -> memref<128x128xf32, #tpu.memory_space<vmem>>
        %swap3A_582 = arith.index_cast %scan3A_502 : i32 to index
        %swap3A_583 = arith.constant 96 : index
        %swap3A_584 = tpu.vector_load %swap3A_581[%swap3A_582, %swap3A_583] {strides = array<i32>} : memref<128x128xf32, #tpu.memory_space<vmem>>, vector<16xf32>,
        tpu.vector_store %swap3A_581[%swap3A_582, %swap3A_583], %bitcast3A_570 {strides = array<i32>} : memref<128x128xf32, #tpu.memory_space<vmem>>, vector<16xf32>,
        %get3A_585 = arith.constant 0 : i32
        %get3A_586 = arith.constant 0 : i32
        %get3A_587 = tpu.memref_slice %arg10[%scan3A_473, %get3A_585, %get3A_586] : memref<2x128x64xi32, #tpu.memory_space<vmem>> -> memref<1x128x64xi32, #tpu.memory_space<vmem>>
        %get3A_588 = tpu.memref_squeeze %get3A_587 : memref<1x128x64xi32, #tpu.memory_space<vmem>> -> memref<128x64xi32, #tpu.memory_space<vmem>>
        %get3A_589 = arith.index_cast %scan3A_502 : i32 to index
        %get3A_590 = arith.constant 48 : index
        %get3A_591 = tpu.vector_load %get3A_588[%get3A_589, %get3A_590] {strides = array<i32>} : memref<128x64xi32, #tpu.memory_space<vmem>>, vector<16xi32>,
        %shift_left3A_592 = arith.constant 16 : i32
        %shift_left3A_593 = vector.broadcast %shift_left3A_592 : i32 to vector<16xi32>
        %shift_left3A_594 = arith.shli %get3A_591, %shift_left3A_593 : vector<16xi32>
        %bitcast3A_595 = vector.bitcast %shift_left3A_594 : vector<16xi32> to vector<16xf32>
        %and3A_596 = arith.constant -65536 : i32
        %and3A_597 = vector.broadcast %and3A_596 : i32 to vector<16xi32>
        %and3A_598 = arith.andi %get3A_591, %and3A_597 : vector<16xi32>
        %bitcast3A_599 = vector.bitcast %and3A_598 : vector<16xi32> to vector<16xf32>
        %swap3A_600 = arith.constant 0 : i32
        %swap3A_601 = arith.constant 0 : i32
        %swap3A_602 = tpu.memref_slice %arg11[%scan3A_474, %swap3A_600, %swap3A_601] : memref<2x128x128xf32, #tpu.memory_space<vmem>> -> memref<1x128x128xf32, #tpu.memory_space<vmem>>
        %swap3A_603 = tpu.memref_squeeze %swap3A_602 : memref<1x128x128xf32, #tpu.memory_space<vmem>> -> memref<128x128xf32, #tpu.memory_space<vmem>>
        %swap3A_604 = arith.index_cast %scan3A_502 : i32 to index
        %swap3A_605 = arith.constant 48 : index
        %swap3A_606 = tpu.vector_load %swap3A_603[%swap3A_604, %swap3A_605] {strides = array<i32>} : memref<128x128xf32, #tpu.memory_space<vmem>>, vector<16xf32>,
        tpu.vector_store %swap3A_603[%swap3A_604, %swap3A_605], %bitcast3A_595 {strides = array<i32>} : memref<128x128xf32, #tpu.memory_space<vmem>>, vector<16xf32>,
        %swap3A_607 = arith.constant 0 : i32
        %swap3A_608 = arith.constant 0 : i32
        %swap3A_609 = tpu.memref_slice %arg11[%scan3A_474, %swap3A_607, %swap3A_608] : memref<2x128x128xf32, #tpu.memory_space<vmem>> -> memref<1x128x128xf32, #tpu.memory_space<vmem>>
        %swap3A_610 = tpu.memref_squeeze %swap3A_609 : memref<1x128x128xf32, #tpu.memory_space<vmem>> -> memref<128x128xf32, #tpu.memory_space<vmem>>
        %swap3A_611 = arith.index_cast %scan3A_502 : i32 to index
        %swap3A_612 = arith.constant 112 : index
        %swap3A_613 = tpu.vector_load %swap3A_610[%swap3A_611, %swap3A_612] {strides = array<i32>} : memref<128x128xf32, #tpu.memory_space<vmem>>, vector<16xf32>,
        tpu.vector_store %swap3A_610[%swap3A_611, %swap3A_612], %bitcast3A_599 {strides = array<i32>} : memref<128x128xf32, #tpu.memory_space<vmem>>, vector<16xf32>,
      }
      %scan3A_479 = arith.constant 128 : i32
      %dma_start3A_480 = arith.constant 1 : i32
      %dma_start3A_481 = arith.constant 1 : i32
      %dma_start3A_482 = arith.constant 1 : i32
      %dma_start3A_483 = arith.constant 0 : i32
      %dma_start3A_484 = arith.constant 0 : i32
      %dma_start3A_485 = tpu.memref_slice %arg11[%dma_start3A_480, %dma_start3A_483, %dma_start3A_484] : memref<2x128x128xf32, #tpu.memory_space<vmem>> -> memref<1x128x128xf32, #tpu.memory_space<vmem>>
      %dma_start3A_486 = tpu.memref_squeeze %dma_start3A_485 : memref<1x128x128xf32, #tpu.memory_space<vmem>> -> memref<128x128xf32, #tpu.memory_space<vmem>>
      %dma_start3A_487 = arith.constant 0 : i32
      %dma_start3A_488 = tpu.memref_slice %arg9[%dma_start3A_481, %dma_start3A_487] : memref<2x128xi32, #tpu.memory_space<vmem>> -> memref<1x128xi32, #tpu.memory_space<vmem>>
      %dma_start3A_489 = tpu.memref_squeeze %dma_start3A_488 : memref<1x128xi32, #tpu.memory_space<vmem>> -> memref<128xi32, #tpu.memory_space<vmem>>
      %dma_start3A_490 = arith.constant 0 : i32
      %dma_start3A_491 = arith.constant 0 : i32
      %dma_start3A_492 = tpu.memref_slice %arg7[%dma_start3A_490, %dma_start3A_491] : memref<10112x128xf32, #tpu.memory_space<vmem_shared>> -> memref<10112x128xf32, #tpu.memory_space<vmem_shared>>
      %dma_start3A_493 = tpu.memref_slice %arg15[%dma_start3A_482] : memref<2x!tpu.dma_semaphore, #tpu.memory_space<semaphore_mem>> -> memref<1x!tpu.dma_semaphore, #tpu.memory_space<semaphore_mem>>
      %dma_start3A_494 = tpu.memref_squeeze %dma_start3A_493 : memref<1x!tpu.dma_semaphore, #tpu.memory_space<semaphore_mem>> -> memref<!tpu.dma_semaphore, #tpu.memory_space<semaphore_mem>>
      tpu.enqueue_indirect_dma source(%dma_start3A_486 : memref<128x128xf32, #tpu.memory_space<vmem>>) target(%dma_start3A_492 : memref<10112x128xf32, #tpu.memory_space<vmem_shared>>) offsets(%dma_start3A_489 : memref<128xi32, #tpu.memory_space<vmem>>) semaphore(%dma_start3A_494 : memref<!tpu.dma_semaphore, #tpu.memory_space<semaphore_mem>>) {add = true}
      %add3A_495 = arith.constant 2 : i32
      %add3A_496 = arith.addi %add3A_394, %add3A_495 : i32
      %lt3A_497 = arith.constant 80 : i32
      %lt3A_498 = arith.cmpi slt, %add3A_496, %lt3A_497 : i32
      %convert_element_type3A_499 = arith.extui %lt3A_498 : i1 to i32
      %cond3A_500 = arith.constant 0 : i32
      %cond3A_501 = arith.cmpi ne, %convert_element_type3A_499, %cond3A_500 : i32
      scf.if %cond3A_501 {
        %add3A_502 = arith.addi %mul3A_6, %add3A_394 : i32
        %add3A_503 = arith.constant 2 : i32
        %add3A_504 = arith.addi %add3A_502, %add3A_503 : i32
        %dma_start3A_505 = arith.constant 1 : i32
        %dma_start3A_506 = arith.constant 1 : i32
        %dma_start3A_507 = arith.constant 0 : i32
        %dma_start3A_508 = tpu.memref_slice %arg8[%dma_start3A_505, %dma_start3A_507] : memref<2x128xi32, #tpu.memory_space<vmem>> -> memref<1x128xi32, #tpu.memory_space<vmem>>
        %dma_start3A_509 = tpu.memref_squeeze %dma_start3A_508 : memref<1x128xi32, #tpu.memory_space<vmem>> -> memref<128xi32, #tpu.memory_space<vmem>>
        %dma_start3A_510 = arith.constant 0 : i32
        %dma_start3A_511 = tpu.memref_slice %arg4[%add3A_504, %dma_start3A_510] : memref<2560x128xi32, #tpu.memory_space<hbm>> -> memref<1x128xi32, #tpu.memory_space<hbm>>
        %dma_start3A_512 = tpu.memref_squeeze %dma_start3A_511 : memref<1x128xi32, #tpu.memory_space<hbm>> -> memref<128xi32, #tpu.memory_space<hbm>>
        %dma_start3A_513 = tpu.memref_slice %arg12[%dma_start3A_506] : memref<2x!tpu.dma_semaphore, #tpu.memory_space<semaphore_mem>> -> memref<1x!tpu.dma_semaphore, #tpu.memory_space<semaphore_mem>>
        %dma_start3A_514 = tpu.memref_squeeze %dma_start3A_513 : memref<1x!tpu.dma_semaphore, #tpu.memory_space<semaphore_mem>> -> memref<!tpu.dma_semaphore, #tpu.memory_space<semaphore_mem>>
        %dma_start3A_515 = arith.constant 0 : i32
        %dma_start3A_516 = tpu.memref_slice %arg8[%dma_start3A_505, %dma_start3A_515] : memref<2x128xi32, #tpu.memory_space<vmem>> -> memref<1x128xi32, #tpu.memory_space<vmem>>
        %dma_start3A_517 = tpu.memref_squeeze %dma_start3A_516 : memref<1x128xi32, #tpu.memory_space<vmem>> -> memref<128xi32, #tpu.memory_space<vmem>>
        %dma_start3A_518 = arith.constant 0 : i32
        %dma_start3A_519 = tpu.memref_slice %arg4[%add3A_504, %dma_start3A_518] : memref<2560x128xi32, #tpu.memory_space<hbm>> -> memref<1x128xi32, #tpu.memory_space<hbm>>
        %dma_start3A_520 = tpu.memref_squeeze %dma_start3A_519 : memref<1x128xi32, #tpu.memory_space<hbm>> -> memref<128xi32, #tpu.memory_space<hbm>>
        tpu.enqueue_dma source(%dma_start3A_520 : memref<128xi32, #tpu.memory_space<hbm>>) target(%dma_start3A_517 : memref<128xi32, #tpu.memory_space<vmem>>) target_semaphore(%dma_start3A_514 : memref<!tpu.dma_semaphore, #tpu.memory_space<semaphore_mem>>)
      } else {
      }
    }
    %scan3A_82 = arith.constant 40 : i32
    %dma_wait3A = arith.constant 0 : i32
    %dma_wait3A_83 = arith.constant 0 : i32
    %dma_wait3A_84 = arith.constant 0 : i32
    %dma_wait3A_85 = arith.constant 0 : i32
    %dma_wait3A_86 = arith.constant 0 : i32
    %dma_wait3A_87 = tpu.memref_slice %arg11[%dma_wait3A, %dma_wait3A_85, %dma_wait3A_86] : memref<2x128x128xf32, #tpu.memory_space<vmem>> -> memref<1x128x128xf32, #tpu.memory_space<vmem>>
    %dma_wait3A_88 = tpu.memref_squeeze %dma_wait3A_87 : memref<1x128x128xf32, #tpu.memory_space<vmem>> -> memref<128x128xf32, #tpu.memory_space<vmem>>
    %dma_wait3A_89 = arith.constant 0 : i32
    %dma_wait3A_90 = tpu.memref_slice %arg9[%dma_wait3A_83, %dma_wait3A_89] : memref<2x128xi32, #tpu.memory_space<vmem>> -> memref<1x128xi32, #tpu.memory_space<vmem>>
    %dma_wait3A_91 = tpu.memref_squeeze %dma_wait3A_90 : memref<1x128xi32, #tpu.memory_space<vmem>> -> memref<128xi32, #tpu.memory_space<vmem>>
    %dma_wait3A_92 = arith.constant 0 : i32
    %dma_wait3A_93 = arith.constant 0 : i32
    %dma_wait3A_94 = tpu.memref_slice %arg7[%dma_wait3A_92, %dma_wait3A_93] : memref<10112x128xf32, #tpu.memory_space<vmem_shared>> -> memref<10112x128xf32, #tpu.memory_space<vmem_shared>>
    %dma_wait3A_95 = tpu.memref_slice %arg15[%dma_wait3A_84] : memref<2x!tpu.dma_semaphore, #tpu.memory_space<semaphore_mem>> -> memref<1x!tpu.dma_semaphore, #tpu.memory_space<semaphore_mem>>
    %dma_wait3A_96 = tpu.memref_squeeze %dma_wait3A_95 : memref<1x!tpu.dma_semaphore, #tpu.memory_space<semaphore_mem>> -> memref<!tpu.dma_semaphore, #tpu.memory_space<semaphore_mem>>
    tpu.wait_indirect_dma semaphore(%dma_wait3A_96 : memref<!tpu.dma_semaphore, #tpu.memory_space<semaphore_mem>>) src(%dma_wait3A_88 : memref<128x128xf32, #tpu.memory_space<vmem>>) dst(%dma_wait3A_94 : memref<10112x128xf32, #tpu.memory_space<vmem_shared>>)
    %dma_wait3A_97 = arith.constant 1 : i32
    %dma_wait3A_98 = arith.constant 1 : i32
    %dma_wait3A_99 = arith.constant 1 : i32
    %dma_wait3A_100 = arith.constant 0 : i32
    %dma_wait3A_101 = arith.constant 0 : i32
    %dma_wait3A_102 = tpu.memref_slice %arg11[%dma_wait3A_97, %dma_wait3A_100, %dma_wait3A_101] : memref<2x128x128xf32, #tpu.memory_space<vmem>> -> memref<1x128x128xf32, #tpu.memory_space<vmem>>
    %dma_wait3A_103 = tpu.memref_squeeze %dma_wait3A_102 : memref<1x128x128xf32, #tpu.memory_space<vmem>> -> memref<128x128xf32, #tpu.memory_space<vmem>>
    %dma_wait3A_104 = arith.constant 0 : i32
    %dma_wait3A_105 = tpu.memref_slice %arg9[%dma_wait3A_98, %dma_wait3A_104] : memref<2x128xi32, #tpu.memory_space<vmem>> -> memref<1x128xi32, #tpu.memory_space<vmem>>
    %dma_wait3A_106 = tpu.memref_squeeze %dma_wait3A_105 : memref<1x128xi32, #tpu.memory_space<vmem>> -> memref<128xi32, #tpu.memory_space<vmem>>
    %dma_wait3A_107 = arith.constant 0 : i32
    %dma_wait3A_108 = arith.constant 0 : i32
    %dma_wait3A_109 = tpu.memref_slice %arg7[%dma_wait3A_107, %dma_wait3A_108] : memref<10112x128xf32, #tpu.memory_space<vmem_shared>> -> memref<10112x128xf32, #tpu.memory_space<vmem_shared>>
    %dma_wait3A_110 = tpu.memref_slice %arg15[%dma_wait3A_99] : memref<2x!tpu.dma_semaphore, #tpu.memory_space<semaphore_mem>> -> memref<1x!tpu.dma_semaphore, #tpu.memory_space<semaphore_mem>>
    %dma_wait3A_111 = tpu.memref_squeeze %dma_wait3A_110 : memref<1x!tpu.dma_semaphore, #tpu.memory_space<semaphore_mem>> -> memref<!tpu.dma_semaphore, #tpu.memory_space<semaphore_mem>>
    tpu.wait_indirect_dma semaphore(%dma_wait3A_111 : memref<!tpu.dma_semaphore, #tpu.memory_space<semaphore_mem>>) src(%dma_wait3A_103 : memref<128x128xf32, #tpu.memory_space<vmem>>) dst(%dma_wait3A_109 : memref<10112x128xf32, #tpu.memory_space<vmem_shared>>)
    %barrier3A_112 = arith.constant 0 : index
    tpu.barrier barrier_id(%barrier3A_112)
    %mul3A_113 = arith.constant 632 : i32
    %mul3A_114 = arith.muli %arg1, %mul3A_113 : i32
    %mul3A_115 = arith.constant 632 : i32
    %mul3A_116 = arith.muli %arg1, %mul3A_115 : i32
    "tpu.region"() ({
      %run_scoped3A = tpu.sem_alloc : memref<!tpu.dma_semaphore, #tpu.memory_space<semaphore_mem>>
      %dma_start3A_117 = arith.constant 0 : i32
      %dma_start3A_118 = tpu.memref_slice %arg6[%arg0, %mul3A_116, %dma_start3A_117] : memref<2x10112x128xf32, #tpu.memory_space<hbm>> -> memref<1x632x128xf32, #tpu.memory_space<hbm>>
      %dma_start3A_119 = tpu.memref_squeeze %dma_start3A_118 : memref<1x632x128xf32, #tpu.memory_space<hbm>> -> memref<632x128xf32, #tpu.memory_space<hbm>>
      %dma_start3A_120 = arith.constant 0 : i32
      %dma_start3A_121 = tpu.memref_slice %arg7[%mul3A_114, %dma_start3A_120] : memref<10112x128xf32, #tpu.memory_space<vmem_shared>> -> memref<632x128xf32, #tpu.memory_space<vmem_shared>>
      tpu.enqueue_dma source(%dma_start3A_121 : memref<632x128xf32, #tpu.memory_space<vmem_shared>>) target(%dma_start3A_119 : memref<632x128xf32, #tpu.memory_space<hbm>>) target_semaphore(%run_scoped3A : memref<!tpu.dma_semaphore, #tpu.memory_space<semaphore_mem>>)
      %dma_wait3A_122 = arith.constant 0 : i32
      %dma_wait3A_123 = tpu.memref_slice %arg6[%arg0, %mul3A_116, %dma_wait3A_122] : memref<2x10112x128xf32, #tpu.memory_space<hbm>> -> memref<1x632x128xf32, #tpu.memory_space<hbm>>
      %dma_wait3A_124 = tpu.memref_squeeze %dma_wait3A_123 : memref<1x632x128xf32, #tpu.memory_space<hbm>> -> memref<632x128xf32, #tpu.memory_space<hbm>>
      %dma_wait3A_125 = arith.constant 0 : i32
      %dma_wait3A_126 = tpu.memref_slice %arg7[%mul3A_114, %dma_wait3A_125] : memref<10112x128xf32, #tpu.memory_space<vmem_shared>> -> memref<632x128xf32, #tpu.memory_space<vmem_shared>>
      tpu.wait_dma2 semaphore(%run_scoped3A : memref<!tpu.dma_semaphore, #tpu.memory_space<semaphore_mem>>) src(%dma_wait3A_126 : memref<632x128xf32, #tpu.memory_space<vmem_shared>>) dst(%dma_wait3A_124 : memref<632x128xf32, #tpu.memory_space<hbm>>)
      tpu.yield
    }) : () -> ()
    return
  }
}

#map = affine_map<(d0, d1) -> (0, 0)>
module attributes {stable_mosaic.version = 14 : i64} {
  func.func @_deg_body(%arg0: i32, %arg1: i32, %arg2: memref<2560x128xi32, #tpu.memory_space<hbm>>, %arg3: memref<2x10240xf32, #tpu.memory_space<hbm>>, %arg4: memref<10240xf32, #tpu.memory_space<vmem_shared>>, %arg5: memref<4x128xi32, #tpu.memory_space<vmem>>, %arg6: memref<128xf32, #tpu.memory_space<vmem>>, %arg7: memref<640xf32, #tpu.memory_space<vmem>>, %arg8: memref<4x!tpu.dma_semaphore, #tpu.memory_space<semaphore_mem>>, %arg9: memref<4x!tpu.dma_semaphore, #tpu.memory_space<semaphore_mem>>) attributes {dimension_semantics = [#tpu.dimension_semantics<core_parallel>, #tpu.dimension_semantics<subcore_parallel>], iteration_bounds = array<i64: 2, 16>, scalar_prefetch = 0 : i64, scratch_operands = 6 : i64, tpu.core_type = #tpu.core_type<sc_vector_subcore>, window_params = [{transform_indices = #map}, {transform_indices = #map}]} {
    %mul3A = arith.constant 2 : i32
    %mul3A_0 = arith.muli %arg1, %mul3A : i32
    %add3A = arith.addi %mul3A_0, %arg0 : i32
    %broadcast_in_dim3A = arith.constant 0.000000e+00 : f32
    %broadcast_in_dim3A_1 = vector.broadcast %broadcast_in_dim3A : f32 to vector<16xf32>
    %swap3A = arith.constant 0 : index
    %swap3A_2 = tpu.vector_load %arg7[%swap3A] {strides = array<i32>} : memref<640xf32, #tpu.memory_space<vmem>>, vector<16xf32>,
    %swap3A_3 = vector.shape_cast %swap3A_2 : vector<16xf32> to vector<16xf32>
    %swap3A_4 = vector.shape_cast %broadcast_in_dim3A_1 : vector<16xf32> to vector<16xf32>
    tpu.vector_store %arg7[%swap3A], %swap3A_4 {strides = array<i32>} : memref<640xf32, #tpu.memory_space<vmem>>, vector<16xf32>,
    %broadcast_in_dim3A_5 = arith.constant 0.000000e+00 : f32
    %broadcast_in_dim3A_6 = vector.broadcast %broadcast_in_dim3A_5 : f32 to vector<16xf32>
    %swap3A_7 = arith.constant 16 : index
    %swap3A_8 = tpu.vector_load %arg7[%swap3A_7] {strides = array<i32>} : memref<640xf32, #tpu.memory_space<vmem>>, vector<16xf32>,
    %swap3A_9 = vector.shape_cast %swap3A_8 : vector<16xf32> to vector<16xf32>
    %swap3A_10 = vector.shape_cast %broadcast_in_dim3A_6 : vector<16xf32> to vector<16xf32>
    tpu.vector_store %arg7[%swap3A_7], %swap3A_10 {strides = array<i32>} : memref<640xf32, #tpu.memory_space<vmem>>, vector<16xf32>,
    %broadcast_in_dim3A_11 = arith.constant 0.000000e+00 : f32
    %broadcast_in_dim3A_12 = vector.broadcast %broadcast_in_dim3A_11 : f32 to vector<16xf32>
    %swap3A_13 = arith.constant 32 : index
    %swap3A_14 = tpu.vector_load %arg7[%swap3A_13] {strides = array<i32>} : memref<640xf32, #tpu.memory_space<vmem>>, vector<16xf32>,
    %swap3A_15 = vector.shape_cast %swap3A_14 : vector<16xf32> to vector<16xf32>
    %swap3A_16 = vector.shape_cast %broadcast_in_dim3A_12 : vector<16xf32> to vector<16xf32>
    tpu.vector_store %arg7[%swap3A_13], %swap3A_16 {strides = array<i32>} : memref<640xf32, #tpu.memory_space<vmem>>, vector<16xf32>,
    %broadcast_in_dim3A_17 = arith.constant 0.000000e+00 : f32
    %broadcast_in_dim3A_18 = vector.broadcast %broadcast_in_dim3A_17 : f32 to vector<16xf32>
    %swap3A_19 = arith.constant 48 : index
    %swap3A_20 = tpu.vector_load %arg7[%swap3A_19] {strides = array<i32>} : memref<640xf32, #tpu.memory_space<vmem>>, vector<16xf32>,
    %swap3A_21 = vector.shape_cast %swap3A_20 : vector<16xf32> to vector<16xf32>
    %swap3A_22 = vector.shape_cast %broadcast_in_dim3A_18 : vector<16xf32> to vector<16xf32>
    tpu.vector_store %arg7[%swap3A_19], %swap3A_22 {strides = array<i32>} : memref<640xf32, #tpu.memory_space<vmem>>, vector<16xf32>,
    %broadcast_in_dim3A_23 = arith.constant 0.000000e+00 : f32
    %broadcast_in_dim3A_24 = vector.broadcast %broadcast_in_dim3A_23 : f32 to vector<16xf32>
    %swap3A_25 = arith.constant 64 : index
    %swap3A_26 = tpu.vector_load %arg7[%swap3A_25] {strides = array<i32>} : memref<640xf32, #tpu.memory_space<vmem>>, vector<16xf32>,
    %swap3A_27 = vector.shape_cast %swap3A_26 : vector<16xf32> to vector<16xf32>
    %swap3A_28 = vector.shape_cast %broadcast_in_dim3A_24 : vector<16xf32> to vector<16xf32>
    tpu.vector_store %arg7[%swap3A_25], %swap3A_28 {strides = array<i32>} : memref<640xf32, #tpu.memory_space<vmem>>, vector<16xf32>,
    %broadcast_in_dim3A_29 = arith.constant 0.000000e+00 : f32
    %broadcast_in_dim3A_30 = vector.broadcast %broadcast_in_dim3A_29 : f32 to vector<16xf32>
    %swap3A_31 = arith.constant 80 : index
    %swap3A_32 = tpu.vector_load %arg7[%swap3A_31] {strides = array<i32>} : memref<640xf32, #tpu.memory_space<vmem>>, vector<16xf32>,
    %swap3A_33 = vector.shape_cast %swap3A_32 : vector<16xf32> to vector<16xf32>
    %swap3A_34 = vector.shape_cast %broadcast_in_dim3A_30 : vector<16xf32> to vector<16xf32>
    tpu.vector_store %arg7[%swap3A_31], %swap3A_34 {strides = array<i32>} : memref<640xf32, #tpu.memory_space<vmem>>, vector<16xf32>,
    %broadcast_in_dim3A_35 = arith.constant 0.000000e+00 : f32
    %broadcast_in_dim3A_36 = vector.broadcast %broadcast_in_dim3A_35 : f32 to vector<16xf32>
    %swap3A_37 = arith.constant 96 : index
    %swap3A_38 = tpu.vector_load %arg7[%swap3A_37] {strides = array<i32>} : memref<640xf32, #tpu.memory_space<vmem>>, vector<16xf32>,
    %swap3A_39 = vector.shape_cast %swap3A_38 : vector<16xf32> to vector<16xf32>
    %swap3A_40 = vector.shape_cast %broadcast_in_dim3A_36 : vector<16xf32> to vector<16xf32>
    tpu.vector_store %arg7[%swap3A_37], %swap3A_40 {strides = array<i32>} : memref<640xf32, #tpu.memory_space<vmem>>, vector<16xf32>,
    %broadcast_in_dim3A_41 = arith.constant 0.000000e+00 : f32
    %broadcast_in_dim3A_42 = vector.broadcast %broadcast_in_dim3A_41 : f32 to vector<16xf32>
    %swap3A_43 = arith.constant 112 : index
    %swap3A_44 = tpu.vector_load %arg7[%swap3A_43] {strides = array<i32>} : memref<640xf32, #tpu.memory_space<vmem>>, vector<16xf32>,
    %swap3A_45 = vector.shape_cast %swap3A_44 : vector<16xf32> to vector<16xf32>
    %swap3A_46 = vector.shape_cast %broadcast_in_dim3A_42 : vector<16xf32> to vector<16xf32>
    tpu.vector_store %arg7[%swap3A_43], %swap3A_46 {strides = array<i32>} : memref<640xf32, #tpu.memory_space<vmem>>, vector<16xf32>,
    %broadcast_in_dim3A_47 = arith.constant 0.000000e+00 : f32
    %broadcast_in_dim3A_48 = vector.broadcast %broadcast_in_dim3A_47 : f32 to vector<16xf32>
    %swap3A_49 = arith.constant 128 : index
    %swap3A_50 = tpu.vector_load %arg7[%swap3A_49] {strides = array<i32>} : memref<640xf32, #tpu.memory_space<vmem>>, vector<16xf32>,
    %swap3A_51 = vector.shape_cast %swap3A_50 : vector<16xf32> to vector<16xf32>
    %swap3A_52 = vector.shape_cast %broadcast_in_dim3A_48 : vector<16xf32> to vector<16xf32>
    tpu.vector_store %arg7[%swap3A_49], %swap3A_52 {strides = array<i32>} : memref<640xf32, #tpu.memory_space<vmem>>, vector<16xf32>,
    %broadcast_in_dim3A_53 = arith.constant 0.000000e+00 : f32
    %broadcast_in_dim3A_54 = vector.broadcast %broadcast_in_dim3A_53 : f32 to vector<16xf32>
    %swap3A_55 = arith.constant 144 : index
    %swap3A_56 = tpu.vector_load %arg7[%swap3A_55] {strides = array<i32>} : memref<640xf32, #tpu.memory_space<vmem>>, vector<16xf32>,
    %swap3A_57 = vector.shape_cast %swap3A_56 : vector<16xf32> to vector<16xf32>
    %swap3A_58 = vector.shape_cast %broadcast_in_dim3A_54 : vector<16xf32> to vector<16xf32>
    tpu.vector_store %arg7[%swap3A_55], %swap3A_58 {strides = array<i32>} : memref<640xf32, #tpu.memory_space<vmem>>, vector<16xf32>,
    %broadcast_in_dim3A_59 = arith.constant 0.000000e+00 : f32
    %broadcast_in_dim3A_60 = vector.broadcast %broadcast_in_dim3A_59 : f32 to vector<16xf32>
    %swap3A_61 = arith.constant 160 : index
    %swap3A_62 = tpu.vector_load %arg7[%swap3A_61] {strides = array<i32>} : memref<640xf32, #tpu.memory_space<vmem>>, vector<16xf32>,
    %swap3A_63 = vector.shape_cast %swap3A_62 : vector<16xf32> to vector<16xf32>
    %swap3A_64 = vector.shape_cast %broadcast_in_dim3A_60 : vector<16xf32> to vector<16xf32>
    tpu.vector_store %arg7[%swap3A_61], %swap3A_64 {strides = array<i32>} : memref<640xf32, #tpu.memory_space<vmem>>, vector<16xf32>,
    %broadcast_in_dim3A_65 = arith.constant 0.000000e+00 : f32
    %broadcast_in_dim3A_66 = vector.broadcast %broadcast_in_dim3A_65 : f32 to vector<16xf32>
    %swap3A_67 = arith.constant 176 : index
    %swap3A_68 = tpu.vector_load %arg7[%swap3A_67] {strides = array<i32>} : memref<640xf32, #tpu.memory_space<vmem>>, vector<16xf32>,
    %swap3A_69 = vector.shape_cast %swap3A_68 : vector<16xf32> to vector<16xf32>
    %swap3A_70 = vector.shape_cast %broadcast_in_dim3A_66 : vector<16xf32> to vector<16xf32>
    tpu.vector_store %arg7[%swap3A_67], %swap3A_70 {strides = array<i32>} : memref<640xf32, #tpu.memory_space<vmem>>, vector<16xf32>,
    %broadcast_in_dim3A_71 = arith.constant 0.000000e+00 : f32
    %broadcast_in_dim3A_72 = vector.broadcast %broadcast_in_dim3A_71 : f32 to vector<16xf32>
    %swap3A_73 = arith.constant 192 : index
    %swap3A_74 = tpu.vector_load %arg7[%swap3A_73] {strides = array<i32>} : memref<640xf32, #tpu.memory_space<vmem>>, vector<16xf32>,
    %swap3A_75 = vector.shape_cast %swap3A_74 : vector<16xf32> to vector<16xf32>
    %swap3A_76 = vector.shape_cast %broadcast_in_dim3A_72 : vector<16xf32> to vector<16xf32>
    tpu.vector_store %arg7[%swap3A_73], %swap3A_76 {strides = array<i32>} : memref<640xf32, #tpu.memory_space<vmem>>, vector<16xf32>,
    %broadcast_in_dim3A_77 = arith.constant 0.000000e+00 : f32
    %broadcast_in_dim3A_78 = vector.broadcast %broadcast_in_dim3A_77 : f32 to vector<16xf32>
    %swap3A_79 = arith.constant 208 : index
    %swap3A_80 = tpu.vector_load %arg7[%swap3A_79] {strides = array<i32>} : memref<640xf32, #tpu.memory_space<vmem>>, vector<16xf32>,
    %swap3A_81 = vector.shape_cast %swap3A_80 : vector<16xf32> to vector<16xf32>
    %swap3A_82 = vector.shape_cast %broadcast_in_dim3A_78 : vector<16xf32> to vector<16xf32>
    tpu.vector_store %arg7[%swap3A_79], %swap3A_82 {strides = array<i32>} : memref<640xf32, #tpu.memory_space<vmem>>, vector<16xf32>,
    %broadcast_in_dim3A_83 = arith.constant 0.000000e+00 : f32
    %broadcast_in_dim3A_84 = vector.broadcast %broadcast_in_dim3A_83 : f32 to vector<16xf32>
    %swap3A_85 = arith.constant 224 : index
    %swap3A_86 = tpu.vector_load %arg7[%swap3A_85] {strides = array<i32>} : memref<640xf32, #tpu.memory_space<vmem>>, vector<16xf32>,
    %swap3A_87 = vector.shape_cast %swap3A_86 : vector<16xf32> to vector<16xf32>
    %swap3A_88 = vector.shape_cast %broadcast_in_dim3A_84 : vector<16xf32> to vector<16xf32>
    tpu.vector_store %arg7[%swap3A_85], %swap3A_88 {strides = array<i32>} : memref<640xf32, #tpu.memory_space<vmem>>, vector<16xf32>,
    %broadcast_in_dim3A_89 = arith.constant 0.000000e+00 : f32
    %broadcast_in_dim3A_90 = vector.broadcast %broadcast_in_dim3A_89 : f32 to vector<16xf32>
    %swap3A_91 = arith.constant 240 : index
    %swap3A_92 = tpu.vector_load %arg7[%swap3A_91] {strides = array<i32>} : memref<640xf32, #tpu.memory_space<vmem>>, vector<16xf32>,
    %swap3A_93 = vector.shape_cast %swap3A_92 : vector<16xf32> to vector<16xf32>
    %swap3A_94 = vector.shape_cast %broadcast_in_dim3A_90 : vector<16xf32> to vector<16xf32>
    tpu.vector_store %arg7[%swap3A_91], %swap3A_94 {strides = array<i32>} : memref<640xf32, #tpu.memory_space<vmem>>, vector<16xf32>,
    %broadcast_in_dim3A_95 = arith.constant 0.000000e+00 : f32
    %broadcast_in_dim3A_96 = vector.broadcast %broadcast_in_dim3A_95 : f32 to vector<16xf32>
    %swap3A_97 = arith.constant 256 : index
    %swap3A_98 = tpu.vector_load %arg7[%swap3A_97] {strides = array<i32>} : memref<640xf32, #tpu.memory_space<vmem>>, vector<16xf32>,
    %swap3A_99 = vector.shape_cast %swap3A_98 : vector<16xf32> to vector<16xf32>
    %swap3A_100 = vector.shape_cast %broadcast_in_dim3A_96 : vector<16xf32> to vector<16xf32>
    tpu.vector_store %arg7[%swap3A_97], %swap3A_100 {strides = array<i32>} : memref<640xf32, #tpu.memory_space<vmem>>, vector<16xf32>,
    %broadcast_in_dim3A_101 = arith.constant 0.000000e+00 : f32
    %broadcast_in_dim3A_102 = vector.broadcast %broadcast_in_dim3A_101 : f32 to vector<16xf32>
    %swap3A_103 = arith.constant 272 : index
    %swap3A_104 = tpu.vector_load %arg7[%swap3A_103] {strides = array<i32>} : memref<640xf32, #tpu.memory_space<vmem>>, vector<16xf32>,
    %swap3A_105 = vector.shape_cast %swap3A_104 : vector<16xf32> to vector<16xf32>
    %swap3A_106 = vector.shape_cast %broadcast_in_dim3A_102 : vector<16xf32> to vector<16xf32>
    tpu.vector_store %arg7[%swap3A_103], %swap3A_106 {strides = array<i32>} : memref<640xf32, #tpu.memory_space<vmem>>, vector<16xf32>,
    %broadcast_in_dim3A_107 = arith.constant 0.000000e+00 : f32
    %broadcast_in_dim3A_108 = vector.broadcast %broadcast_in_dim3A_107 : f32 to vector<16xf32>
    %swap3A_109 = arith.constant 288 : index
    %swap3A_110 = tpu.vector_load %arg7[%swap3A_109] {strides = array<i32>} : memref<640xf32, #tpu.memory_space<vmem>>, vector<16xf32>,
    %swap3A_111 = vector.shape_cast %swap3A_110 : vector<16xf32> to vector<16xf32>
    %swap3A_112 = vector.shape_cast %broadcast_in_dim3A_108 : vector<16xf32> to vector<16xf32>
    tpu.vector_store %arg7[%swap3A_109], %swap3A_112 {strides = array<i32>} : memref<640xf32, #tpu.memory_space<vmem>>, vector<16xf32>,
    %broadcast_in_dim3A_113 = arith.constant 0.000000e+00 : f32
    %broadcast_in_dim3A_114 = vector.broadcast %broadcast_in_dim3A_113 : f32 to vector<16xf32>
    %swap3A_115 = arith.constant 304 : index
    %swap3A_116 = tpu.vector_load %arg7[%swap3A_115] {strides = array<i32>} : memref<640xf32, #tpu.memory_space<vmem>>, vector<16xf32>,
    %swap3A_117 = vector.shape_cast %swap3A_116 : vector<16xf32> to vector<16xf32>
    %swap3A_118 = vector.shape_cast %broadcast_in_dim3A_114 : vector<16xf32> to vector<16xf32>
    tpu.vector_store %arg7[%swap3A_115], %swap3A_118 {strides = array<i32>} : memref<640xf32, #tpu.memory_space<vmem>>, vector<16xf32>,
    %broadcast_in_dim3A_119 = arith.constant 0.000000e+00 : f32
    %broadcast_in_dim3A_120 = vector.broadcast %broadcast_in_dim3A_119 : f32 to vector<16xf32>
    %swap3A_121 = arith.constant 320 : index
    %swap3A_122 = tpu.vector_load %arg7[%swap3A_121] {strides = array<i32>} : memref<640xf32, #tpu.memory_space<vmem>>, vector<16xf32>,
    %swap3A_123 = vector.shape_cast %swap3A_122 : vector<16xf32> to vector<16xf32>
    %swap3A_124 = vector.shape_cast %broadcast_in_dim3A_120 : vector<16xf32> to vector<16xf32>
    tpu.vector_store %arg7[%swap3A_121], %swap3A_124 {strides = array<i32>} : memref<640xf32, #tpu.memory_space<vmem>>, vector<16xf32>,
    %broadcast_in_dim3A_125 = arith.constant 0.000000e+00 : f32
    %broadcast_in_dim3A_126 = vector.broadcast %broadcast_in_dim3A_125 : f32 to vector<16xf32>
    %swap3A_127 = arith.constant 336 : index
    %swap3A_128 = tpu.vector_load %arg7[%swap3A_127] {strides = array<i32>} : memref<640xf32, #tpu.memory_space<vmem>>, vector<16xf32>,
    %swap3A_129 = vector.shape_cast %swap3A_128 : vector<16xf32> to vector<16xf32>
    %swap3A_130 = vector.shape_cast %broadcast_in_dim3A_126 : vector<16xf32> to vector<16xf32>
    tpu.vector_store %arg7[%swap3A_127], %swap3A_130 {strides = array<i32>} : memref<640xf32, #tpu.memory_space<vmem>>, vector<16xf32>,
    %broadcast_in_dim3A_131 = arith.constant 0.000000e+00 : f32
    %broadcast_in_dim3A_132 = vector.broadcast %broadcast_in_dim3A_131 : f32 to vector<16xf32>
    %swap3A_133 = arith.constant 352 : index
    %swap3A_134 = tpu.vector_load %arg7[%swap3A_133] {strides = array<i32>} : memref<640xf32, #tpu.memory_space<vmem>>, vector<16xf32>,
    %swap3A_135 = vector.shape_cast %swap3A_134 : vector<16xf32> to vector<16xf32>
    %swap3A_136 = vector.shape_cast %broadcast_in_dim3A_132 : vector<16xf32> to vector<16xf32>
    tpu.vector_store %arg7[%swap3A_133], %swap3A_136 {strides = array<i32>} : memref<640xf32, #tpu.memory_space<vmem>>, vector<16xf32>,
    %broadcast_in_dim3A_137 = arith.constant 0.000000e+00 : f32
    %broadcast_in_dim3A_138 = vector.broadcast %broadcast_in_dim3A_137 : f32 to vector<16xf32>
    %swap3A_139 = arith.constant 368 : index
    %swap3A_140 = tpu.vector_load %arg7[%swap3A_139] {strides = array<i32>} : memref<640xf32, #tpu.memory_space<vmem>>, vector<16xf32>,
    %swap3A_141 = vector.shape_cast %swap3A_140 : vector<16xf32> to vector<16xf32>
    %swap3A_142 = vector.shape_cast %broadcast_in_dim3A_138 : vector<16xf32> to vector<16xf32>
    tpu.vector_store %arg7[%swap3A_139], %swap3A_142 {strides = array<i32>} : memref<640xf32, #tpu.memory_space<vmem>>, vector<16xf32>,
    %broadcast_in_dim3A_143 = arith.constant 0.000000e+00 : f32
    %broadcast_in_dim3A_144 = vector.broadcast %broadcast_in_dim3A_143 : f32 to vector<16xf32>
    %swap3A_145 = arith.constant 384 : index
    %swap3A_146 = tpu.vector_load %arg7[%swap3A_145] {strides = array<i32>} : memref<640xf32, #tpu.memory_space<vmem>>, vector<16xf32>,
    %swap3A_147 = vector.shape_cast %swap3A_146 : vector<16xf32> to vector<16xf32>
    %swap3A_148 = vector.shape_cast %broadcast_in_dim3A_144 : vector<16xf32> to vector<16xf32>
    tpu.vector_store %arg7[%swap3A_145], %swap3A_148 {strides = array<i32>} : memref<640xf32, #tpu.memory_space<vmem>>, vector<16xf32>,
    %broadcast_in_dim3A_149 = arith.constant 0.000000e+00 : f32
    %broadcast_in_dim3A_150 = vector.broadcast %broadcast_in_dim3A_149 : f32 to vector<16xf32>
    %swap3A_151 = arith.constant 400 : index
    %swap3A_152 = tpu.vector_load %arg7[%swap3A_151] {strides = array<i32>} : memref<640xf32, #tpu.memory_space<vmem>>, vector<16xf32>,
    %swap3A_153 = vector.shape_cast %swap3A_152 : vector<16xf32> to vector<16xf32>
    %swap3A_154 = vector.shape_cast %broadcast_in_dim3A_150 : vector<16xf32> to vector<16xf32>
    tpu.vector_store %arg7[%swap3A_151], %swap3A_154 {strides = array<i32>} : memref<640xf32, #tpu.memory_space<vmem>>, vector<16xf32>,
    %broadcast_in_dim3A_155 = arith.constant 0.000000e+00 : f32
    %broadcast_in_dim3A_156 = vector.broadcast %broadcast_in_dim3A_155 : f32 to vector<16xf32>
    %swap3A_157 = arith.constant 416 : index
    %swap3A_158 = tpu.vector_load %arg7[%swap3A_157] {strides = array<i32>} : memref<640xf32, #tpu.memory_space<vmem>>, vector<16xf32>,
    %swap3A_159 = vector.shape_cast %swap3A_158 : vector<16xf32> to vector<16xf32>
    %swap3A_160 = vector.shape_cast %broadcast_in_dim3A_156 : vector<16xf32> to vector<16xf32>
    tpu.vector_store %arg7[%swap3A_157], %swap3A_160 {strides = array<i32>} : memref<640xf32, #tpu.memory_space<vmem>>, vector<16xf32>,
    %broadcast_in_dim3A_161 = arith.constant 0.000000e+00 : f32
    %broadcast_in_dim3A_162 = vector.broadcast %broadcast_in_dim3A_161 : f32 to vector<16xf32>
    %swap3A_163 = arith.constant 432 : index
    %swap3A_164 = tpu.vector_load %arg7[%swap3A_163] {strides = array<i32>} : memref<640xf32, #tpu.memory_space<vmem>>, vector<16xf32>,
    %swap3A_165 = vector.shape_cast %swap3A_164 : vector<16xf32> to vector<16xf32>
    %swap3A_166 = vector.shape_cast %broadcast_in_dim3A_162 : vector<16xf32> to vector<16xf32>
    tpu.vector_store %arg7[%swap3A_163], %swap3A_166 {strides = array<i32>} : memref<640xf32, #tpu.memory_space<vmem>>, vector<16xf32>,
    %broadcast_in_dim3A_167 = arith.constant 0.000000e+00 : f32
    %broadcast_in_dim3A_168 = vector.broadcast %broadcast_in_dim3A_167 : f32 to vector<16xf32>
    %swap3A_169 = arith.constant 448 : index
    %swap3A_170 = tpu.vector_load %arg7[%swap3A_169] {strides = array<i32>} : memref<640xf32, #tpu.memory_space<vmem>>, vector<16xf32>,
    %swap3A_171 = vector.shape_cast %swap3A_170 : vector<16xf32> to vector<16xf32>
    %swap3A_172 = vector.shape_cast %broadcast_in_dim3A_168 : vector<16xf32> to vector<16xf32>
    tpu.vector_store %arg7[%swap3A_169], %swap3A_172 {strides = array<i32>} : memref<640xf32, #tpu.memory_space<vmem>>, vector<16xf32>,
    %broadcast_in_dim3A_173 = arith.constant 0.000000e+00 : f32
    %broadcast_in_dim3A_174 = vector.broadcast %broadcast_in_dim3A_173 : f32 to vector<16xf32>
    %swap3A_175 = arith.constant 464 : index
    %swap3A_176 = tpu.vector_load %arg7[%swap3A_175] {strides = array<i32>} : memref<640xf32, #tpu.memory_space<vmem>>, vector<16xf32>,
    %swap3A_177 = vector.shape_cast %swap3A_176 : vector<16xf32> to vector<16xf32>
    %swap3A_178 = vector.shape_cast %broadcast_in_dim3A_174 : vector<16xf32> to vector<16xf32>
    tpu.vector_store %arg7[%swap3A_175], %swap3A_178 {strides = array<i32>} : memref<640xf32, #tpu.memory_space<vmem>>, vector<16xf32>,
    %broadcast_in_dim3A_179 = arith.constant 0.000000e+00 : f32
    %broadcast_in_dim3A_180 = vector.broadcast %broadcast_in_dim3A_179 : f32 to vector<16xf32>
    %swap3A_181 = arith.constant 480 : index
    %swap3A_182 = tpu.vector_load %arg7[%swap3A_181] {strides = array<i32>} : memref<640xf32, #tpu.memory_space<vmem>>, vector<16xf32>,
    %swap3A_183 = vector.shape_cast %swap3A_182 : vector<16xf32> to vector<16xf32>
    %swap3A_184 = vector.shape_cast %broadcast_in_dim3A_180 : vector<16xf32> to vector<16xf32>
    tpu.vector_store %arg7[%swap3A_181], %swap3A_184 {strides = array<i32>} : memref<640xf32, #tpu.memory_space<vmem>>, vector<16xf32>,
    %broadcast_in_dim3A_185 = arith.constant 0.000000e+00 : f32
    %broadcast_in_dim3A_186 = vector.broadcast %broadcast_in_dim3A_185 : f32 to vector<16xf32>
    %swap3A_187 = arith.constant 496 : index
    %swap3A_188 = tpu.vector_load %arg7[%swap3A_187] {strides = array<i32>} : memref<640xf32, #tpu.memory_space<vmem>>, vector<16xf32>,
    %swap3A_189 = vector.shape_cast %swap3A_188 : vector<16xf32> to vector<16xf32>
    %swap3A_190 = vector.shape_cast %broadcast_in_dim3A_186 : vector<16xf32> to vector<16xf32>
    tpu.vector_store %arg7[%swap3A_187], %swap3A_190 {strides = array<i32>} : memref<640xf32, #tpu.memory_space<vmem>>, vector<16xf32>,
    %broadcast_in_dim3A_191 = arith.constant 0.000000e+00 : f32
    %broadcast_in_dim3A_192 = vector.broadcast %broadcast_in_dim3A_191 : f32 to vector<16xf32>
    %swap3A_193 = arith.constant 512 : index
    %swap3A_194 = tpu.vector_load %arg7[%swap3A_193] {strides = array<i32>} : memref<640xf32, #tpu.memory_space<vmem>>, vector<16xf32>,
    %swap3A_195 = vector.shape_cast %swap3A_194 : vector<16xf32> to vector<16xf32>
    %swap3A_196 = vector.shape_cast %broadcast_in_dim3A_192 : vector<16xf32> to vector<16xf32>
    tpu.vector_store %arg7[%swap3A_193], %swap3A_196 {strides = array<i32>} : memref<640xf32, #tpu.memory_space<vmem>>, vector<16xf32>,
    %broadcast_in_dim3A_197 = arith.constant 0.000000e+00 : f32
    %broadcast_in_dim3A_198 = vector.broadcast %broadcast_in_dim3A_197 : f32 to vector<16xf32>
    %swap3A_199 = arith.constant 528 : index
    %swap3A_200 = tpu.vector_load %arg7[%swap3A_199] {strides = array<i32>} : memref<640xf32, #tpu.memory_space<vmem>>, vector<16xf32>,
    %swap3A_201 = vector.shape_cast %swap3A_200 : vector<16xf32> to vector<16xf32>
    %swap3A_202 = vector.shape_cast %broadcast_in_dim3A_198 : vector<16xf32> to vector<16xf32>
    tpu.vector_store %arg7[%swap3A_199], %swap3A_202 {strides = array<i32>} : memref<640xf32, #tpu.memory_space<vmem>>, vector<16xf32>,
    %broadcast_in_dim3A_203 = arith.constant 0.000000e+00 : f32
    %broadcast_in_dim3A_204 = vector.broadcast %broadcast_in_dim3A_203 : f32 to vector<16xf32>
    %swap3A_205 = arith.constant 544 : index
    %swap3A_206 = tpu.vector_load %arg7[%swap3A_205] {strides = array<i32>} : memref<640xf32, #tpu.memory_space<vmem>>, vector<16xf32>,
    %swap3A_207 = vector.shape_cast %swap3A_206 : vector<16xf32> to vector<16xf32>
    %swap3A_208 = vector.shape_cast %broadcast_in_dim3A_204 : vector<16xf32> to vector<16xf32>
    tpu.vector_store %arg7[%swap3A_205], %swap3A_208 {strides = array<i32>} : memref<640xf32, #tpu.memory_space<vmem>>, vector<16xf32>,
    %broadcast_in_dim3A_209 = arith.constant 0.000000e+00 : f32
    %broadcast_in_dim3A_210 = vector.broadcast %broadcast_in_dim3A_209 : f32 to vector<16xf32>
    %swap3A_211 = arith.constant 560 : index
    %swap3A_212 = tpu.vector_load %arg7[%swap3A_211] {strides = array<i32>} : memref<640xf32, #tpu.memory_space<vmem>>, vector<16xf32>,
    %swap3A_213 = vector.shape_cast %swap3A_212 : vector<16xf32> to vector<16xf32>
    %swap3A_214 = vector.shape_cast %broadcast_in_dim3A_210 : vector<16xf32> to vector<16xf32>
    tpu.vector_store %arg7[%swap3A_211], %swap3A_214 {strides = array<i32>} : memref<640xf32, #tpu.memory_space<vmem>>, vector<16xf32>,
    %broadcast_in_dim3A_215 = arith.constant 0.000000e+00 : f32
    %broadcast_in_dim3A_216 = vector.broadcast %broadcast_in_dim3A_215 : f32 to vector<16xf32>
    %swap3A_217 = arith.constant 576 : index
    %swap3A_218 = tpu.vector_load %arg7[%swap3A_217] {strides = array<i32>} : memref<640xf32, #tpu.memory_space<vmem>>, vector<16xf32>,
    %swap3A_219 = vector.shape_cast %swap3A_218 : vector<16xf32> to vector<16xf32>
    %swap3A_220 = vector.shape_cast %broadcast_in_dim3A_216 : vector<16xf32> to vector<16xf32>
    tpu.vector_store %arg7[%swap3A_217], %swap3A_220 {strides = array<i32>} : memref<640xf32, #tpu.memory_space<vmem>>, vector<16xf32>,
    %broadcast_in_dim3A_221 = arith.constant 0.000000e+00 : f32
    %broadcast_in_dim3A_222 = vector.broadcast %broadcast_in_dim3A_221 : f32 to vector<16xf32>
    %swap3A_223 = arith.constant 592 : index
    %swap3A_224 = tpu.vector_load %arg7[%swap3A_223] {strides = array<i32>} : memref<640xf32, #tpu.memory_space<vmem>>, vector<16xf32>,
    %swap3A_225 = vector.shape_cast %swap3A_224 : vector<16xf32> to vector<16xf32>
    %swap3A_226 = vector.shape_cast %broadcast_in_dim3A_222 : vector<16xf32> to vector<16xf32>
    tpu.vector_store %arg7[%swap3A_223], %swap3A_226 {strides = array<i32>} : memref<640xf32, #tpu.memory_space<vmem>>, vector<16xf32>,
    %broadcast_in_dim3A_227 = arith.constant 0.000000e+00 : f32
    %broadcast_in_dim3A_228 = vector.broadcast %broadcast_in_dim3A_227 : f32 to vector<16xf32>
    %swap3A_229 = arith.constant 608 : index
    %swap3A_230 = tpu.vector_load %arg7[%swap3A_229] {strides = array<i32>} : memref<640xf32, #tpu.memory_space<vmem>>, vector<16xf32>,
    %swap3A_231 = vector.shape_cast %swap3A_230 : vector<16xf32> to vector<16xf32>
    %swap3A_232 = vector.shape_cast %broadcast_in_dim3A_228 : vector<16xf32> to vector<16xf32>
    tpu.vector_store %arg7[%swap3A_229], %swap3A_232 {strides = array<i32>} : memref<640xf32, #tpu.memory_space<vmem>>, vector<16xf32>,
    %broadcast_in_dim3A_233 = arith.constant 0.000000e+00 : f32
    %broadcast_in_dim3A_234 = vector.broadcast %broadcast_in_dim3A_233 : f32 to vector<16xf32>
    %swap3A_235 = arith.constant 624 : index
    %swap3A_236 = tpu.vector_load %arg7[%swap3A_235] {strides = array<i32>} : memref<640xf32, #tpu.memory_space<vmem>>, vector<16xf32>,
    %swap3A_237 = vector.shape_cast %swap3A_236 : vector<16xf32> to vector<16xf32>
    %swap3A_238 = vector.shape_cast %broadcast_in_dim3A_234 : vector<16xf32> to vector<16xf32>
    tpu.vector_store %arg7[%swap3A_235], %swap3A_238 {strides = array<i32>} : memref<640xf32, #tpu.memory_space<vmem>>, vector<16xf32>,
    %broadcast_in_dim3A_239 = arith.constant 1.000000e+00 : f32
    %broadcast_in_dim3A_240 = vector.broadcast %broadcast_in_dim3A_239 : f32 to vector<16xf32>
    %swap3A_241 = arith.constant 0 : index
    %swap3A_242 = tpu.vector_load %arg6[%swap3A_241] {strides = array<i32>} : memref<128xf32, #tpu.memory_space<vmem>>, vector<16xf32>,
    %swap3A_243 = vector.shape_cast %swap3A_242 : vector<16xf32> to vector<16xf32>
    %swap3A_244 = vector.shape_cast %broadcast_in_dim3A_240 : vector<16xf32> to vector<16xf32>
    tpu.vector_store %arg6[%swap3A_241], %swap3A_244 {strides = array<i32>} : memref<128xf32, #tpu.memory_space<vmem>>, vector<16xf32>,
    %broadcast_in_dim3A_245 = arith.constant 1.000000e+00 : f32
    %broadcast_in_dim3A_246 = vector.broadcast %broadcast_in_dim3A_245 : f32 to vector<16xf32>
    %swap3A_247 = arith.constant 16 : index
    %swap3A_248 = tpu.vector_load %arg6[%swap3A_247] {strides = array<i32>} : memref<128xf32, #tpu.memory_space<vmem>>, vector<16xf32>,
    %swap3A_249 = vector.shape_cast %swap3A_248 : vector<16xf32> to vector<16xf32>
    %swap3A_250 = vector.shape_cast %broadcast_in_dim3A_246 : vector<16xf32> to vector<16xf32>
    tpu.vector_store %arg6[%swap3A_247], %swap3A_250 {strides = array<i32>} : memref<128xf32, #tpu.memory_space<vmem>>, vector<16xf32>,
    %broadcast_in_dim3A_251 = arith.constant 1.000000e+00 : f32
    %broadcast_in_dim3A_252 = vector.broadcast %broadcast_in_dim3A_251 : f32 to vector<16xf32>
    %swap3A_253 = arith.constant 32 : index
    %swap3A_254 = tpu.vector_load %arg6[%swap3A_253] {strides = array<i32>} : memref<128xf32, #tpu.memory_space<vmem>>, vector<16xf32>,
    %swap3A_255 = vector.shape_cast %swap3A_254 : vector<16xf32> to vector<16xf32>
    %swap3A_256 = vector.shape_cast %broadcast_in_dim3A_252 : vector<16xf32> to vector<16xf32>
    tpu.vector_store %arg6[%swap3A_253], %swap3A_256 {strides = array<i32>} : memref<128xf32, #tpu.memory_space<vmem>>, vector<16xf32>,
    %broadcast_in_dim3A_257 = arith.constant 1.000000e+00 : f32
    %broadcast_in_dim3A_258 = vector.broadcast %broadcast_in_dim3A_257 : f32 to vector<16xf32>
    %swap3A_259 = arith.constant 48 : index
    %swap3A_260 = tpu.vector_load %arg6[%swap3A_259] {strides = array<i32>} : memref<128xf32, #tpu.memory_space<vmem>>, vector<16xf32>,
    %swap3A_261 = vector.shape_cast %swap3A_260 : vector<16xf32> to vector<16xf32>
    %swap3A_262 = vector.shape_cast %broadcast_in_dim3A_258 : vector<16xf32> to vector<16xf32>
    tpu.vector_store %arg6[%swap3A_259], %swap3A_262 {strides = array<i32>} : memref<128xf32, #tpu.memory_space<vmem>>, vector<16xf32>,
    %broadcast_in_dim3A_263 = arith.constant 1.000000e+00 : f32
    %broadcast_in_dim3A_264 = vector.broadcast %broadcast_in_dim3A_263 : f32 to vector<16xf32>
    %swap3A_265 = arith.constant 64 : index
    %swap3A_266 = tpu.vector_load %arg6[%swap3A_265] {strides = array<i32>} : memref<128xf32, #tpu.memory_space<vmem>>, vector<16xf32>,
    %swap3A_267 = vector.shape_cast %swap3A_266 : vector<16xf32> to vector<16xf32>
    %swap3A_268 = vector.shape_cast %broadcast_in_dim3A_264 : vector<16xf32> to vector<16xf32>
    tpu.vector_store %arg6[%swap3A_265], %swap3A_268 {strides = array<i32>} : memref<128xf32, #tpu.memory_space<vmem>>, vector<16xf32>,
    %broadcast_in_dim3A_269 = arith.constant 1.000000e+00 : f32
    %broadcast_in_dim3A_270 = vector.broadcast %broadcast_in_dim3A_269 : f32 to vector<16xf32>
    %swap3A_271 = arith.constant 80 : index
    %swap3A_272 = tpu.vector_load %arg6[%swap3A_271] {strides = array<i32>} : memref<128xf32, #tpu.memory_space<vmem>>, vector<16xf32>,
    %swap3A_273 = vector.shape_cast %swap3A_272 : vector<16xf32> to vector<16xf32>
    %swap3A_274 = vector.shape_cast %broadcast_in_dim3A_270 : vector<16xf32> to vector<16xf32>
    tpu.vector_store %arg6[%swap3A_271], %swap3A_274 {strides = array<i32>} : memref<128xf32, #tpu.memory_space<vmem>>, vector<16xf32>,
    %broadcast_in_dim3A_275 = arith.constant 1.000000e+00 : f32
    %broadcast_in_dim3A_276 = vector.broadcast %broadcast_in_dim3A_275 : f32 to vector<16xf32>
    %swap3A_277 = arith.constant 96 : index
    %swap3A_278 = tpu.vector_load %arg6[%swap3A_277] {strides = array<i32>} : memref<128xf32, #tpu.memory_space<vmem>>, vector<16xf32>,
    %swap3A_279 = vector.shape_cast %swap3A_278 : vector<16xf32> to vector<16xf32>
    %swap3A_280 = vector.shape_cast %broadcast_in_dim3A_276 : vector<16xf32> to vector<16xf32>
    tpu.vector_store %arg6[%swap3A_277], %swap3A_280 {strides = array<i32>} : memref<128xf32, #tpu.memory_space<vmem>>, vector<16xf32>,
    %broadcast_in_dim3A_281 = arith.constant 1.000000e+00 : f32
    %broadcast_in_dim3A_282 = vector.broadcast %broadcast_in_dim3A_281 : f32 to vector<16xf32>
    %swap3A_283 = arith.constant 112 : index
    %swap3A_284 = tpu.vector_load %arg6[%swap3A_283] {strides = array<i32>} : memref<128xf32, #tpu.memory_space<vmem>>, vector<16xf32>,
    %swap3A_285 = vector.shape_cast %swap3A_284 : vector<16xf32> to vector<16xf32>
    %swap3A_286 = vector.shape_cast %broadcast_in_dim3A_282 : vector<16xf32> to vector<16xf32>
    tpu.vector_store %arg6[%swap3A_283], %swap3A_286 {strides = array<i32>} : memref<128xf32, #tpu.memory_space<vmem>>, vector<16xf32>,
    %mul3A_287 = arith.constant 640 : i32
    %mul3A_288 = arith.muli %arg1, %mul3A_287 : i32
    "tpu.region"() ({
      %run_scoped3A = tpu.sem_alloc : memref<!tpu.dma_semaphore, #tpu.memory_space<semaphore_mem>>
      %dma_start3A_372 = tpu.memref_slice %arg4[%mul3A_288] : memref<10240xf32, #tpu.memory_space<vmem_shared>> -> memref<640xf32, #tpu.memory_space<vmem_shared>>
      %dma_start3A_373 = tpu.memref_slice %arg4[%mul3A_288] : memref<10240xf32, #tpu.memory_space<vmem_shared>> -> memref<640xf32, #tpu.memory_space<vmem_shared>>
      tpu.enqueue_dma source(%arg7 : memref<640xf32, #tpu.memory_space<vmem>>) target(%dma_start3A_373 : memref<640xf32, #tpu.memory_space<vmem_shared>>) target_semaphore(%run_scoped3A : memref<!tpu.dma_semaphore, #tpu.memory_space<semaphore_mem>>)
      %dma_wait3A = tpu.memref_slice %arg4[%mul3A_288] : memref<10240xf32, #tpu.memory_space<vmem_shared>> -> memref<640xf32, #tpu.memory_space<vmem_shared>>
      %dma_wait3A_374 = tpu.memref_slice %arg4[%mul3A_288] : memref<10240xf32, #tpu.memory_space<vmem_shared>> -> memref<640xf32, #tpu.memory_space<vmem_shared>>
      tpu.wait_dma2 semaphore(%run_scoped3A : memref<!tpu.dma_semaphore, #tpu.memory_space<semaphore_mem>>) src(%arg7 : memref<640xf32, #tpu.memory_space<vmem>>) dst(%dma_wait3A_374 : memref<640xf32, #tpu.memory_space<vmem_shared>>)
      tpu.yield
    }) : () -> ()
    %barrier3A = arith.constant 0 : index
    tpu.barrier barrier_id(%barrier3A)
    %mul3A_289 = arith.constant 80 : i32
    %mul3A_290 = arith.muli %add3A, %mul3A_289 : i32
    %add3A_291 = arith.constant 0 : i32
    %add3A_292 = arith.addi %mul3A_290, %add3A_291 : i32
    %dma_start3A = arith.constant 0 : i32
    %dma_start3A_293 = arith.constant 0 : i32
    %dma_start3A_294 = arith.constant 0 : i32
    %dma_start3A_295 = tpu.memref_slice %arg5[%dma_start3A, %dma_start3A_294] : memref<4x128xi32, #tpu.memory_space<vmem>> -> memref<1x128xi32, #tpu.memory_space<vmem>>
    %dma_start3A_296 = tpu.memref_squeeze %dma_start3A_295 : memref<1x128xi32, #tpu.memory_space<vmem>> -> memref<128xi32, #tpu.memory_space<vmem>>
    %dma_start3A_297 = arith.constant 0 : i32
    %dma_start3A_298 = tpu.memref_slice %arg2[%add3A_292, %dma_start3A_297] : memref<2560x128xi32, #tpu.memory_space<hbm>> -> memref<1x128xi32, #tpu.memory_space<hbm>>
    %dma_start3A_299 = tpu.memref_squeeze %dma_start3A_298 : memref<1x128xi32, #tpu.memory_space<hbm>> -> memref<128xi32, #tpu.memory_space<hbm>>
    %dma_start3A_300 = tpu.memref_slice %arg8[%dma_start3A_293] : memref<4x!tpu.dma_semaphore, #tpu.memory_space<semaphore_mem>> -> memref<1x!tpu.dma_semaphore, #tpu.memory_space<semaphore_mem>>
    %dma_start3A_301 = tpu.memref_squeeze %dma_start3A_300 : memref<1x!tpu.dma_semaphore, #tpu.memory_space<semaphore_mem>> -> memref<!tpu.dma_semaphore, #tpu.memory_space<semaphore_mem>>
    %dma_start3A_302 = arith.constant 0 : i32
    %dma_start3A_303 = tpu.memref_slice %arg5[%dma_start3A, %dma_start3A_302] : memref<4x128xi32, #tpu.memory_space<vmem>> -> memref<1x128xi32, #tpu.memory_space<vmem>>
    %dma_start3A_304 = tpu.memref_squeeze %dma_start3A_303 : memref<1x128xi32, #tpu.memory_space<vmem>> -> memref<128xi32, #tpu.memory_space<vmem>>
    %dma_start3A_305 = arith.constant 0 : i32
    %dma_start3A_306 = tpu.memref_slice %arg2[%add3A_292, %dma_start3A_305] : memref<2560x128xi32, #tpu.memory_space<hbm>> -> memref<1x128xi32, #tpu.memory_space<hbm>>
    %dma_start3A_307 = tpu.memref_squeeze %dma_start3A_306 : memref<1x128xi32, #tpu.memory_space<hbm>> -> memref<128xi32, #tpu.memory_space<hbm>>
    tpu.enqueue_dma source(%dma_start3A_307 : memref<128xi32, #tpu.memory_space<hbm>>) target(%dma_start3A_304 : memref<128xi32, #tpu.memory_space<vmem>>) target_semaphore(%dma_start3A_301 : memref<!tpu.dma_semaphore, #tpu.memory_space<semaphore_mem>>)
    %add3A_308 = arith.constant 1 : i32
    %add3A_309 = arith.addi %mul3A_290, %add3A_308 : i32
    %dma_start3A_310 = arith.constant 1 : i32
    %dma_start3A_311 = arith.constant 1 : i32
    %dma_start3A_312 = arith.constant 0 : i32
    %dma_start3A_313 = tpu.memref_slice %arg5[%dma_start3A_310, %dma_start3A_312] : memref<4x128xi32, #tpu.memory_space<vmem>> -> memref<1x128xi32, #tpu.memory_space<vmem>>
    %dma_start3A_314 = tpu.memref_squeeze %dma_start3A_313 : memref<1x128xi32, #tpu.memory_space<vmem>> -> memref<128xi32, #tpu.memory_space<vmem>>
    %dma_start3A_315 = arith.constant 0 : i32
    %dma_start3A_316 = tpu.memref_slice %arg2[%add3A_309, %dma_start3A_315] : memref<2560x128xi32, #tpu.memory_space<hbm>> -> memref<1x128xi32, #tpu.memory_space<hbm>>
    %dma_start3A_317 = tpu.memref_squeeze %dma_start3A_316 : memref<1x128xi32, #tpu.memory_space<hbm>> -> memref<128xi32, #tpu.memory_space<hbm>>
    %dma_start3A_318 = tpu.memref_slice %arg8[%dma_start3A_311] : memref<4x!tpu.dma_semaphore, #tpu.memory_space<semaphore_mem>> -> memref<1x!tpu.dma_semaphore, #tpu.memory_space<semaphore_mem>>
    %dma_start3A_319 = tpu.memref_squeeze %dma_start3A_318 : memref<1x!tpu.dma_semaphore, #tpu.memory_space<semaphore_mem>> -> memref<!tpu.dma_semaphore, #tpu.memory_space<semaphore_mem>>
    %dma_start3A_320 = arith.constant 0 : i32
    %dma_start3A_321 = tpu.memref_slice %arg5[%dma_start3A_310, %dma_start3A_320] : memref<4x128xi32, #tpu.memory_space<vmem>> -> memref<1x128xi32, #tpu.memory_space<vmem>>
    %dma_start3A_322 = tpu.memref_squeeze %dma_start3A_321 : memref<1x128xi32, #tpu.memory_space<vmem>> -> memref<128xi32, #tpu.memory_space<vmem>>
    %dma_start3A_323 = arith.constant 0 : i32
    %dma_start3A_324 = tpu.memref_slice %arg2[%add3A_309, %dma_start3A_323] : memref<2560x128xi32, #tpu.memory_space<hbm>> -> memref<1x128xi32, #tpu.memory_space<hbm>>
    %dma_start3A_325 = tpu.memref_squeeze %dma_start3A_324 : memref<1x128xi32, #tpu.memory_space<hbm>> -> memref<128xi32, #tpu.memory_space<hbm>>
    tpu.enqueue_dma source(%dma_start3A_325 : memref<128xi32, #tpu.memory_space<hbm>>) target(%dma_start3A_322 : memref<128xi32, #tpu.memory_space<vmem>>) target_semaphore(%dma_start3A_319 : memref<!tpu.dma_semaphore, #tpu.memory_space<semaphore_mem>>)
    %add3A_326 = arith.constant 2 : i32
    %add3A_327 = arith.addi %mul3A_290, %add3A_326 : i32
    %dma_start3A_328 = arith.constant 2 : i32
    %dma_start3A_329 = arith.constant 2 : i32
    %dma_start3A_330 = arith.constant 0 : i32
    %dma_start3A_331 = tpu.memref_slice %arg5[%dma_start3A_328, %dma_start3A_330] : memref<4x128xi32, #tpu.memory_space<vmem>> -> memref<1x128xi32, #tpu.memory_space<vmem>>
    %dma_start3A_332 = tpu.memref_squeeze %dma_start3A_331 : memref<1x128xi32, #tpu.memory_space<vmem>> -> memref<128xi32, #tpu.memory_space<vmem>>
    %dma_start3A_333 = arith.constant 0 : i32
    %dma_start3A_334 = tpu.memref_slice %arg2[%add3A_327, %dma_start3A_333] : memref<2560x128xi32, #tpu.memory_space<hbm>> -> memref<1x128xi32, #tpu.memory_space<hbm>>
    %dma_start3A_335 = tpu.memref_squeeze %dma_start3A_334 : memref<1x128xi32, #tpu.memory_space<hbm>> -> memref<128xi32, #tpu.memory_space<hbm>>
    %dma_start3A_336 = tpu.memref_slice %arg8[%dma_start3A_329] : memref<4x!tpu.dma_semaphore, #tpu.memory_space<semaphore_mem>> -> memref<1x!tpu.dma_semaphore, #tpu.memory_space<semaphore_mem>>
    %dma_start3A_337 = tpu.memref_squeeze %dma_start3A_336 : memref<1x!tpu.dma_semaphore, #tpu.memory_space<semaphore_mem>> -> memref<!tpu.dma_semaphore, #tpu.memory_space<semaphore_mem>>
    %dma_start3A_338 = arith.constant 0 : i32
    %dma_start3A_339 = tpu.memref_slice %arg5[%dma_start3A_328, %dma_start3A_338] : memref<4x128xi32, #tpu.memory_space<vmem>> -> memref<1x128xi32, #tpu.memory_space<vmem>>
    %dma_start3A_340 = tpu.memref_squeeze %dma_start3A_339 : memref<1x128xi32, #tpu.memory_space<vmem>> -> memref<128xi32, #tpu.memory_space<vmem>>
    %dma_start3A_341 = arith.constant 0 : i32
    %dma_start3A_342 = tpu.memref_slice %arg2[%add3A_327, %dma_start3A_341] : memref<2560x128xi32, #tpu.memory_space<hbm>> -> memref<1x128xi32, #tpu.memory_space<hbm>>
    %dma_start3A_343 = tpu.memref_squeeze %dma_start3A_342 : memref<1x128xi32, #tpu.memory_space<hbm>> -> memref<128xi32, #tpu.memory_space<hbm>>
    tpu.enqueue_dma source(%dma_start3A_343 : memref<128xi32, #tpu.memory_space<hbm>>) target(%dma_start3A_340 : memref<128xi32, #tpu.memory_space<vmem>>) target_semaphore(%dma_start3A_337 : memref<!tpu.dma_semaphore, #tpu.memory_space<semaphore_mem>>)
    %add3A_344 = arith.constant 3 : i32
    %add3A_345 = arith.addi %mul3A_290, %add3A_344 : i32
    %dma_start3A_346 = arith.constant 3 : i32
    %dma_start3A_347 = arith.constant 3 : i32
    %dma_start3A_348 = arith.constant 0 : i32
    %dma_start3A_349 = tpu.memref_slice %arg5[%dma_start3A_346, %dma_start3A_348] : memref<4x128xi32, #tpu.memory_space<vmem>> -> memref<1x128xi32, #tpu.memory_space<vmem>>
    %dma_start3A_350 = tpu.memref_squeeze %dma_start3A_349 : memref<1x128xi32, #tpu.memory_space<vmem>> -> memref<128xi32, #tpu.memory_space<vmem>>
    %dma_start3A_351 = arith.constant 0 : i32
    %dma_start3A_352 = tpu.memref_slice %arg2[%add3A_345, %dma_start3A_351] : memref<2560x128xi32, #tpu.memory_space<hbm>> -> memref<1x128xi32, #tpu.memory_space<hbm>>
    %dma_start3A_353 = tpu.memref_squeeze %dma_start3A_352 : memref<1x128xi32, #tpu.memory_space<hbm>> -> memref<128xi32, #tpu.memory_space<hbm>>
    %dma_start3A_354 = tpu.memref_slice %arg8[%dma_start3A_347] : memref<4x!tpu.dma_semaphore, #tpu.memory_space<semaphore_mem>> -> memref<1x!tpu.dma_semaphore, #tpu.memory_space<semaphore_mem>>
    %dma_start3A_355 = tpu.memref_squeeze %dma_start3A_354 : memref<1x!tpu.dma_semaphore, #tpu.memory_space<semaphore_mem>> -> memref<!tpu.dma_semaphore, #tpu.memory_space<semaphore_mem>>
    %dma_start3A_356 = arith.constant 0 : i32
    %dma_start3A_357 = tpu.memref_slice %arg5[%dma_start3A_346, %dma_start3A_356] : memref<4x128xi32, #tpu.memory_space<vmem>> -> memref<1x128xi32, #tpu.memory_space<vmem>>
    %dma_start3A_358 = tpu.memref_squeeze %dma_start3A_357 : memref<1x128xi32, #tpu.memory_space<vmem>> -> memref<128xi32, #tpu.memory_space<vmem>>
    %dma_start3A_359 = arith.constant 0 : i32
    %dma_start3A_360 = tpu.memref_slice %arg2[%add3A_345, %dma_start3A_359] : memref<2560x128xi32, #tpu.memory_space<hbm>> -> memref<1x128xi32, #tpu.memory_space<hbm>>
    %dma_start3A_361 = tpu.memref_squeeze %dma_start3A_360 : memref<1x128xi32, #tpu.memory_space<hbm>> -> memref<128xi32, #tpu.memory_space<hbm>>
    tpu.enqueue_dma source(%dma_start3A_361 : memref<128xi32, #tpu.memory_space<hbm>>) target(%dma_start3A_358 : memref<128xi32, #tpu.memory_space<vmem>>) target_semaphore(%dma_start3A_355 : memref<!tpu.dma_semaphore, #tpu.memory_space<semaphore_mem>>)
    %scan3A = arith.constant 0 : i32
    %scan3A_362 = arith.constant 0 : i32
    %scan3A_363 = arith.constant 20 : i32
    %scan3A_364 = arith.addi %scan3A_362, %scan3A_363 : i32
    %scan3A_365 = arith.constant 1 : i32
    scf.for %scan3A_372 = %scan3A_362 to %scan3A_364 step %scan3A_365  : i32 {
      %mul3A_373 = arith.constant 4 : i32
      %mul3A_374 = arith.muli %scan3A_372, %mul3A_373 : i32
      %add3A_375 = arith.constant 0 : i32
      %add3A_376 = arith.addi %mul3A_374, %add3A_375 : i32
      %add3A_377 = arith.addi %mul3A_290, %add3A_376 : i32
      %dma_wait3A = arith.constant 0 : i32
      %dma_wait3A_378 = arith.constant 0 : i32
      %dma_wait3A_379 = arith.constant 0 : i32
      %dma_wait3A_380 = tpu.memref_slice %arg5[%dma_wait3A, %dma_wait3A_379] : memref<4x128xi32, #tpu.memory_space<vmem>> -> memref<1x128xi32, #tpu.memory_space<vmem>>
      %dma_wait3A_381 = tpu.memref_squeeze %dma_wait3A_380 : memref<1x128xi32, #tpu.memory_space<vmem>> -> memref<128xi32, #tpu.memory_space<vmem>>
      %dma_wait3A_382 = arith.constant 0 : i32
      %dma_wait3A_383 = tpu.memref_slice %arg2[%add3A_377, %dma_wait3A_382] : memref<2560x128xi32, #tpu.memory_space<hbm>> -> memref<1x128xi32, #tpu.memory_space<hbm>>
      %dma_wait3A_384 = tpu.memref_squeeze %dma_wait3A_383 : memref<1x128xi32, #tpu.memory_space<hbm>> -> memref<128xi32, #tpu.memory_space<hbm>>
      %dma_wait3A_385 = tpu.memref_slice %arg8[%dma_wait3A_378] : memref<4x!tpu.dma_semaphore, #tpu.memory_space<semaphore_mem>> -> memref<1x!tpu.dma_semaphore, #tpu.memory_space<semaphore_mem>>
      %dma_wait3A_386 = tpu.memref_squeeze %dma_wait3A_385 : memref<1x!tpu.dma_semaphore, #tpu.memory_space<semaphore_mem>> -> memref<!tpu.dma_semaphore, #tpu.memory_space<semaphore_mem>>
      %dma_wait3A_387 = arith.constant 0 : i32
      %dma_wait3A_388 = tpu.memref_slice %arg5[%dma_wait3A, %dma_wait3A_387] : memref<4x128xi32, #tpu.memory_space<vmem>> -> memref<1x128xi32, #tpu.memory_space<vmem>>
      %dma_wait3A_389 = tpu.memref_squeeze %dma_wait3A_388 : memref<1x128xi32, #tpu.memory_space<vmem>> -> memref<128xi32, #tpu.memory_space<vmem>>
      %dma_wait3A_390 = arith.constant 0 : i32
      %dma_wait3A_391 = tpu.memref_slice %arg2[%add3A_377, %dma_wait3A_390] : memref<2560x128xi32, #tpu.memory_space<hbm>> -> memref<1x128xi32, #tpu.memory_space<hbm>>
      %dma_wait3A_392 = tpu.memref_squeeze %dma_wait3A_391 : memref<1x128xi32, #tpu.memory_space<hbm>> -> memref<128xi32, #tpu.memory_space<hbm>>
      tpu.wait_dma2 semaphore(%dma_wait3A_386 : memref<!tpu.dma_semaphore, #tpu.memory_space<semaphore_mem>>) src(%dma_wait3A_392 : memref<128xi32, #tpu.memory_space<hbm>>) dst(%dma_wait3A_389 : memref<128xi32, #tpu.memory_space<vmem>>)
      %dma_start3A_393 = arith.constant 0 : i32
      %dma_start3A_394 = arith.constant 0 : i32
      %dma_start3A_395 = arith.constant 0 : i32
      %dma_start3A_396 = tpu.memref_slice %arg5[%dma_start3A_393, %dma_start3A_395] : memref<4x128xi32, #tpu.memory_space<vmem>> -> memref<1x128xi32, #tpu.memory_space<vmem>>
      %dma_start3A_397 = tpu.memref_squeeze %dma_start3A_396 : memref<1x128xi32, #tpu.memory_space<vmem>> -> memref<128xi32, #tpu.memory_space<vmem>>
      %dma_start3A_398 = arith.constant 0 : i32
      %dma_start3A_399 = tpu.memref_slice %arg4[%dma_start3A_398] : memref<10240xf32, #tpu.memory_space<vmem_shared>> -> memref<10240xf32, #tpu.memory_space<vmem_shared>>
      %dma_start3A_400 = tpu.memref_slice %arg9[%dma_start3A_394] : memref<4x!tpu.dma_semaphore, #tpu.memory_space<semaphore_mem>> -> memref<1x!tpu.dma_semaphore, #tpu.memory_space<semaphore_mem>>
      %dma_start3A_401 = tpu.memref_squeeze %dma_start3A_400 : memref<1x!tpu.dma_semaphore, #tpu.memory_space<semaphore_mem>> -> memref<!tpu.dma_semaphore, #tpu.memory_space<semaphore_mem>>
      tpu.enqueue_indirect_dma source(%arg6 : memref<128xf32, #tpu.memory_space<vmem>>) target(%dma_start3A_399 : memref<10240xf32, #tpu.memory_space<vmem_shared>>) offsets(%dma_start3A_397 : memref<128xi32, #tpu.memory_space<vmem>>) semaphore(%dma_start3A_401 : memref<!tpu.dma_semaphore, #tpu.memory_space<semaphore_mem>>) {add = true}
      %add3A_402 = arith.constant 1 : i32
      %add3A_403 = arith.addi %mul3A_374, %add3A_402 : i32
      %add3A_404 = arith.addi %mul3A_290, %add3A_403 : i32
      %dma_wait3A_405 = arith.constant 1 : i32
      %dma_wait3A_406 = arith.constant 1 : i32
      %dma_wait3A_407 = arith.constant 0 : i32
      %dma_wait3A_408 = tpu.memref_slice %arg5[%dma_wait3A_405, %dma_wait3A_407] : memref<4x128xi32, #tpu.memory_space<vmem>> -> memref<1x128xi32, #tpu.memory_space<vmem>>
      %dma_wait3A_409 = tpu.memref_squeeze %dma_wait3A_408 : memref<1x128xi32, #tpu.memory_space<vmem>> -> memref<128xi32, #tpu.memory_space<vmem>>
      %dma_wait3A_410 = arith.constant 0 : i32
      %dma_wait3A_411 = tpu.memref_slice %arg2[%add3A_404, %dma_wait3A_410] : memref<2560x128xi32, #tpu.memory_space<hbm>> -> memref<1x128xi32, #tpu.memory_space<hbm>>
      %dma_wait3A_412 = tpu.memref_squeeze %dma_wait3A_411 : memref<1x128xi32, #tpu.memory_space<hbm>> -> memref<128xi32, #tpu.memory_space<hbm>>
      %dma_wait3A_413 = tpu.memref_slice %arg8[%dma_wait3A_406] : memref<4x!tpu.dma_semaphore, #tpu.memory_space<semaphore_mem>> -> memref<1x!tpu.dma_semaphore, #tpu.memory_space<semaphore_mem>>
      %dma_wait3A_414 = tpu.memref_squeeze %dma_wait3A_413 : memref<1x!tpu.dma_semaphore, #tpu.memory_space<semaphore_mem>> -> memref<!tpu.dma_semaphore, #tpu.memory_space<semaphore_mem>>
      %dma_wait3A_415 = arith.constant 0 : i32
      %dma_wait3A_416 = tpu.memref_slice %arg5[%dma_wait3A_405, %dma_wait3A_415] : memref<4x128xi32, #tpu.memory_space<vmem>> -> memref<1x128xi32, #tpu.memory_space<vmem>>
      %dma_wait3A_417 = tpu.memref_squeeze %dma_wait3A_416 : memref<1x128xi32, #tpu.memory_space<vmem>> -> memref<128xi32, #tpu.memory_space<vmem>>
      %dma_wait3A_418 = arith.constant 0 : i32
      %dma_wait3A_419 = tpu.memref_slice %arg2[%add3A_404, %dma_wait3A_418] : memref<2560x128xi32, #tpu.memory_space<hbm>> -> memref<1x128xi32, #tpu.memory_space<hbm>>
      %dma_wait3A_420 = tpu.memref_squeeze %dma_wait3A_419 : memref<1x128xi32, #tpu.memory_space<hbm>> -> memref<128xi32, #tpu.memory_space<hbm>>
      tpu.wait_dma2 semaphore(%dma_wait3A_414 : memref<!tpu.dma_semaphore, #tpu.memory_space<semaphore_mem>>) src(%dma_wait3A_420 : memref<128xi32, #tpu.memory_space<hbm>>) dst(%dma_wait3A_417 : memref<128xi32, #tpu.memory_space<vmem>>)
      %dma_start3A_421 = arith.constant 1 : i32
      %dma_start3A_422 = arith.constant 1 : i32
      %dma_start3A_423 = arith.constant 0 : i32
      %dma_start3A_424 = tpu.memref_slice %arg5[%dma_start3A_421, %dma_start3A_423] : memref<4x128xi32, #tpu.memory_space<vmem>> -> memref<1x128xi32, #tpu.memory_space<vmem>>
      %dma_start3A_425 = tpu.memref_squeeze %dma_start3A_424 : memref<1x128xi32, #tpu.memory_space<vmem>> -> memref<128xi32, #tpu.memory_space<vmem>>
      %dma_start3A_426 = arith.constant 0 : i32
      %dma_start3A_427 = tpu.memref_slice %arg4[%dma_start3A_426] : memref<10240xf32, #tpu.memory_space<vmem_shared>> -> memref<10240xf32, #tpu.memory_space<vmem_shared>>
      %dma_start3A_428 = tpu.memref_slice %arg9[%dma_start3A_422] : memref<4x!tpu.dma_semaphore, #tpu.memory_space<semaphore_mem>> -> memref<1x!tpu.dma_semaphore, #tpu.memory_space<semaphore_mem>>
      %dma_start3A_429 = tpu.memref_squeeze %dma_start3A_428 : memref<1x!tpu.dma_semaphore, #tpu.memory_space<semaphore_mem>> -> memref<!tpu.dma_semaphore, #tpu.memory_space<semaphore_mem>>
      tpu.enqueue_indirect_dma source(%arg6 : memref<128xf32, #tpu.memory_space<vmem>>) target(%dma_start3A_427 : memref<10240xf32, #tpu.memory_space<vmem_shared>>) offsets(%dma_start3A_425 : memref<128xi32, #tpu.memory_space<vmem>>) semaphore(%dma_start3A_429 : memref<!tpu.dma_semaphore, #tpu.memory_space<semaphore_mem>>) {add = true}
      %add3A_430 = arith.constant 2 : i32
      %add3A_431 = arith.addi %mul3A_374, %add3A_430 : i32
      %add3A_432 = arith.addi %mul3A_290, %add3A_431 : i32
      %dma_wait3A_433 = arith.constant 2 : i32
      %dma_wait3A_434 = arith.constant 2 : i32
      %dma_wait3A_435 = arith.constant 0 : i32
      %dma_wait3A_436 = tpu.memref_slice %arg5[%dma_wait3A_433, %dma_wait3A_435] : memref<4x128xi32, #tpu.memory_space<vmem>> -> memref<1x128xi32, #tpu.memory_space<vmem>>
      %dma_wait3A_437 = tpu.memref_squeeze %dma_wait3A_436 : memref<1x128xi32, #tpu.memory_space<vmem>> -> memref<128xi32, #tpu.memory_space<vmem>>
      %dma_wait3A_438 = arith.constant 0 : i32
      %dma_wait3A_439 = tpu.memref_slice %arg2[%add3A_432, %dma_wait3A_438] : memref<2560x128xi32, #tpu.memory_space<hbm>> -> memref<1x128xi32, #tpu.memory_space<hbm>>
      %dma_wait3A_440 = tpu.memref_squeeze %dma_wait3A_439 : memref<1x128xi32, #tpu.memory_space<hbm>> -> memref<128xi32, #tpu.memory_space<hbm>>
      %dma_wait3A_441 = tpu.memref_slice %arg8[%dma_wait3A_434] : memref<4x!tpu.dma_semaphore, #tpu.memory_space<semaphore_mem>> -> memref<1x!tpu.dma_semaphore, #tpu.memory_space<semaphore_mem>>
      %dma_wait3A_442 = tpu.memref_squeeze %dma_wait3A_441 : memref<1x!tpu.dma_semaphore, #tpu.memory_space<semaphore_mem>> -> memref<!tpu.dma_semaphore, #tpu.memory_space<semaphore_mem>>
      %dma_wait3A_443 = arith.constant 0 : i32
      %dma_wait3A_444 = tpu.memref_slice %arg5[%dma_wait3A_433, %dma_wait3A_443] : memref<4x128xi32, #tpu.memory_space<vmem>> -> memref<1x128xi32, #tpu.memory_space<vmem>>
      %dma_wait3A_445 = tpu.memref_squeeze %dma_wait3A_444 : memref<1x128xi32, #tpu.memory_space<vmem>> -> memref<128xi32, #tpu.memory_space<vmem>>
      %dma_wait3A_446 = arith.constant 0 : i32
      %dma_wait3A_447 = tpu.memref_slice %arg2[%add3A_432, %dma_wait3A_446] : memref<2560x128xi32, #tpu.memory_space<hbm>> -> memref<1x128xi32, #tpu.memory_space<hbm>>
      %dma_wait3A_448 = tpu.memref_squeeze %dma_wait3A_447 : memref<1x128xi32, #tpu.memory_space<hbm>> -> memref<128xi32, #tpu.memory_space<hbm>>
      tpu.wait_dma2 semaphore(%dma_wait3A_442 : memref<!tpu.dma_semaphore, #tpu.memory_space<semaphore_mem>>) src(%dma_wait3A_448 : memref<128xi32, #tpu.memory_space<hbm>>) dst(%dma_wait3A_445 : memref<128xi32, #tpu.memory_space<vmem>>)
      %dma_start3A_449 = arith.constant 2 : i32
      %dma_start3A_450 = arith.constant 2 : i32
      %dma_start3A_451 = arith.constant 0 : i32
      %dma_start3A_452 = tpu.memref_slice %arg5[%dma_start3A_449, %dma_start3A_451] : memref<4x128xi32, #tpu.memory_space<vmem>> -> memref<1x128xi32, #tpu.memory_space<vmem>>
      %dma_start3A_453 = tpu.memref_squeeze %dma_start3A_452 : memref<1x128xi32, #tpu.memory_space<vmem>> -> memref<128xi32, #tpu.memory_space<vmem>>
      %dma_start3A_454 = arith.constant 0 : i32
      %dma_start3A_455 = tpu.memref_slice %arg4[%dma_start3A_454] : memref<10240xf32, #tpu.memory_space<vmem_shared>> -> memref<10240xf32, #tpu.memory_space<vmem_shared>>
      %dma_start3A_456 = tpu.memref_slice %arg9[%dma_start3A_450] : memref<4x!tpu.dma_semaphore, #tpu.memory_space<semaphore_mem>> -> memref<1x!tpu.dma_semaphore, #tpu.memory_space<semaphore_mem>>
      %dma_start3A_457 = tpu.memref_squeeze %dma_start3A_456 : memref<1x!tpu.dma_semaphore, #tpu.memory_space<semaphore_mem>> -> memref<!tpu.dma_semaphore, #tpu.memory_space<semaphore_mem>>
      tpu.enqueue_indirect_dma source(%arg6 : memref<128xf32, #tpu.memory_space<vmem>>) target(%dma_start3A_455 : memref<10240xf32, #tpu.memory_space<vmem_shared>>) offsets(%dma_start3A_453 : memref<128xi32, #tpu.memory_space<vmem>>) semaphore(%dma_start3A_457 : memref<!tpu.dma_semaphore, #tpu.memory_space<semaphore_mem>>) {add = true}
      %add3A_458 = arith.constant 3 : i32
      %add3A_459 = arith.addi %mul3A_374, %add3A_458 : i32
      %add3A_460 = arith.addi %mul3A_290, %add3A_459 : i32
      %dma_wait3A_461 = arith.constant 3 : i32
      %dma_wait3A_462 = arith.constant 3 : i32
      %dma_wait3A_463 = arith.constant 0 : i32
      %dma_wait3A_464 = tpu.memref_slice %arg5[%dma_wait3A_461, %dma_wait3A_463] : memref<4x128xi32, #tpu.memory_space<vmem>> -> memref<1x128xi32, #tpu.memory_space<vmem>>
      %dma_wait3A_465 = tpu.memref_squeeze %dma_wait3A_464 : memref<1x128xi32, #tpu.memory_space<vmem>> -> memref<128xi32, #tpu.memory_space<vmem>>
      %dma_wait3A_466 = arith.constant 0 : i32
      %dma_wait3A_467 = tpu.memref_slice %arg2[%add3A_460, %dma_wait3A_466] : memref<2560x128xi32, #tpu.memory_space<hbm>> -> memref<1x128xi32, #tpu.memory_space<hbm>>
      %dma_wait3A_468 = tpu.memref_squeeze %dma_wait3A_467 : memref<1x128xi32, #tpu.memory_space<hbm>> -> memref<128xi32, #tpu.memory_space<hbm>>
      %dma_wait3A_469 = tpu.memref_slice %arg8[%dma_wait3A_462] : memref<4x!tpu.dma_semaphore, #tpu.memory_space<semaphore_mem>> -> memref<1x!tpu.dma_semaphore, #tpu.memory_space<semaphore_mem>>
      %dma_wait3A_470 = tpu.memref_squeeze %dma_wait3A_469 : memref<1x!tpu.dma_semaphore, #tpu.memory_space<semaphore_mem>> -> memref<!tpu.dma_semaphore, #tpu.memory_space<semaphore_mem>>
      %dma_wait3A_471 = arith.constant 0 : i32
      %dma_wait3A_472 = tpu.memref_slice %arg5[%dma_wait3A_461, %dma_wait3A_471] : memref<4x128xi32, #tpu.memory_space<vmem>> -> memref<1x128xi32, #tpu.memory_space<vmem>>
      %dma_wait3A_473 = tpu.memref_squeeze %dma_wait3A_472 : memref<1x128xi32, #tpu.memory_space<vmem>> -> memref<128xi32, #tpu.memory_space<vmem>>
      %dma_wait3A_474 = arith.constant 0 : i32
      %dma_wait3A_475 = tpu.memref_slice %arg2[%add3A_460, %dma_wait3A_474] : memref<2560x128xi32, #tpu.memory_space<hbm>> -> memref<1x128xi32, #tpu.memory_space<hbm>>
      %dma_wait3A_476 = tpu.memref_squeeze %dma_wait3A_475 : memref<1x128xi32, #tpu.memory_space<hbm>> -> memref<128xi32, #tpu.memory_space<hbm>>
      tpu.wait_dma2 semaphore(%dma_wait3A_470 : memref<!tpu.dma_semaphore, #tpu.memory_space<semaphore_mem>>) src(%dma_wait3A_476 : memref<128xi32, #tpu.memory_space<hbm>>) dst(%dma_wait3A_473 : memref<128xi32, #tpu.memory_space<vmem>>)
      %dma_start3A_477 = arith.constant 3 : i32
      %dma_start3A_478 = arith.constant 3 : i32
      %dma_start3A_479 = arith.constant 0 : i32
      %dma_start3A_480 = tpu.memref_slice %arg5[%dma_start3A_477, %dma_start3A_479] : memref<4x128xi32, #tpu.memory_space<vmem>> -> memref<1x128xi32, #tpu.memory_space<vmem>>
      %dma_start3A_481 = tpu.memref_squeeze %dma_start3A_480 : memref<1x128xi32, #tpu.memory_space<vmem>> -> memref<128xi32, #tpu.memory_space<vmem>>
      %dma_start3A_482 = arith.constant 0 : i32
      %dma_start3A_483 = tpu.memref_slice %arg4[%dma_start3A_482] : memref<10240xf32, #tpu.memory_space<vmem_shared>> -> memref<10240xf32, #tpu.memory_space<vmem_shared>>
      %dma_start3A_484 = tpu.memref_slice %arg9[%dma_start3A_478] : memref<4x!tpu.dma_semaphore, #tpu.memory_space<semaphore_mem>> -> memref<1x!tpu.dma_semaphore, #tpu.memory_space<semaphore_mem>>
      %dma_start3A_485 = tpu.memref_squeeze %dma_start3A_484 : memref<1x!tpu.dma_semaphore, #tpu.memory_space<semaphore_mem>> -> memref<!tpu.dma_semaphore, #tpu.memory_space<semaphore_mem>>
      tpu.enqueue_indirect_dma source(%arg6 : memref<128xf32, #tpu.memory_space<vmem>>) target(%dma_start3A_483 : memref<10240xf32, #tpu.memory_space<vmem_shared>>) offsets(%dma_start3A_481 : memref<128xi32, #tpu.memory_space<vmem>>) semaphore(%dma_start3A_485 : memref<!tpu.dma_semaphore, #tpu.memory_space<semaphore_mem>>) {add = true}
      %add3A_486 = arith.constant 4 : i32
      %add3A_487 = arith.addi %mul3A_374, %add3A_486 : i32
      %add3A_488 = arith.constant 0 : i32
      %add3A_489 = arith.addi %add3A_487, %add3A_488 : i32
      %dma_wait3A_490 = arith.constant 0 : i32
      %dma_wait3A_491 = arith.constant 0 : i32
      %dma_wait3A_492 = arith.constant 0 : i32
      %dma_wait3A_493 = tpu.memref_slice %arg5[%dma_wait3A_490, %dma_wait3A_492] : memref<4x128xi32, #tpu.memory_space<vmem>> -> memref<1x128xi32, #tpu.memory_space<vmem>>
      %dma_wait3A_494 = tpu.memref_squeeze %dma_wait3A_493 : memref<1x128xi32, #tpu.memory_space<vmem>> -> memref<128xi32, #tpu.memory_space<vmem>>
      %dma_wait3A_495 = arith.constant 0 : i32
      %dma_wait3A_496 = tpu.memref_slice %arg4[%dma_wait3A_495] : memref<10240xf32, #tpu.memory_space<vmem_shared>> -> memref<10240xf32, #tpu.memory_space<vmem_shared>>
      %dma_wait3A_497 = tpu.memref_slice %arg9[%dma_wait3A_491] : memref<4x!tpu.dma_semaphore, #tpu.memory_space<semaphore_mem>> -> memref<1x!tpu.dma_semaphore, #tpu.memory_space<semaphore_mem>>
      %dma_wait3A_498 = tpu.memref_squeeze %dma_wait3A_497 : memref<1x!tpu.dma_semaphore, #tpu.memory_space<semaphore_mem>> -> memref<!tpu.dma_semaphore, #tpu.memory_space<semaphore_mem>>
      tpu.wait_indirect_dma semaphore(%dma_wait3A_498 : memref<!tpu.dma_semaphore, #tpu.memory_space<semaphore_mem>>) src(%arg6 : memref<128xf32, #tpu.memory_space<vmem>>) dst(%dma_wait3A_496 : memref<10240xf32, #tpu.memory_space<vmem_shared>>)
      %lt3A = arith.constant 80 : i32
      %lt3A_499 = arith.cmpi slt, %add3A_489, %lt3A : i32
      %convert_element_type3A = arith.extui %lt3A_499 : i1 to i32
      %cond3A = arith.constant 0 : i32
      %cond3A_500 = arith.cmpi ne, %convert_element_type3A, %cond3A : i32
      scf.if %cond3A_500 {
        %add3A_555 = arith.addi %mul3A_290, %add3A_489 : i32
        %dma_start3A_556 = arith.constant 0 : i32
        %dma_start3A_557 = arith.constant 0 : i32
        %dma_start3A_558 = arith.constant 0 : i32
        %dma_start3A_559 = tpu.memref_slice %arg5[%dma_start3A_556, %dma_start3A_558] : memref<4x128xi32, #tpu.memory_space<vmem>> -> memref<1x128xi32, #tpu.memory_space<vmem>>
        %dma_start3A_560 = tpu.memref_squeeze %dma_start3A_559 : memref<1x128xi32, #tpu.memory_space<vmem>> -> memref<128xi32, #tpu.memory_space<vmem>>
        %dma_start3A_561 = arith.constant 0 : i32
        %dma_start3A_562 = tpu.memref_slice %arg2[%add3A_555, %dma_start3A_561] : memref<2560x128xi32, #tpu.memory_space<hbm>> -> memref<1x128xi32, #tpu.memory_space<hbm>>
        %dma_start3A_563 = tpu.memref_squeeze %dma_start3A_562 : memref<1x128xi32, #tpu.memory_space<hbm>> -> memref<128xi32, #tpu.memory_space<hbm>>
        %dma_start3A_564 = tpu.memref_slice %arg8[%dma_start3A_557] : memref<4x!tpu.dma_semaphore, #tpu.memory_space<semaphore_mem>> -> memref<1x!tpu.dma_semaphore, #tpu.memory_space<semaphore_mem>>
        %dma_start3A_565 = tpu.memref_squeeze %dma_start3A_564 : memref<1x!tpu.dma_semaphore, #tpu.memory_space<semaphore_mem>> -> memref<!tpu.dma_semaphore, #tpu.memory_space<semaphore_mem>>
        %dma_start3A_566 = arith.constant 0 : i32
        %dma_start3A_567 = tpu.memref_slice %arg5[%dma_start3A_556, %dma_start3A_566] : memref<4x128xi32, #tpu.memory_space<vmem>> -> memref<1x128xi32, #tpu.memory_space<vmem>>
        %dma_start3A_568 = tpu.memref_squeeze %dma_start3A_567 : memref<1x128xi32, #tpu.memory_space<vmem>> -> memref<128xi32, #tpu.memory_space<vmem>>
        %dma_start3A_569 = arith.constant 0 : i32
        %dma_start3A_570 = tpu.memref_slice %arg2[%add3A_555, %dma_start3A_569] : memref<2560x128xi32, #tpu.memory_space<hbm>> -> memref<1x128xi32, #tpu.memory_space<hbm>>
        %dma_start3A_571 = tpu.memref_squeeze %dma_start3A_570 : memref<1x128xi32, #tpu.memory_space<hbm>> -> memref<128xi32, #tpu.memory_space<hbm>>
        tpu.enqueue_dma source(%dma_start3A_571 : memref<128xi32, #tpu.memory_space<hbm>>) target(%dma_start3A_568 : memref<128xi32, #tpu.memory_space<vmem>>) target_semaphore(%dma_start3A_565 : memref<!tpu.dma_semaphore, #tpu.memory_space<semaphore_mem>>)
      } else {
      }
      %add3A_501 = arith.constant 4 : i32
      %add3A_502 = arith.addi %mul3A_374, %add3A_501 : i32
      %add3A_503 = arith.constant 1 : i32
      %add3A_504 = arith.addi %add3A_502, %add3A_503 : i32
      %dma_wait3A_505 = arith.constant 1 : i32
      %dma_wait3A_506 = arith.constant 1 : i32
      %dma_wait3A_507 = arith.constant 0 : i32
      %dma_wait3A_508 = tpu.memref_slice %arg5[%dma_wait3A_505, %dma_wait3A_507] : memref<4x128xi32, #tpu.memory_space<vmem>> -> memref<1x128xi32, #tpu.memory_space<vmem>>
      %dma_wait3A_509 = tpu.memref_squeeze %dma_wait3A_508 : memref<1x128xi32, #tpu.memory_space<vmem>> -> memref<128xi32, #tpu.memory_space<vmem>>
      %dma_wait3A_510 = arith.constant 0 : i32
      %dma_wait3A_511 = tpu.memref_slice %arg4[%dma_wait3A_510] : memref<10240xf32, #tpu.memory_space<vmem_shared>> -> memref<10240xf32, #tpu.memory_space<vmem_shared>>
      %dma_wait3A_512 = tpu.memref_slice %arg9[%dma_wait3A_506] : memref<4x!tpu.dma_semaphore, #tpu.memory_space<semaphore_mem>> -> memref<1x!tpu.dma_semaphore, #tpu.memory_space<semaphore_mem>>
      %dma_wait3A_513 = tpu.memref_squeeze %dma_wait3A_512 : memref<1x!tpu.dma_semaphore, #tpu.memory_space<semaphore_mem>> -> memref<!tpu.dma_semaphore, #tpu.memory_space<semaphore_mem>>
      tpu.wait_indirect_dma semaphore(%dma_wait3A_513 : memref<!tpu.dma_semaphore, #tpu.memory_space<semaphore_mem>>) src(%arg6 : memref<128xf32, #tpu.memory_space<vmem>>) dst(%dma_wait3A_511 : memref<10240xf32, #tpu.memory_space<vmem_shared>>)
      %lt3A_514 = arith.constant 80 : i32
      %lt3A_515 = arith.cmpi slt, %add3A_504, %lt3A_514 : i32
      %convert_element_type3A_516 = arith.extui %lt3A_515 : i1 to i32
      %cond3A_517 = arith.constant 0 : i32
      %cond3A_518 = arith.cmpi ne, %convert_element_type3A_516, %cond3A_517 : i32
      scf.if %cond3A_518 {
        %add3A_555 = arith.addi %mul3A_290, %add3A_504 : i32
        %dma_start3A_556 = arith.constant 1 : i32
        %dma_start3A_557 = arith.constant 1 : i32
        %dma_start3A_558 = arith.constant 0 : i32
        %dma_start3A_559 = tpu.memref_slice %arg5[%dma_start3A_556, %dma_start3A_558] : memref<4x128xi32, #tpu.memory_space<vmem>> -> memref<1x128xi32, #tpu.memory_space<vmem>>
        %dma_start3A_560 = tpu.memref_squeeze %dma_start3A_559 : memref<1x128xi32, #tpu.memory_space<vmem>> -> memref<128xi32, #tpu.memory_space<vmem>>
        %dma_start3A_561 = arith.constant 0 : i32
        %dma_start3A_562 = tpu.memref_slice %arg2[%add3A_555, %dma_start3A_561] : memref<2560x128xi32, #tpu.memory_space<hbm>> -> memref<1x128xi32, #tpu.memory_space<hbm>>
        %dma_start3A_563 = tpu.memref_squeeze %dma_start3A_562 : memref<1x128xi32, #tpu.memory_space<hbm>> -> memref<128xi32, #tpu.memory_space<hbm>>
        %dma_start3A_564 = tpu.memref_slice %arg8[%dma_start3A_557] : memref<4x!tpu.dma_semaphore, #tpu.memory_space<semaphore_mem>> -> memref<1x!tpu.dma_semaphore, #tpu.memory_space<semaphore_mem>>
        %dma_start3A_565 = tpu.memref_squeeze %dma_start3A_564 : memref<1x!tpu.dma_semaphore, #tpu.memory_space<semaphore_mem>> -> memref<!tpu.dma_semaphore, #tpu.memory_space<semaphore_mem>>
        %dma_start3A_566 = arith.constant 0 : i32
        %dma_start3A_567 = tpu.memref_slice %arg5[%dma_start3A_556, %dma_start3A_566] : memref<4x128xi32, #tpu.memory_space<vmem>> -> memref<1x128xi32, #tpu.memory_space<vmem>>
        %dma_start3A_568 = tpu.memref_squeeze %dma_start3A_567 : memref<1x128xi32, #tpu.memory_space<vmem>> -> memref<128xi32, #tpu.memory_space<vmem>>
        %dma_start3A_569 = arith.constant 0 : i32
        %dma_start3A_570 = tpu.memref_slice %arg2[%add3A_555, %dma_start3A_569] : memref<2560x128xi32, #tpu.memory_space<hbm>> -> memref<1x128xi32, #tpu.memory_space<hbm>>
        %dma_start3A_571 = tpu.memref_squeeze %dma_start3A_570 : memref<1x128xi32, #tpu.memory_space<hbm>> -> memref<128xi32, #tpu.memory_space<hbm>>
        tpu.enqueue_dma source(%dma_start3A_571 : memref<128xi32, #tpu.memory_space<hbm>>) target(%dma_start3A_568 : memref<128xi32, #tpu.memory_space<vmem>>) target_semaphore(%dma_start3A_565 : memref<!tpu.dma_semaphore, #tpu.memory_space<semaphore_mem>>)
      } else {
      }
      %add3A_519 = arith.constant 4 : i32
      %add3A_520 = arith.addi %mul3A_374, %add3A_519 : i32
      %add3A_521 = arith.constant 2 : i32
      %add3A_522 = arith.addi %add3A_520, %add3A_521 : i32
      %dma_wait3A_523 = arith.constant 2 : i32
      %dma_wait3A_524 = arith.constant 2 : i32
      %dma_wait3A_525 = arith.constant 0 : i32
      %dma_wait3A_526 = tpu.memref_slice %arg5[%dma_wait3A_523, %dma_wait3A_525] : memref<4x128xi32, #tpu.memory_space<vmem>> -> memref<1x128xi32, #tpu.memory_space<vmem>>
      %dma_wait3A_527 = tpu.memref_squeeze %dma_wait3A_526 : memref<1x128xi32, #tpu.memory_space<vmem>> -> memref<128xi32, #tpu.memory_space<vmem>>
      %dma_wait3A_528 = arith.constant 0 : i32
      %dma_wait3A_529 = tpu.memref_slice %arg4[%dma_wait3A_528] : memref<10240xf32, #tpu.memory_space<vmem_shared>> -> memref<10240xf32, #tpu.memory_space<vmem_shared>>
      %dma_wait3A_530 = tpu.memref_slice %arg9[%dma_wait3A_524] : memref<4x!tpu.dma_semaphore, #tpu.memory_space<semaphore_mem>> -> memref<1x!tpu.dma_semaphore, #tpu.memory_space<semaphore_mem>>
      %dma_wait3A_531 = tpu.memref_squeeze %dma_wait3A_530 : memref<1x!tpu.dma_semaphore, #tpu.memory_space<semaphore_mem>> -> memref<!tpu.dma_semaphore, #tpu.memory_space<semaphore_mem>>
      tpu.wait_indirect_dma semaphore(%dma_wait3A_531 : memref<!tpu.dma_semaphore, #tpu.memory_space<semaphore_mem>>) src(%arg6 : memref<128xf32, #tpu.memory_space<vmem>>) dst(%dma_wait3A_529 : memref<10240xf32, #tpu.memory_space<vmem_shared>>)
      %lt3A_532 = arith.constant 80 : i32
      %lt3A_533 = arith.cmpi slt, %add3A_522, %lt3A_532 : i32
      %convert_element_type3A_534 = arith.extui %lt3A_533 : i1 to i32
      %cond3A_535 = arith.constant 0 : i32
      %cond3A_536 = arith.cmpi ne, %convert_element_type3A_534, %cond3A_535 : i32
      scf.if %cond3A_536 {
        %add3A_555 = arith.addi %mul3A_290, %add3A_522 : i32
        %dma_start3A_556 = arith.constant 2 : i32
        %dma_start3A_557 = arith.constant 2 : i32
        %dma_start3A_558 = arith.constant 0 : i32
        %dma_start3A_559 = tpu.memref_slice %arg5[%dma_start3A_556, %dma_start3A_558] : memref<4x128xi32, #tpu.memory_space<vmem>> -> memref<1x128xi32, #tpu.memory_space<vmem>>
        %dma_start3A_560 = tpu.memref_squeeze %dma_start3A_559 : memref<1x128xi32, #tpu.memory_space<vmem>> -> memref<128xi32, #tpu.memory_space<vmem>>
        %dma_start3A_561 = arith.constant 0 : i32
        %dma_start3A_562 = tpu.memref_slice %arg2[%add3A_555, %dma_start3A_561] : memref<2560x128xi32, #tpu.memory_space<hbm>> -> memref<1x128xi32, #tpu.memory_space<hbm>>
        %dma_start3A_563 = tpu.memref_squeeze %dma_start3A_562 : memref<1x128xi32, #tpu.memory_space<hbm>> -> memref<128xi32, #tpu.memory_space<hbm>>
        %dma_start3A_564 = tpu.memref_slice %arg8[%dma_start3A_557] : memref<4x!tpu.dma_semaphore, #tpu.memory_space<semaphore_mem>> -> memref<1x!tpu.dma_semaphore, #tpu.memory_space<semaphore_mem>>
        %dma_start3A_565 = tpu.memref_squeeze %dma_start3A_564 : memref<1x!tpu.dma_semaphore, #tpu.memory_space<semaphore_mem>> -> memref<!tpu.dma_semaphore, #tpu.memory_space<semaphore_mem>>
        %dma_start3A_566 = arith.constant 0 : i32
        %dma_start3A_567 = tpu.memref_slice %arg5[%dma_start3A_556, %dma_start3A_566] : memref<4x128xi32, #tpu.memory_space<vmem>> -> memref<1x128xi32, #tpu.memory_space<vmem>>
        %dma_start3A_568 = tpu.memref_squeeze %dma_start3A_567 : memref<1x128xi32, #tpu.memory_space<vmem>> -> memref<128xi32, #tpu.memory_space<vmem>>
        %dma_start3A_569 = arith.constant 0 : i32
        %dma_start3A_570 = tpu.memref_slice %arg2[%add3A_555, %dma_start3A_569] : memref<2560x128xi32, #tpu.memory_space<hbm>> -> memref<1x128xi32, #tpu.memory_space<hbm>>
        %dma_start3A_571 = tpu.memref_squeeze %dma_start3A_570 : memref<1x128xi32, #tpu.memory_space<hbm>> -> memref<128xi32, #tpu.memory_space<hbm>>
        tpu.enqueue_dma source(%dma_start3A_571 : memref<128xi32, #tpu.memory_space<hbm>>) target(%dma_start3A_568 : memref<128xi32, #tpu.memory_space<vmem>>) target_semaphore(%dma_start3A_565 : memref<!tpu.dma_semaphore, #tpu.memory_space<semaphore_mem>>)
      } else {
      }
      %add3A_537 = arith.constant 4 : i32
      %add3A_538 = arith.addi %mul3A_374, %add3A_537 : i32
      %add3A_539 = arith.constant 3 : i32
      %add3A_540 = arith.addi %add3A_538, %add3A_539 : i32
      %dma_wait3A_541 = arith.constant 3 : i32
      %dma_wait3A_542 = arith.constant 3 : i32
      %dma_wait3A_543 = arith.constant 0 : i32
      %dma_wait3A_544 = tpu.memref_slice %arg5[%dma_wait3A_541, %dma_wait3A_543] : memref<4x128xi32, #tpu.memory_space<vmem>> -> memref<1x128xi32, #tpu.memory_space<vmem>>
      %dma_wait3A_545 = tpu.memref_squeeze %dma_wait3A_544 : memref<1x128xi32, #tpu.memory_space<vmem>> -> memref<128xi32, #tpu.memory_space<vmem>>
      %dma_wait3A_546 = arith.constant 0 : i32
      %dma_wait3A_547 = tpu.memref_slice %arg4[%dma_wait3A_546] : memref<10240xf32, #tpu.memory_space<vmem_shared>> -> memref<10240xf32, #tpu.memory_space<vmem_shared>>
      %dma_wait3A_548 = tpu.memref_slice %arg9[%dma_wait3A_542] : memref<4x!tpu.dma_semaphore, #tpu.memory_space<semaphore_mem>> -> memref<1x!tpu.dma_semaphore, #tpu.memory_space<semaphore_mem>>
      %dma_wait3A_549 = tpu.memref_squeeze %dma_wait3A_548 : memref<1x!tpu.dma_semaphore, #tpu.memory_space<semaphore_mem>> -> memref<!tpu.dma_semaphore, #tpu.memory_space<semaphore_mem>>
      tpu.wait_indirect_dma semaphore(%dma_wait3A_549 : memref<!tpu.dma_semaphore, #tpu.memory_space<semaphore_mem>>) src(%arg6 : memref<128xf32, #tpu.memory_space<vmem>>) dst(%dma_wait3A_547 : memref<10240xf32, #tpu.memory_space<vmem_shared>>)
      %lt3A_550 = arith.constant 80 : i32
      %lt3A_551 = arith.cmpi slt, %add3A_540, %lt3A_550 : i32
      %convert_element_type3A_552 = arith.extui %lt3A_551 : i1 to i32
      %cond3A_553 = arith.constant 0 : i32
      %cond3A_554 = arith.cmpi ne, %convert_element_type3A_552, %cond3A_553 : i32
      scf.if %cond3A_554 {
        %add3A_555 = arith.addi %mul3A_290, %add3A_540 : i32
        %dma_start3A_556 = arith.constant 3 : i32
        %dma_start3A_557 = arith.constant 3 : i32
        %dma_start3A_558 = arith.constant 0 : i32
        %dma_start3A_559 = tpu.memref_slice %arg5[%dma_start3A_556, %dma_start3A_558] : memref<4x128xi32, #tpu.memory_space<vmem>> -> memref<1x128xi32, #tpu.memory_space<vmem>>
        %dma_start3A_560 = tpu.memref_squeeze %dma_start3A_559 : memref<1x128xi32, #tpu.memory_space<vmem>> -> memref<128xi32, #tpu.memory_space<vmem>>
        %dma_start3A_561 = arith.constant 0 : i32
        %dma_start3A_562 = tpu.memref_slice %arg2[%add3A_555, %dma_start3A_561] : memref<2560x128xi32, #tpu.memory_space<hbm>> -> memref<1x128xi32, #tpu.memory_space<hbm>>
        %dma_start3A_563 = tpu.memref_squeeze %dma_start3A_562 : memref<1x128xi32, #tpu.memory_space<hbm>> -> memref<128xi32, #tpu.memory_space<hbm>>
        %dma_start3A_564 = tpu.memref_slice %arg8[%dma_start3A_557] : memref<4x!tpu.dma_semaphore, #tpu.memory_space<semaphore_mem>> -> memref<1x!tpu.dma_semaphore, #tpu.memory_space<semaphore_mem>>
        %dma_start3A_565 = tpu.memref_squeeze %dma_start3A_564 : memref<1x!tpu.dma_semaphore, #tpu.memory_space<semaphore_mem>> -> memref<!tpu.dma_semaphore, #tpu.memory_space<semaphore_mem>>
        %dma_start3A_566 = arith.constant 0 : i32
        %dma_start3A_567 = tpu.memref_slice %arg5[%dma_start3A_556, %dma_start3A_566] : memref<4x128xi32, #tpu.memory_space<vmem>> -> memref<1x128xi32, #tpu.memory_space<vmem>>
        %dma_start3A_568 = tpu.memref_squeeze %dma_start3A_567 : memref<1x128xi32, #tpu.memory_space<vmem>> -> memref<128xi32, #tpu.memory_space<vmem>>
        %dma_start3A_569 = arith.constant 0 : i32
        %dma_start3A_570 = tpu.memref_slice %arg2[%add3A_555, %dma_start3A_569] : memref<2560x128xi32, #tpu.memory_space<hbm>> -> memref<1x128xi32, #tpu.memory_space<hbm>>
        %dma_start3A_571 = tpu.memref_squeeze %dma_start3A_570 : memref<1x128xi32, #tpu.memory_space<hbm>> -> memref<128xi32, #tpu.memory_space<hbm>>
        tpu.enqueue_dma source(%dma_start3A_571 : memref<128xi32, #tpu.memory_space<hbm>>) target(%dma_start3A_568 : memref<128xi32, #tpu.memory_space<vmem>>) target_semaphore(%dma_start3A_565 : memref<!tpu.dma_semaphore, #tpu.memory_space<semaphore_mem>>)
      } else {
      }
    }
    %scan3A_366 = arith.constant 20 : i32
    %barrier3A_367 = arith.constant 0 : index
    tpu.barrier barrier_id(%barrier3A_367)
    %mul3A_368 = arith.constant 640 : i32
    %mul3A_369 = arith.muli %arg1, %mul3A_368 : i32
    %mul3A_370 = arith.constant 640 : i32
    %mul3A_371 = arith.muli %arg1, %mul3A_370 : i32
    "tpu.region"() ({
      %run_scoped3A = tpu.sem_alloc : memref<!tpu.dma_semaphore, #tpu.memory_space<semaphore_mem>>
      %dma_start3A_372 = tpu.memref_slice %arg3[%arg0, %mul3A_371] : memref<2x10240xf32, #tpu.memory_space<hbm>> -> memref<1x640xf32, #tpu.memory_space<hbm>>
      %dma_start3A_373 = tpu.memref_squeeze %dma_start3A_372 : memref<1x640xf32, #tpu.memory_space<hbm>> -> memref<640xf32, #tpu.memory_space<hbm>>
      %dma_start3A_374 = tpu.memref_slice %arg4[%mul3A_369] : memref<10240xf32, #tpu.memory_space<vmem_shared>> -> memref<640xf32, #tpu.memory_space<vmem_shared>>
      tpu.enqueue_dma source(%dma_start3A_374 : memref<640xf32, #tpu.memory_space<vmem_shared>>) target(%dma_start3A_373 : memref<640xf32, #tpu.memory_space<hbm>>) target_semaphore(%run_scoped3A : memref<!tpu.dma_semaphore, #tpu.memory_space<semaphore_mem>>)
      %dma_wait3A = tpu.memref_slice %arg3[%arg0, %mul3A_371] : memref<2x10240xf32, #tpu.memory_space<hbm>> -> memref<1x640xf32, #tpu.memory_space<hbm>>
      %dma_wait3A_375 = tpu.memref_squeeze %dma_wait3A : memref<1x640xf32, #tpu.memory_space<hbm>> -> memref<640xf32, #tpu.memory_space<hbm>>
      %dma_wait3A_376 = tpu.memref_slice %arg4[%mul3A_369] : memref<10240xf32, #tpu.memory_space<vmem_shared>> -> memref<640xf32, #tpu.memory_space<vmem_shared>>
      tpu.wait_dma2 semaphore(%run_scoped3A : memref<!tpu.dma_semaphore, #tpu.memory_space<semaphore_mem>>) src(%dma_wait3A_376 : memref<640xf32, #tpu.memory_space<vmem_shared>>) dst(%dma_wait3A_375 : memref<640xf32, #tpu.memory_space<hbm>>)
      tpu.yield
    }) : () -> ()
    return
  }
}

module attributes {stable_mosaic.version = 14 : i64} {
  func.func @_mm_body(%arg0: i32, %arg1: memref<1024x128xf32, #tpu.memory_space<vmem>>, %arg2: memref<128x128xf32, #tpu.memory_space<vmem>>, %arg3: memref<1x1x1024xf32, #tpu.memory_space<vmem>>, %arg4: memref<1x1x1024xf32, #tpu.memory_space<vmem>>, %arg5: memref<1024x128xf32, #tpu.memory_space<vmem>>, %arg6: memref<1024x64xi32, #tpu.memory_space<vmem>>, %arg7: memref<1024x1xf32, #tpu.memory_space<vmem>>) attributes {dimension_semantics = [#tpu.dimension_semantics<arbitrary>], iteration_bounds = array<i64: 10>, scalar_prefetch = 0 : i64, scratch_operands = 0 : i64, tpu.core_type = #tpu.core_type<tc>, window_params = [{transform_indices = @transform_0, window_bounds = array<i64: 1024, 128>}, {pipeline_mode = #tpu.pipeline_mode<synchronous>, transform_indices = @transform_1, window_bounds = array<i64: 128, 128>}, {transform_indices = @transform_2, window_bounds = array<i64: 1, 1, 1024>}, {transform_indices = @transform_3, window_bounds = array<i64: 1, 1, 1024>}, {transform_indices = @transform_4, window_bounds = array<i64: 1024, 128>}, {transform_indices = @transform_5, window_bounds = array<i64: 1024, 64>}, {transform_indices = @transform_6, window_bounds = array<i64: 1024, 1>}]} {
    %mul3A = arith.constant 1024 : i32
    %mul3A_0 = arith.muli %arg0, %mul3A : i32
    %iota3A = tpu.iota {dimensions = array<i32: 0>} : vector<1024x1xi32>
    %add3A = vector.broadcast %mul3A_0 : i32 to vector<1024x1xi32>
    %add3A_1 = arith.addi %add3A, %iota3A : vector<1024x1xi32>
    %lt3A = arith.constant 10000 : i32
    %lt3A_2 = vector.broadcast %lt3A : i32 to vector<1024x1xi32>
    %lt3A_3 = arith.cmpi slt, %add3A_1, %lt3A_2 : vector<1024x1xi32>
    %get3A = arith.constant 0 : index
    %get3A_4 = arith.constant 0 : index
    %get3A_5 = vector.load %arg1[%get3A, %get3A_4] : memref<1024x128xf32, #tpu.memory_space<vmem>>, vector<1024x128xf32>
    %jit3A = arith.constant 0.000000e+00 : f32
    %broadcast_in_dim3A = vector.shape_cast %lt3A_3 : vector<1024x1xi1> to vector<1024x1xi1>
    %broadcast_in_dim3A_6 = vector.broadcast %broadcast_in_dim3A : vector<1024x1xi1> to vector<1024x128xi1>
    %broadcast_in_dim3A_7 = vector.broadcast %jit3A : f32 to vector<1024x128xf32>
    %select_n3A = arith.select %broadcast_in_dim3A_6, %get3A_5, %broadcast_in_dim3A_7 : vector<1024x128xi1>, vector<1024x128xf32>
    %get3A_8 = arith.constant 0 : index
    %get3A_9 = arith.constant 0 : index
    %get3A_10 = arith.constant 0 : index
    %get3A_11 = vector.load %arg3[%get3A_8, %get3A_9, %get3A_10] : memref<1x1x1024xf32, #tpu.memory_space<vmem>>, vector<1x1x1024xf32>
    %get3A_12 = vector.shape_cast %get3A_11 : vector<1x1x1024xf32> to vector<1024xf32>
    %get3A_13 = arith.constant 0 : index
    %get3A_14 = arith.constant 0 : index
    %get3A_15 = arith.constant 0 : index
    %get3A_16 = vector.load %arg4[%get3A_13, %get3A_14, %get3A_15] : memref<1x1x1024xf32, #tpu.memory_space<vmem>>, vector<1x1x1024xf32>
    %get3A_17 = vector.shape_cast %get3A_16 : vector<1x1x1024xf32> to vector<1024xf32>
    %add3A_18 = arith.addf %get3A_12, %get3A_17 : vector<1024xf32>
    %add3A_19 = arith.constant 1.000000e+00 : f32
    %add3A_20 = vector.broadcast %add3A_19 : f32 to vector<1024xf32>
    %add3A_21 = arith.addf %add3A_18, %add3A_20 : vector<1024xf32>
    %rsqrt3A = math.rsqrt %add3A_21 : vector<1024xf32>
    %reshape3A = vector.shape_cast %rsqrt3A : vector<1024xf32> to vector<1024x1xf32>
    %get3A_22 = arith.constant 0 : index
    %get3A_23 = arith.constant 0 : index
    %get3A_24 = vector.load %arg2[%get3A_22, %get3A_23] : memref<128x128xf32, #tpu.memory_space<vmem>>, vector<128x128xf32>
    %dot_general3A = arith.constant dense<0.000000e+00> : vector<1024x128xf32>
    %dot_general3A_25 = tpu.matmul %select_n3A, %get3A_24, %dot_general3A {dimension_numbers = #tpu.dot_dimension_numbers<[1], [0], [0], [1], [0, 0, 1, 1], [], []>, transpose_lhs_hint = false} : vector<1024x128xf32>, vector<128x128xf32>, vector<1024x128xf32> -> vector<1024x128xf32>
    %mul3A_26 = vector.broadcast %reshape3A : vector<1024x1xf32> to vector<1024x128xf32>
    %mul3A_27 = arith.mulf %dot_general3A_25, %mul3A_26 : vector<1024x128xf32>
    %swap3A = arith.constant 0 : index
    %swap3A_28 = arith.constant 0 : index
    %swap3A_29 = vector.load %arg5[%swap3A, %swap3A_28] : memref<1024x128xf32, #tpu.memory_space<vmem>>, vector<1024x128xf32>
    tpu.vector_store %arg5[%swap3A, %swap3A_28], %mul3A_27 {strides = array<i32>} : memref<1024x128xf32, #tpu.memory_space<vmem>>, vector<1024x128xf32>,
    %swap3A_30 = arith.constant 0 : index
    %swap3A_31 = arith.constant 0 : index
    %swap3A_32 = vector.load %arg7[%swap3A_30, %swap3A_31] : memref<1024x1xf32, #tpu.memory_space<vmem>>, vector<1024x1xf32>
    tpu.vector_store %arg7[%swap3A_30, %swap3A_31], %reshape3A {strides = array<i32>} : memref<1024x1xf32, #tpu.memory_space<vmem>>, vector<1024x1xf32>,
    %convert_element_type3A = arith.truncf %mul3A_27 : vector<1024x128xf32> to vector<1024x128xbf16>
    %bitcast_convert_type3A = tpu.bitcast %convert_element_type3A : vector<1024x128xbf16> -> vector<1024x128xi16>
    %slice3A = vector.extract_strided_slice %bitcast_convert_type3A {offsets = [0, 0], sizes = [1024, 64], strides = [1, 1]} : vector<1024x128xi16> to vector<1024x64xi16>
    %convert_element_type3A_33 = arith.extui %slice3A : vector<1024x64xi16> to vector<1024x64xi32>
    %slice3A_34 = vector.extract_strided_slice %bitcast_convert_type3A {offsets = [0, 64], sizes = [1024, 64], strides = [1, 1]} : vector<1024x128xi16> to vector<1024x64xi16>
    %convert_element_type3A_35 = arith.extui %slice3A_34 : vector<1024x64xi16> to vector<1024x64xi32>
    %shift_left3A = arith.constant 16 : i32
    %shift_left3A_36 = vector.broadcast %shift_left3A : i32 to vector<1024x64xi32>
    %shift_left3A_37 = arith.shli %convert_element_type3A_35, %shift_left3A_36 : vector<1024x64xi32>
    %or3A = arith.ori %convert_element_type3A_33, %shift_left3A_37 : vector<1024x64xi32>
    %bitcast_convert_type3A_38 = tpu.bitcast %or3A : vector<1024x64xi32> -> vector<1024x64xi32>
    %swap3A_39 = arith.constant 0 : index
    %swap3A_40 = arith.constant 0 : index
    %swap3A_41 = vector.load %arg6[%swap3A_39, %swap3A_40] : memref<1024x64xi32, #tpu.memory_space<vmem>>, vector<1024x64xi32>
    tpu.vector_store %arg6[%swap3A_39, %swap3A_40], %bitcast_convert_type3A_38 {strides = array<i32>} : memref<1024x64xi32, #tpu.memory_space<vmem>>, vector<1024x64xi32>,
    return
  }
  func.func @transform_0(%arg0: i32) -> (i32, i32) {
    %c0_i32 = arith.constant 0 : i32
    %c0_i32_0 = arith.constant 0 : i32
    return %arg0, %c0_i32 : i32, i32
  }
  func.func @transform_1(%arg0: i32) -> (i32, i32) {
    %c0_i32 = arith.constant 0 : i32
    %c0_i32_0 = arith.constant 0 : i32
    %c0_i32_1 = arith.constant 0 : i32
    return %c0_i32, %c0_i32_0 : i32, i32
  }
  func.func @transform_2(%arg0: i32) -> (i32, i32, i32) {
    %c0_i32 = arith.constant 0 : i32
    %c0_i32_0 = arith.constant 0 : i32
    %c0_i32_1 = arith.constant 0 : i32
    return %c0_i32, %c0_i32_0, %arg0 : i32, i32, i32
  }
  func.func @transform_3(%arg0: i32) -> (i32, i32, i32) {
    %c1_i32 = arith.constant 1 : i32
    %c0_i32 = arith.constant 0 : i32
    %c0_i32_0 = arith.constant 0 : i32
    return %c1_i32, %c0_i32, %arg0 : i32, i32, i32
  }
  func.func @transform_4(%arg0: i32) -> (i32, i32) {
    %c0_i32 = arith.constant 0 : i32
    %c0_i32_0 = arith.constant 0 : i32
    return %arg0, %c0_i32 : i32, i32
  }
  func.func @transform_5(%arg0: i32) -> (i32, i32) {
    %c0_i32 = arith.constant 0 : i32
    %c0_i32_0 = arith.constant 0 : i32
    return %arg0, %c0_i32 : i32, i32
  }
  func.func @transform_6(%arg0: i32) -> (i32, i32) {
    %c0_i32 = arith.constant 0 : i32
    %c0_i32_0 = arith.constant 0 : i32
    return %arg0, %c0_i32 : i32, i32
  }
}

module attributes {stable_mosaic.version = 14 : i64} {
  func.func @_out_body(%arg0: i32, %arg1: memref<1x1000x128xf32, #tpu.memory_space<vmem>>, %arg2: memref<1x1000x128xf32, #tpu.memory_space<vmem>>, %arg3: memref<1000x128xf32, #tpu.memory_space<vmem>>, %arg4: memref<1000x1xf32, #tpu.memory_space<vmem>>, %arg5: memref<1x128xf32, #tpu.memory_space<vmem>>, %arg6: memref<1000x128xf32, #tpu.memory_space<vmem>>) attributes {dimension_semantics = [#tpu.dimension_semantics<arbitrary>], iteration_bounds = array<i64: 10>, scalar_prefetch = 0 : i64, scratch_operands = 0 : i64, tpu.core_type = #tpu.core_type<tc>, window_params = [{transform_indices = @transform_0, window_bounds = array<i64: 1, 1000, 128>}, {transform_indices = @transform_1, window_bounds = array<i64: 1, 1000, 128>}, {transform_indices = @transform_2, window_bounds = array<i64: 1000, 128>}, {transform_indices = @transform_3, window_bounds = array<i64: 1000, 1>}, {pipeline_mode = #tpu.pipeline_mode<synchronous>, transform_indices = @transform_4, window_bounds = array<i64: 1, 128>}, {transform_indices = @transform_5, window_bounds = array<i64: 1000, 128>}]} {
    %get3A = arith.constant 0 : index
    %get3A_0 = arith.constant 0 : index
    %get3A_1 = arith.constant 0 : index
    %get3A_2 = vector.load %arg1[%get3A, %get3A_0, %get3A_1] : memref<1x1000x128xf32, #tpu.memory_space<vmem>>, vector<1x1000x128xf32>
    %get3A_3 = vector.shape_cast %get3A_2 : vector<1x1000x128xf32> to vector<1000x128xf32>
    %get3A_4 = arith.constant 0 : index
    %get3A_5 = arith.constant 0 : index
    %get3A_6 = arith.constant 0 : index
    %get3A_7 = vector.load %arg2[%get3A_4, %get3A_5, %get3A_6] : memref<1x1000x128xf32, #tpu.memory_space<vmem>>, vector<1x1000x128xf32>
    %get3A_8 = vector.shape_cast %get3A_7 : vector<1x1000x128xf32> to vector<1000x128xf32>
    %add3A = arith.addf %get3A_3, %get3A_8 : vector<1000x128xf32>
    %get3A_9 = arith.constant 0 : index
    %get3A_10 = arith.constant 0 : index
    %get3A_11 = vector.load %arg3[%get3A_9, %get3A_10] : memref<1000x128xf32, #tpu.memory_space<vmem>>, vector<1000x128xf32>
    %sub3A = arith.subf %add3A, %get3A_11 : vector<1000x128xf32>
    %get3A_12 = arith.constant 0 : index
    %get3A_13 = arith.constant 0 : index
    %get3A_14 = vector.load %arg4[%get3A_12, %get3A_13] : memref<1000x1xf32, #tpu.memory_space<vmem>>, vector<1000x1xf32>
    %mul3A = vector.broadcast %get3A_14 : vector<1000x1xf32> to vector<1000x128xf32>
    %mul3A_15 = arith.mulf %sub3A, %mul3A : vector<1000x128xf32>
    %get3A_16 = arith.constant 0 : index
    %get3A_17 = arith.constant 0 : index
    %get3A_18 = vector.load %arg5[%get3A_16, %get3A_17] : memref<1x128xf32, #tpu.memory_space<vmem>>, vector<1x128xf32>
    %add3A_19 = vector.broadcast %get3A_18 : vector<1x128xf32> to vector<1000x128xf32>
    %add3A_20 = arith.addf %mul3A_15, %add3A_19 : vector<1000x128xf32>
    %swap3A = arith.constant 0 : index
    %swap3A_21 = arith.constant 0 : index
    %swap3A_22 = vector.load %arg6[%swap3A, %swap3A_21] : memref<1000x128xf32, #tpu.memory_space<vmem>>, vector<1000x128xf32>
    tpu.vector_store %arg6[%swap3A, %swap3A_21], %add3A_20 {strides = array<i32>} : memref<1000x128xf32, #tpu.memory_space<vmem>>, vector<1000x128xf32>,
    return
  }
  func.func @transform_0(%arg0: i32) -> (i32, i32, i32) {
    %c0_i32 = arith.constant 0 : i32
    %c0_i32_0 = arith.constant 0 : i32
    %c0_i32_1 = arith.constant 0 : i32
    return %c0_i32, %arg0, %c0_i32_0 : i32, i32, i32
  }
  func.func @transform_1(%arg0: i32) -> (i32, i32, i32) {
    %c1_i32 = arith.constant 1 : i32
    %c0_i32 = arith.constant 0 : i32
    %c0_i32_0 = arith.constant 0 : i32
    return %c1_i32, %arg0, %c0_i32 : i32, i32, i32
  }
  func.func @transform_2(%arg0: i32) -> (i32, i32) {
    %c0_i32 = arith.constant 0 : i32
    %c0_i32_0 = arith.constant 0 : i32
    return %arg0, %c0_i32 : i32, i32
  }
  func.func @transform_3(%arg0: i32) -> (i32, i32) {
    %c0_i32 = arith.constant 0 : i32
    %c0_i32_0 = arith.constant 0 : i32
    return %arg0, %c0_i32 : i32, i32
  }
  func.func @transform_4(%arg0: i32) -> (i32, i32) {
    %c0_i32 = arith.constant 0 : i32
    %c0_i32_0 = arith.constant 0 : i32
    %c0_i32_1 = arith.constant 0 : i32
    return %c0_i32, %c0_i32_0 : i32, i32
  }
  func.func @transform_5(%arg0: i32) -> (i32, i32) {
    %c0_i32 = arith.constant 0 : i32
    %c0_i32_0 = arith.constant 0 : i32
    return %arg0, %c0_i32 : i32, i32
  }
}

</mosaic_0001>

<sc_bundles>
// kernel: kernel.6.cloned.1.call-start
scs
__scs_entry_jumppad:
0x0: {  	(pc) =	sbr.rel $0x88, $3  }
0x1: {  	(tag) =	ssettag $0x0;
	lr =	simm.s32 $0x1  }
0x2: {  	[smem:$0x3F9D] =	sst lr;
	_ =	strace $0xD0000000  }
0x3: {  	_ = 	snop  }
0x4: {  	_ = 	snop  }
0x5: {  	_ = 	snop  }
0x6: {  	_ = 	snop  }
0x7: {  	_ = 	snop  }
__scs_overlays_trampoline_lowered:
0x8: {  	[smem:$0x3FAC] =	sst s0  }
0x9: {  	[smem:$0x3FAD] =	sst s1  }
0xa: {  	[smem:$0x3FAE] =	sst s2  }
0xb: {  	[smem:$0x3FAF] =	sst s3  }
0xc: {  	[smem:$0x3FB0] =	sst s4  }
0xd: {  	[smem:$0x3FB1] =	sst s5  }
0xe: {  	[smem:$0x3FB2] =	sst s6  }
0xf: {  	[smem:$0x3FB3] =	sst s7  }
0x10: {  	[smem:$0x3FB4] =	sst s8  }
0x11: {  	[smem:$0x3FB5] =	sst s9;
	s0 =	simm.s32 @!p0 $0x0  }
0x12: {  	s1 =	sld [smem:$0x3F9B];
	s0 =	simm.s32 @p0 $0x1  }
0x13: {  	[smem:$0x3FB6] =	sst s0;
	s0 =	simm.s32 @!p1 $0x0  }
0x14: {  	s2 =	sld [smem:$0x3F9A];
	s0 =	simm.s32 @p1 $0x1  }
0x15: {  	[smem:$0x3FB7] =	sst s0;
	s0 =	simm.s32 @!p2 $0x0  }
0x16: {  	s3 =	sld [smem:$0x3FDB];
	s0 =	simm.s32 @p2 $0x1  }
0x17: {  	s4 =	simm.s32 $0x1BF5;
	[smem:$0x3FB9] =	sst s0  }
0x18: {  	s0 =	sld [smem:$0x3F9C];
	_ =	swait.ge [sflag:s4], $0x0  }
0x19: {  	s7 =	sld [smem:$0x3F9D]  }
0x1a: {  	s8 =	sadd.s32 $0xFFFFE003, lr  }
0x1b: {  	s9 =	sadd.s32 $0xFFFFFEF7, lr;
	s5 =	simm.s32 $0xFFFFFFFF;
	p2 =	slt.u32 s8, $0xFFFFF086  }
0x1c: {  	p1 =	slt.u32 s9, $0xF7A;
	s5 =	simm.s32 @!p2 $0x0  }
0x1d: {  	s5 =	simm.s32 @p1 $0x1;
	p0 =	seq.s32 s7, s2  }
0x1e: {  	s7 =	smul.u32 @!p0 $0xF7A, s2;
	p2 =	seq.s32 @!p0 s5, $0x0  }
0x1f: {  	s9 =	smul.u32 $0xF7A, s1;
	s8 =	simm.s32 @!p0 $0x1BF5;
	p2 =	por !p2, p0  }
0x20: {  	[sflag:s8] =	ssyncset.s32 @!p0 $0xFFFFF086;
	s6 =	sadd.s32 @!p0 s3, s7;
	s7 =	simm.s32 @!p0 $0x108  }
0x21: {  	s3 =	sadd.s32 s3, s9;
	s6 =	sadd.s32 @!p0 $0x88, s6;
	s7 =	simm.s32 @p2 $0x1082  }
0x22: {  	[simem:s7], [sflag:s8] =	dma.local @!p0 [hbm:s6], $0xF7A  }
0x23: {  	s9 =	sor.u32 $0xD0000000, s2;
	s6 =	simm.s32 $0x108;
	_ =	swait.ge @!p0 [sflag:s8], $0x0  }
0x24: {  	s3 =	sadd.s32 $0x88, s3;
	s6 =	simm.s32 @!p1 $0x1082;
	[sflag:s4] =	ssyncset.s32 $0xFFFFF086  }
0x25: {  	[simem:s6], [sflag:s4] =	dma.local [hbm:s3], $0xF7A  }
0x26: {  	[smem:$0x3F9D] =	sst s1;
	(tag) =	ssettag s2;
	_ =	strace s9  }
0x27: {  	s1 =	sld [smem:$0x3FAD]  }
0x28: {  	s2 =	sld [smem:$0x3FAE]  }
0x29: {  	s4 =	sld [smem:$0x3FB0]  }
0x2a: {  	p0 =	seq.s32 s5, $0x0;
	s5 =	sld [smem:$0x3FB1]  }
0x2b: {  	s6 =	sld [smem:$0x3FB2]  }
0x2c: {  	s7 =	sld [smem:$0x3FB3]  }
0x2d: {  	s3 =	simm.s32 $0x108;
	s8 =	sld [smem:$0x3FB4]  }
0x2e: {  	s3 =	simm.s32 @!p0 $0x1082;
	s9 =	sld [smem:$0x3FB5]  }
0x2f: {  	lr =	sadd.s32 s0, s3;
	s0 =	sld [smem:$0x3FAC]  }
0x30: {  	s3 =	sld [smem:$0x3FAF]  }
0x31: {  	[smem:$0x3FB8] =	sst s10  }
0x32: {  	s10 =	sld [smem:$0x3FB6];
	_ =	sdelay $0x3  }
0x33: {  	p0 =	seq.s32 s10, $0x1;
	s10 =	sld [smem:$0x3FB8];
	_ =	sdelay $0x3  }
0x34: {  	[smem:$0x3FB8] =	sst s10  }
0x35: {  	s10 =	sld [smem:$0x3FB7];
	_ =	sdelay $0x3  }
0x36: {  	p1 =	seq.s32 s10, $0x1;
	s10 =	sld [smem:$0x3FB8];
	_ =	sdelay $0x3  }
0x37: {  	[smem:$0x3FB8] =	sst s10  }
0x38: {  	s10 =	sld [smem:$0x3FB9]  }
0x39: {  	_ = 	snop;
	(pc) =	sbr.ind lr, $3  }
0x3a: {  	_ = 	snop  }
0x3b: {  	_ = 	snop  }
0x3c: {  	p2 =	seq.s32 s10, $0x1;
	s10 =	sld [smem:$0x3FB8]  }
0x3d: {  	_ =	shalt  }
0x3e: {  	_ =	shalt  }
0x3f: {  	_ =	shalt  }
0x40: {  	_ =	shalt  }
0x41: {  	_ =	shalt  }
0x42: {  	_ =	shalt  }
0x43: {  	_ =	shalt  }
0x44: {  	_ =	shalt  }
0x45: {  	_ =	shalt  }
0x46: {  	_ =	shalt  }
0x47: {  	_ =	shalt  }
0x48: {  	_ =	shalt  }
0x49: {  	_ =	shalt  }
0x4a: {  	_ =	shalt  }
0x4b: {  	_ =	shalt  }
0x4c: {  	_ =	shalt  }
0x4d: {  	_ =	shalt  }
0x4e: {  	_ =	shalt  }
0x4f: {  	_ =	shalt  }
0x50: {  	_ =	shalt  }
0x51: {  	_ =	shalt  }
0x52: {  	_ =	shalt  }
0x53: {  	_ =	shalt  }
0x54: {  	_ =	shalt  }
0x55: {  	_ =	shalt  }
0x56: {  	_ =	shalt  }
0x57: {  	_ =	shalt  }
0x58: {  	_ =	shalt  }
0x59: {  	_ =	shalt  }
0x5a: {  	_ =	shalt  }
0x5b: {  	_ =	shalt  }
0x5c: {  	_ =	shalt  }
0x5d: {  	_ =	shalt  }
0x5e: {  	_ =	shalt  }
0x5f: {  	_ =	shalt  }
0x60: {  	_ =	shalt  }
0x61: {  	_ =	shalt  }
0x62: {  	_ =	shalt  }
0x63: {  	_ =	shalt  }
0x64: {  	_ =	shalt  }
0x65: {  	_ =	shalt  }
0x66: {  	_ =	shalt  }
0x67: {  	_ =	shalt  }
0x68: {  	_ =	shalt  }
0x69: {  	_ =	shalt  }
0x6a: {  	_ =	shalt  }
0x6b: {  	_ =	shalt  }
0x6c: {  	_ =	shalt  }
0x6d: {  	_ =	shalt  }
0x6e: {  	_ =	shalt  }
0x6f: {  	_ =	shalt  }
0x70: {  	_ =	shalt  }
0x71: {  	_ =	shalt  }
0x72: {  	_ =	shalt  }
0x73: {  	_ =	shalt  }
0x74: {  	_ =	shalt  }
0x75: {  	_ =	shalt  }
0x76: {  	_ =	shalt  }
0x77: {  	_ =	shalt  }
0x78: {  	_ =	shalt  }
0x79: {  	_ =	shalt  }
0x7a: {  	_ =	shalt  }
0x7b: {  	_ =	shalt  }
0x7c: {  	_ =	shalt  }
0x7d: {  	_ =	shalt  }
0x7e: {  	_ =	shalt  }
0x7f: {  	_ =	shalt  }
0x80: {  	_ =	shalt  }
0x81: {  	_ =	shalt  }
0x82: {  	_ =	shalt  }
0x83: {  	_ =	shalt  }
0x84: {  	_ =	shalt  }
0x85: {  	_ =	shalt  }
0x86: {  	_ =	shalt  }
0x87: {  	_ =	shalt  }
.Lfunc_end0:
.L_simem_size_0:
called_computation_lowered:
.L_overlay_start_0:
0x88: {  	s2 =	sld [smem:$0x3FD9]  }
0x89: {  	s3 =	sld [smem:$0x3FFE];
	_ =	sdelay $0x1  }
0x8a: {  	s1 =	srdreg.scid  }
0x8b: {  	s0 =	sand.u32 $0x1, s1  }
0x8c: {  	s17 =	sshll.u32 s0, $0xA;
	s2 =	sadd.s32 s3, s2  }
0x8d: {  	s2 =	sadd.s32 s2, s17  }
0x8e: {  	[smem:$0x3FC4] =	sst s2  }
0x8f: {  	_ = 	snop  }
0x90: {  	s2 =	sld [smem:$0x3FD0];
	(tm) =	ssettm $0x1  }
0x91: {  	s18 =	sld [smem:$0x3FFB];
	_ =	sdelay $0x3  }
0x92: {  	_ =	strace s18  }
0x93: {  	s3 =	sld [smem:$0x3FFC];
	_ =	sdelay $0x3  }
0x94: {  	_ =	strace s3  }
0x95: {  	s3 =	sld [smem:$0x3FFD];
	_ =	sdelay $0x3  }
0x96: {  	_ =	strace s3  }
0x97: {  	_ =	strace $0x8FFFFFFF  }
0x98: {  	s19 =	sld [smem:$0x3FDB];
	_ =	sdelay $0x1  }
0x99: {  	s4 =	simm.s32 $_scs_section_size  }
0x9a: {  	s5 =	simm.s32 $_size__tile_overlayer_lowered;
	s6 =	simm.s32 $_tile_overlayer_lowered  }
0x9b: {  	s22 =	simm.s32 $0x1BFF;
	s21 =	sshll.u32 s6, $0x1;
	s3 =	sadd.s32 s4, s19  }
0x9c: {  	s7 =	simm.s32 $0x0;
	s20 =	sshll.u32 s5, $0x1;
	s5 =	sadd.s32 s21, s3  }
0x9d: {  	[timem:s7], [sflag:s22] =	dma.local [hbm:s5], s20  }
0x9e: {  	_ =	swait.ge [sflag:s22], s20  }
0x9f: {  	s4 =	ssub.s32 $0x0, s20;
	[sflag:s22] =	ssyncset.done $0x0  }
0xa0: {  	[sflag:s22] =	ssyncadd.s32 s4;
	_ =	sdelay $0x1  }
0xa1: {  	s23 =	simm.s32 $0x1B8B  }
0xa2: {  	_ =	swait.ge [sflag:s23], $0x1  }
0xa3: {  	[sflag:s23] =	ssyncset.done $0x0  }
0xa4: {  	s25 =	simm.s32 $0x1B8E;
	s24 =	sld [smem:$0x3FFE];
	[sflag:s23] =	ssyncadd.s32 $0xFFFFFFFF  }
0xa5: {  	s26 =	simm.s32 $execute0_lowered;
	[smem:$0x3FD2] =	sst s25  }
0xa6: {  	s5 =	sshll.u32 s26, $0x1;
	_ =	strace $0x80000046;
	[dreg:$0x1] =	wrdreg $0xFFFFFFFF  }
0xa7: {  	s28 =	simm.s32 $_size_execute0_lowered;
	s3 =	sadd.s32 s3, s5;
	[dreg:$0x0] =	wrdreg $0x0  }
0xa8: {  	s5 =	sshll.u32 s28, $0x1;
	[dreg:$0x2] =	wrdreg s3  }
0xa9: {  	[dreg:$0x3] =	wrdreg s5  }
0xaa: {  	[dreg:$0x4] =	wrdreg $0xC0  }
0xab: {  	_ =	task [dreg:s7], $0x5FFFF  }
0xac: {  	[dreg:$0x1] =	wrdreg $0xFFFFFFFF  }
0xad: {  	[dreg:$0x0] =	wrdreg $0x60  }
0xae: {  	[dreg:$0x2] =	wrdreg s2  }
0xaf: {  	[dreg:$0x3] =	wrdreg s24  }
0xb0: {  	[dreg:$0x4] =	wrdreg $0x0  }
0xb1: {  	[dreg:$0x5] =	wrdreg $0x9  }
0xb2: {  	_ =	task.clear_ibuf [dreg:s7], $0x6FFFF;
	_ =	strace $0x90000046  }
0xb3: {  	s29 =	simm.s32 $0x9;
	_ =	strace $0x80000048  }
0xb4: {  	_ =	swait.ge [sflag:s29], $0x1  }
0xb5: {  	[sflag:s29] =	ssyncadd.s32 $0xFFFFFFFF  }
0xb6: {  	_ =	strace $0x90000048  }
0xb7: {  	_ =	sfence  }
0xb8: {  	s30 =	sld [smem:$0x0];
	_ =	sdelay $0x2  }
0xb9: {  	s31 =	sshll.u32 s1, $0xD;
	s1 =	sshrl.u32 s1, $0x2  }
0xba: {  	s3 =	sand.u32 $0x4000, s31;
	s1 =	sadd.s32 s1, s30  }
0xbb: {  	s0 =	sor.u32 s3, s0;
	s1 =	sshll.u32 s1, $0x11  }
0xbc: {  	s0 =	sor.u32 s1, s0  }
0xbd: {  	s0 =	sadd.s32 $0x8F2B, s0  }
0xbe: {  	[sflag:s0] =	ssyncadd.remote.s32 $0x1  }
0xbf: {  	_ =	sfence.sel $0xFFFF  }
0xc0: {  	[dreg:$0x0] =	wrdreg $0xFFFFFFFF;
	(pc) =	sbr.abs _section_cstart, $3  }
0xc1: {  	[dreg:$0x1] =	wrdreg $0xFFFFFFFF  }
0xc2: {  	_ =	task.clear_ibuf [dreg:s7], $0x2FFFF;
	_ =	strace $0x9FFFFFFF  }
0xc3: {  	(tm) =	ssettm $0x7FFFFFFF  }
tec
execute0_lowered:
.L_overlay_start_1:
0x0: {  	(tag) =	ssettag $0x1  }
0x1: {  	s1 =	rddreg [dreg:$0x0]  }
0x2: {  	s0 =	rddreg [dreg:$0x1]  }
0x3: {  	s3 =	rddreg [dreg:$0x2]  }
0x4: {  	s2 =	srdreg.scid;
	s8 =	stileid.u32;
	s4 =	simm.s32 $0x0  }
0x5: {  	s14 =	simm.s32 $0x9;
	s15 =	simm.s32 $0x280;
	s16 =	simm.s32 $0x300  }
0x6: {  	s17 =	simm.s32 $0x380;
	s18 =	simm.s32 $0x400;
	s19 =	simm.s32 $0x1  }
0x7: {  	s20 =	simm.s32 $0x80;
	s21 =	simm.s32 $0x480;
	s22 =	simm.s32 $0x2  }
0x8: {  	s23 =	simm.s32 $0x3;
	s24 =	simm.s32 $0x4;
	s28 =	simm.s32 $0x7  }
0x9: {  	s29 =	simm.s32 $0x8;
	s2 =	sand.u32 $0x1, s2;
	s5 =	smul.u32 $0x500, s8  }
0xa: {  	[smem:$0x7FF] =	sst s4;
	s7 =	sshll.u32 s8, $0x1;
	s12 =	smul.u32 $0xA00, s8  }
0xb: {  	s6 =	sshll.u32 s2, $0x7;
	s25 =	sor.u32 s2, s7;
	s26 =	ssub.s32 $0x2, s2  }
0xc: {  	_ =	strace $0x80000047;
	s2 =	smul.u32 $0x500, s2;
	s5 =	sor.u32 s6, s5  }
0xd: {  	s6 =	smul.u32 $0x500, s25;
	s30 =	sshrl.u32 s26, $0x1;
	s31 =	sshrl.u32 s12, $0x2  }
.Ltmp0:
0xe: {  	s25 =	simm.s32 $0x5;
	s5 =	sshrl.u32 s5, $0x3;
	(pc) =	sbr.rel .LBB2_1-.Ltmp0, $4  }
0xf: {  	s11 =	ssub.s32 s26, s30;
	s12 =	sadd.s32 s2, s12;
	s26 =	simm.s32 $0x6  }
0x10: {  	s0 =	sadd.s32 s5, s0;
	s5 =	sadd.s32 s1, s6;
	s6 =	sadd.s32 s31, s3  }
0x11: {  	s11 =	smax.u32 s11, $0x1;
	s7 =	sadd.s32 $0x10, s5;
	s8 =	sadd.s32 $0x20, s5  }
0x12: {  	v0 =	vimm.f32 $0.0e+00;
	v1 =	vimm.f32 $1.000000000e+00;
	s9 =	sadd.s32 $0x30, s5;
	s10 =	sadd.s32 $0xBC00, s0;
	s0 =	simm.s32 $0x0  }
.LBB2_4:
0x13: {  	_ =	swait.ge [sflag:s26], $0x80  }
0x14: {  	[sflag:s26] =	ssyncset.done $0x0  }
0x15: {  	[sflag:s26] =	ssyncadd.s32 $0xFFFFFF80  }
0x16: {  	_ =	swait.ge [sflag:s28], $0x80  }
0x17: {  	[sflag:s28] =	ssyncset.done $0x0  }
0x18: {  	s2 =	stileid.u32;
	[sflag:s28] =	ssyncadd.s32 $0xFFFFFF80  }
0x19: {  	s13 =	sshrl.u32 s6, $0x3;
	s30 =	simm.s32 $0x20;
	_ =	swait.ge [sflag:s29], $0x80  }
0x1a: {  	s31 =	simm.s32 $0x10;
	s0 =	sadd.s32 $0x1, s0;
	[sflag:s29] =	ssyncset.done $0x0  }
0x1b: {  	s2 =	sshll.u32 s2, $0x6;
	p0 =	sne.s32 s0, s11;
	[sflag:s29] =	ssyncadd.s32 $0xFFFFFF80  }
.Ltmp1:
0x1c: {  	s2 =	sor.u32 $0x1C09, s2;
	[bflag:$0x0] =	sbarrier.arrive $0xFFFF;
	(pc) =	sbr.rel @!p0 .LBB2_5-.Ltmp1, $4  }
0x1d: {  	[hbm:s10@s30], [sflag:s2] =	dma.strided [spmem:s13@s31], $0x50, s19, $0x10   }
0x1e: {  	_ =	swait.ge [sflag:s14], $0x50  }
0x1f: {  	[sflag:s14] =	ssyncset.done $0x0  }
0x20: {  	[sflag:s14] =	ssyncadd.s32 $0xFFFFFFB0  }
.LBB2_1:
0x21: {  	[tilespmem:$0x500] =	vst v0  }
0x22: {  	[tilespmem:$0x510] =	vst v0  }
0x23: {  	[tilespmem:$0x520] =	vst v0  }
0x24: {  	[tilespmem:$0x530] =	vst v0  }
0x25: {  	[tilespmem:$0x540] =	vst v0  }
0x26: {  	[tilespmem:$0x550] =	vst v0  }
0x27: {  	[tilespmem:$0x560] =	vst v0  }
0x28: {  	[tilespmem:$0x570] =	vst v0  }
0x29: {  	[tilespmem:$0x580] =	vst v0  }
0x2a: {  	[tilespmem:$0x590] =	vst v0  }
0x2b: {  	[tilespmem:$0x5A0] =	vst v0  }
0x2c: {  	[tilespmem:$0x5B0] =	vst v0  }
0x2d: {  	[tilespmem:$0x5C0] =	vst v0  }
0x2e: {  	[tilespmem:$0x5D0] =	vst v0  }
0x2f: {  	[tilespmem:$0x5E0] =	vst v0  }
0x30: {  	[tilespmem:$0x5F0] =	vst v0  }
0x31: {  	[tilespmem:$0x600] =	vst v0  }
0x32: {  	[tilespmem:$0x610] =	vst v0  }
0x33: {  	[tilespmem:$0x620] =	vst v0  }
0x34: {  	[tilespmem:$0x630] =	vst v0  }
0x35: {  	[tilespmem:$0x640] =	vst v0  }
0x36: {  	[tilespmem:$0x650] =	vst v0  }
0x37: {  	[tilespmem:$0x660] =	vst v0  }
0x38: {  	[tilespmem:$0x670] =	vst v0  }
0x39: {  	[tilespmem:$0x680] =	vst v0  }
0x3a: {  	[tilespmem:$0x690] =	vst v0  }
0x3b: {  	[tilespmem:$0x6A0] =	vst v0  }
0x3c: {  	[tilespmem:$0x6B0] =	vst v0  }
0x3d: {  	[tilespmem:$0x6C0] =	vst v0  }
0x3e: {  	[tilespmem:$0x6D0] =	vst v0  }
0x3f: {  	[tilespmem:$0x6E0] =	vst v0  }
0x40: {  	[tilespmem:$0x6F0] =	vst v0  }
0x41: {  	[tilespmem:$0x700] =	vst v0  }
0x42: {  	[tilespmem:$0x710] =	vst v0  }
0x43: {  	[tilespmem:$0x720] =	vst v0  }
0x44: {  	[tilespmem:$0x730] =	vst v0  }
0x45: {  	[tilespmem:$0x740] =	vst v0  }
0x46: {  	[tilespmem:$0x750] =	vst v0  }
0x47: {  	[tilespmem:$0x760] =	vst v0  }
0x48: {  	[tilespmem:$0x770] =	vst v0  }
0x49: {  	[tilespmem:$0x480] =	vst v1  }
0x4a: {  	[tilespmem:$0x490] =	vst v1  }
0x4b: {  	[tilespmem:$0x4A0] =	vst v1  }
0x4c: {  	[tilespmem:$0x4B0] =	vst v1  }
0x4d: {  	[tilespmem:$0x4C0] =	vst v1  }
0x4e: {  	[tilespmem:$0x4D0] =	vst v1  }
0x4f: {  	[tilespmem:$0x4E0] =	vst v1  }
0x50: {  	[tilespmem:$0x4F0] =	vst v1;
	s2 =	simm.s32 $0x500  }
0x51: {  	[spmem:s6] =	stream.linear.scatter [tilespmem:s2], [sflag:$0x9], $0x280, $0x38;
	[tilespmem:$0x780] =	vst v63  }
0x52: {  	_ =	swait.ge [sflag:s14], $0x280  }
0x53: {  	[sflag:s14] =	ssyncset.done $0x0  }
0x54: {  	[sflag:s14] =	ssyncadd.s32 $0xFFFFFD80  }
0x55: {  	[bflag:$0x0] =	sbarrier.arrive $0xFFFF  }
0x56: {  	[tilespmem:s15], [sflag:$0x1] =	stream.linear.gather [hbm4b:s5+s4], $0x80, $0x38;
	[tilespmem:$0x780] =	vst v63  }
0x57: {  	_ = 	snop  }
0x58: {  	[tilespmem:s16], [sflag:$0x2] =	stream.linear.gather [hbm4b:s7+s4], $0x80, $0x38;
	[tilespmem:$0x780] =	vst v63  }
0x59: {  	_ = 	snop  }
0x5a: {  	[tilespmem:s17], [sflag:$0x3] =	stream.linear.gather [hbm4b:s8+s4], $0x80, $0x38;
	[tilespmem:$0x780] =	vst v63  }
0x5b: {  	s2 =	simm.s32 $0x70  }
0x5c: {  	[tilespmem:s18], [sflag:$0x4] =	stream.linear.gather [hbm4b:s9+s4], $0x80, $0x38;
	[tilespmem:$0x780] =	vst v63  }
.LBB2_2:
0x5d: {  	_ =	swait.ge [sflag:s19], $0x80  }
0x5e: {  	[sflag:s19] =	ssyncset.done $0x0  }
0x5f: {  	[sflag:s19] =	ssyncadd.s32 $0xFFFFFF80  }
0x60: {  	[spmem:s3] =	stream.indirect.scatter.add.f32 [tilespmem:s21], [sflag:$0x5], $0x1, s15, s20, $0xb8;
	[tilespmem:$0x780] =	vst v63  }
0x61: {  	_ =	swait.ge [sflag:s22], $0x80  }
0x62: {  	[sflag:s22] =	ssyncset.done $0x0  }
0x63: {  	[sflag:s22] =	ssyncadd.s32 $0xFFFFFF80  }
0x64: {  	[spmem:s3] =	stream.indirect.scatter.add.f32 [tilespmem:s21], [sflag:$0x6], $0x1, s16, s20, $0xb8;
	[tilespmem:$0x780] =	vst v63  }
0x65: {  	_ =	swait.ge [sflag:s23], $0x80  }
0x66: {  	[sflag:s23] =	ssyncset.done $0x0  }
0x67: {  	[sflag:s23] =	ssyncadd.s32 $0xFFFFFF80  }
0x68: {  	[spmem:s3] =	stream.indirect.scatter.add.f32 [tilespmem:s21], [sflag:$0x7], $0x1, s17, s20, $0xb8;
	[tilespmem:$0x780] =	vst v63  }
0x69: {  	_ =	swait.ge [sflag:s24], $0x80  }
0x6a: {  	p0 =	seq.s32 s2, $0x530;
	[sflag:s24] =	ssyncset.done $0x0  }
.Ltmp2:
0x6b: {  	[sflag:s24] =	ssyncadd.s32 $0xFFFFFF80;
	(pc) =	sbr.rel @p0 .LBB2_4-.Ltmp2, $4  }
0x6c: {  	[spmem:s3] =	stream.indirect.scatter.add.f32 [tilespmem:s21], [sflag:$0x8], $0x1, s18, s20, $0xb8;
	[tilespmem:$0x780] =	vst v63  }
0x6d: {  	_ =	swait.ge [sflag:s25], $0x80  }
0x6e: {  	[sflag:s25] =	ssyncset.done $0x0  }
0x6f: {  	[sflag:s25] =	ssyncadd.s32 $0xFFFFFF80  }
0x70: {  	s13 =	sadd.s32 s2, s12;
	s30 =	sadd.s32 $0xFFFFFFD0, s2  }
0x71: {  	s31 =	sadd.s32 $0xFFFFFFD0, s13;
	s30 =	sand.u32 $0x40, s30  }
0x72: {  	s31 =	sand.u32 $0xFFFFF80, s31;
	s30 =	sadd.s32 s1, s30  }
0x73: {  	s30 =	sadd.s32 s31, s30  }
0x74: {  	[tilespmem:s15], [sflag:$0x1] =	stream.linear.gather [hbm4b:s30+s4], $0x80, $0x38;
	[tilespmem:$0x780] =	vst v63  }
0x75: {  	s30 =	sadd.s32 $0xFFFFFFE0, s2  }
0x76: {  	s31 =	sadd.s32 $0xFFFFFFE0, s13;
	_ =	swait.ge [sflag:s26], $0x80;
	s30 =	sand.u32 $0x50, s30  }
0x77: {  	s31 =	sand.u32 $0xFFFFF80, s31;
	[sflag:s26] =	ssyncset.done $0x0;
	s30 =	sadd.s32 s1, s30  }
0x78: {  	[sflag:s26] =	ssyncadd.s32 $0xFFFFFF80;
	s30 =	sadd.s32 s31, s30  }
0x79: {  	[tilespmem:s16], [sflag:$0x2] =	stream.linear.gather [hbm4b:s30+s4], $0x80, $0x38;
	[tilespmem:$0x780] =	vst v63  }
0x7a: {  	s30 =	sadd.s32 $0xFFFFFFF0, s2  }
0x7b: {  	s31 =	sadd.s32 $0xFFFFFFF0, s13;
	_ =	swait.ge [sflag:s28], $0x80;
	s30 =	sand.u32 $0x60, s30  }
0x7c: {  	s31 =	sand.u32 $0xFFFFF80, s31;
	[sflag:s28] =	ssyncset.done $0x0;
	s30 =	sadd.s32 s1, s30  }
0x7d: {  	[sflag:s28] =	ssyncadd.s32 $0xFFFFFF80;
	s30 =	sadd.s32 s31, s30  }
0x7e: {  	[tilespmem:s17], [sflag:$0x3] =	stream.linear.gather [hbm4b:s30+s4], $0x80, $0x38;
	[tilespmem:$0x780] =	vst v63  }
.Ltmp3:
0x7f: {  	_ = 	snop;
	(pc) =	sbr.rel .LBB2_2-.Ltmp3, $4  }
0x80: {  	s31 =	sand.u32 $0x70, s2;
	_ =	swait.ge [sflag:s29], $0x80  }
0x81: {  	s13 =	sand.u32 $0xFFFFF80, s13;
	s30 =	sadd.s32 s1, s31;
	[sflag:s29] =	ssyncset.done $0x0  }
0x82: {  	s2 =	sadd.s32 $0x40, s2;
	s13 =	sadd.s32 s13, s30;
	[sflag:s29] =	ssyncadd.s32 $0xFFFFFF80  }
0x83: {  	[tilespmem:s18], [sflag:$0x4] =	stream.linear.gather [hbm4b:s13+s4], $0x80, $0x38;
	[tilespmem:$0x780] =	vst v63  }
.LBB2_5:
0x84: {  	_ =	sfence.sel $0x180000  }
0x85: {  	[bflag:$0x0] =	sbarrier.arrive $0xFFFF  }
0x86: {  	_ =	strace $0x90000047  }
0x87: {  	s0 =	stileid.u32;
	[bflag:$0x2] =	sbarrier.arrive $0xFFFF  }
0x88: {  	p0 =	sne.s32 s0, $0x0;
	s0 =	rddreg [dreg:$0x3]  }
0x89: {  	s0 =	sadd.s32 @!p0 $0x100000, s0  }
0x8a: {  	[sflag:s0] =	ssyncadd.tile.s32 @!p0 $0x1;
	_ =	shalt  }
.Lfunc_end2:
_tile_overlayer_lowered:
.L_overlay_start_2:
0x8b: {  	(tag) =	ssettag $0x2  }
0x8c: {  	s0 =	rddreg [dreg:$0x0];
	s2 =	stileid.u32  }
0x8d: {  	s1 =	rddreg [dreg:$0x1];
	p0 =	sne.s32 s2, $0x0  }
0x8e: {  	s3 =	rddreg [dreg:$0x2];
	[bflag:$0x3] =	sbarrier.arrive $0xFFFF;
	s2 =	simm.s32 @!p0 $0x1C09  }
0x8f: {  	[timem:s3], [sflag:s2] =	dma.local @!p0 [hbm:s0], s1  }
0x90: {  	s0 =	simm.s32 @!p0 $0x9  }
0x91: {  	_ =	swait.ge @!p0 [sflag:s0], s1  }
0x92: {  	s1 =	ssub.s32 @!p0 $0x0, s1;
	[sflag:s0] =	ssyncset.done @!p0 $0x0  }
0x93: {  	[sflag:s0] =	ssyncadd.s32 @!p0 s1  }
0x94: {  	[bflag:$0x3] =	sbarrier.arrive $0xFFFF  }
0x95: {  	_ =	shalt  }

// kernel: kernel.9.cloned.1.call-start
scs
__scs_entry_jumppad:
0x0: {  	(pc) =	sbr.rel $0x88, $3  }
0x1: {  	(tag) =	ssettag $0x0;
	lr =	simm.s32 $0x1  }
0x2: {  	[smem:$0x3F9D] =	sst lr;
	_ =	strace $0xD0000000  }
0x3: {  	_ = 	snop  }
0x4: {  	_ = 	snop  }
0x5: {  	_ = 	snop  }
0x6: {  	_ = 	snop  }
0x7: {  	_ = 	snop  }
__scs_overlays_trampoline_lowered:
0x8: {  	[smem:$0x3FAC] =	sst s0  }
0x9: {  	[smem:$0x3FAD] =	sst s1  }
0xa: {  	[smem:$0x3FAE] =	sst s2  }
0xb: {  	[smem:$0x3FAF] =	sst s3  }
0xc: {  	[smem:$0x3FB0] =	sst s4  }
0xd: {  	[smem:$0x3FB1] =	sst s5  }
0xe: {  	[smem:$0x3FB2] =	sst s6  }
0xf: {  	[smem:$0x3FB3] =	sst s7  }
0x10: {  	[smem:$0x3FB4] =	sst s8  }
0x11: {  	[smem:$0x3FB5] =	sst s9;
	s0 =	simm.s32 @!p0 $0x0  }
0x12: {  	s1 =	sld [smem:$0x3F9B];
	s0 =	simm.s32 @p0 $0x1  }
0x13: {  	[smem:$0x3FB6] =	sst s0;
	s0 =	simm.s32 @!p1 $0x0  }
0x14: {  	s2 =	sld [smem:$0x3F9A];
	s0 =	simm.s32 @p1 $0x1  }
0x15: {  	[smem:$0x3FB7] =	sst s0;
	s0 =	simm.s32 @!p2 $0x0  }
0x16: {  	s3 =	sld [smem:$0x3FDB];
	s0 =	simm.s32 @p2 $0x1  }
0x17: {  	s4 =	simm.s32 $0x1BF5;
	[smem:$0x3FB9] =	sst s0  }
0x18: {  	s0 =	sld [smem:$0x3F9C];
	_ =	swait.ge [sflag:s4], $0x0  }
0x19: {  	s7 =	sld [smem:$0x3F9D]  }
0x1a: {  	s8 =	sadd.s32 $0xFFFFE003, lr  }
0x1b: {  	s9 =	sadd.s32 $0xFFFFFEF7, lr;
	s5 =	simm.s32 $0xFFFFFFFF;
	p2 =	slt.u32 s8, $0xFFFFF086  }
0x1c: {  	p1 =	slt.u32 s9, $0xF7A;
	s5 =	simm.s32 @!p2 $0x0  }
0x1d: {  	s5 =	simm.s32 @p1 $0x1;
	p0 =	seq.s32 s7, s2  }
0x1e: {  	s7 =	smul.u32 @!p0 $0xF7A, s2;
	p2 =	seq.s32 @!p0 s5, $0x0  }
0x1f: {  	s9 =	smul.u32 $0xF7A, s1;
	s8 =	simm.s32 @!p0 $0x1BF5;
	p2 =	por !p2, p0  }
0x20: {  	[sflag:s8] =	ssyncset.s32 @!p0 $0xFFFFF086;
	s6 =	sadd.s32 @!p0 s3, s7;
	s7 =	simm.s32 @!p0 $0x108  }
0x21: {  	s3 =	sadd.s32 s3, s9;
	s6 =	sadd.s32 @!p0 $0x88, s6;
	s7 =	simm.s32 @p2 $0x1082  }
0x22: {  	[simem:s7], [sflag:s8] =	dma.local @!p0 [hbm:s6], $0xF7A  }
0x23: {  	s9 =	sor.u32 $0xD0000000, s2;
	s6 =	simm.s32 $0x108;
	_ =	swait.ge @!p0 [sflag:s8], $0x0  }
0x24: {  	s3 =	sadd.s32 $0x88, s3;
	s6 =	simm.s32 @!p1 $0x1082;
	[sflag:s4] =	ssyncset.s32 $0xFFFFF086  }
0x25: {  	[simem:s6], [sflag:s4] =	dma.local [hbm:s3], $0xF7A  }
0x26: {  	[smem:$0x3F9D] =	sst s1;
	(tag) =	ssettag s2;
	_ =	strace s9  }
0x27: {  	s1 =	sld [smem:$0x3FAD]  }
0x28: {  	s2 =	sld [smem:$0x3FAE]  }
0x29: {  	s4 =	sld [smem:$0x3FB0]  }
0x2a: {  	p0 =	seq.s32 s5, $0x0;
	s5 =	sld [smem:$0x3FB1]  }
0x2b: {  	s6 =	sld [smem:$0x3FB2]  }
0x2c: {  	s7 =	sld [smem:$0x3FB3]  }
0x2d: {  	s3 =	simm.s32 $0x108;
	s8 =	sld [smem:$0x3FB4]  }
0x2e: {  	s3 =	simm.s32 @!p0 $0x1082;
	s9 =	sld [smem:$0x3FB5]  }
0x2f: {  	lr =	sadd.s32 s0, s3;
	s0 =	sld [smem:$0x3FAC]  }
0x30: {  	s3 =	sld [smem:$0x3FAF]  }
0x31: {  	[smem:$0x3FB8] =	sst s10  }
0x32: {  	s10 =	sld [smem:$0x3FB6];
	_ =	sdelay $0x3  }
0x33: {  	p0 =	seq.s32 s10, $0x1;
	s10 =	sld [smem:$0x3FB8];
	_ =	sdelay $0x3  }
0x34: {  	[smem:$0x3FB8] =	sst s10  }
0x35: {  	s10 =	sld [smem:$0x3FB7];
	_ =	sdelay $0x3  }
0x36: {  	p1 =	seq.s32 s10, $0x1;
	s10 =	sld [smem:$0x3FB8];
	_ =	sdelay $0x3  }
0x37: {  	[smem:$0x3FB8] =	sst s10  }
0x38: {  	s10 =	sld [smem:$0x3FB9]  }
0x39: {  	_ = 	snop;
	(pc) =	sbr.ind lr, $3  }
0x3a: {  	_ = 	snop  }
0x3b: {  	_ = 	snop  }
0x3c: {  	p2 =	seq.s32 s10, $0x1;
	s10 =	sld [smem:$0x3FB8]  }
0x3d: {  	_ =	shalt  }
0x3e: {  	_ =	shalt  }
0x3f: {  	_ =	shalt  }
0x40: {  	_ =	shalt  }
0x41: {  	_ =	shalt  }
0x42: {  	_ =	shalt  }
0x43: {  	_ =	shalt  }
0x44: {  	_ =	shalt  }
0x45: {  	_ =	shalt  }
0x46: {  	_ =	shalt  }
0x47: {  	_ =	shalt  }
0x48: {  	_ =	shalt  }
0x49: {  	_ =	shalt  }
0x4a: {  	_ =	shalt  }
0x4b: {  	_ =	shalt  }
0x4c: {  	_ =	shalt  }
0x4d: {  	_ =	shalt  }
0x4e: {  	_ =	shalt  }
0x4f: {  	_ =	shalt  }
0x50: {  	_ =	shalt  }
0x51: {  	_ =	shalt  }
0x52: {  	_ =	shalt  }
0x53: {  	_ =	shalt  }
0x54: {  	_ =	shalt  }
0x55: {  	_ =	shalt  }
0x56: {  	_ =	shalt  }
0x57: {  	_ =	shalt  }
0x58: {  	_ =	shalt  }
0x59: {  	_ =	shalt  }
0x5a: {  	_ =	shalt  }
0x5b: {  	_ =	shalt  }
0x5c: {  	_ =	shalt  }
0x5d: {  	_ =	shalt  }
0x5e: {  	_ =	shalt  }
0x5f: {  	_ =	shalt  }
0x60: {  	_ =	shalt  }
0x61: {  	_ =	shalt  }
0x62: {  	_ =	shalt  }
0x63: {  	_ =	shalt  }
0x64: {  	_ =	shalt  }
0x65: {  	_ =	shalt  }
0x66: {  	_ =	shalt  }
0x67: {  	_ =	shalt  }
0x68: {  	_ =	shalt  }
0x69: {  	_ =	shalt  }
0x6a: {  	_ =	shalt  }
0x6b: {  	_ =	shalt  }
0x6c: {  	_ =	shalt  }
0x6d: {  	_ =	shalt  }
0x6e: {  	_ =	shalt  }
0x6f: {  	_ =	shalt  }
0x70: {  	_ =	shalt  }
0x71: {  	_ =	shalt  }
0x72: {  	_ =	shalt  }
0x73: {  	_ =	shalt  }
0x74: {  	_ =	shalt  }
0x75: {  	_ =	shalt  }
0x76: {  	_ =	shalt  }
0x77: {  	_ =	shalt  }
0x78: {  	_ =	shalt  }
0x79: {  	_ =	shalt  }
0x7a: {  	_ =	shalt  }
0x7b: {  	_ =	shalt  }
0x7c: {  	_ =	shalt  }
0x7d: {  	_ =	shalt  }
0x7e: {  	_ =	shalt  }
0x7f: {  	_ =	shalt  }
0x80: {  	_ =	shalt  }
0x81: {  	_ =	shalt  }
0x82: {  	_ =	shalt  }
0x83: {  	_ =	shalt  }
0x84: {  	_ =	shalt  }
0x85: {  	_ =	shalt  }
0x86: {  	_ =	shalt  }
0x87: {  	_ =	shalt  }
.Lfunc_end0:
.L_simem_size_0:
called_computation.1_lowered:
.L_overlay_start_0:
0x88: {  	s2 =	sld [smem:$0x3FD9]  }
0x89: {  	s3 =	sld [smem:$0x3FFE];
	_ =	sdelay $0x1  }
0x8a: {  	s1 =	srdreg.scid  }
0x8b: {  	s0 =	sand.u32 $0x1, s1  }
0x8c: {  	s17 =	sshll.u32 s0, $0xA;
	s2 =	sadd.s32 s3, s2  }
0x8d: {  	s2 =	sadd.s32 s2, s17  }
0x8e: {  	[smem:$0x3FC4] =	sst s2  }
0x8f: {  	_ = 	snop  }
0x90: {  	s2 =	sld [smem:$0x3FD0];
	(tm) =	ssettm $0x1  }
0x91: {  	s18 =	sld [smem:$0x3FFB];
	_ =	sdelay $0x3  }
0x92: {  	_ =	strace s18  }
0x93: {  	s3 =	sld [smem:$0x3FFC];
	_ =	sdelay $0x3  }
0x94: {  	_ =	strace s3  }
0x95: {  	s3 =	sld [smem:$0x3FFD];
	_ =	sdelay $0x3  }
0x96: {  	_ =	strace s3  }
0x97: {  	_ =	strace $0x8FFFFFFF  }
0x98: {  	s19 =	sld [smem:$0x3FDB];
	_ =	sdelay $0x1  }
0x99: {  	s4 =	simm.s32 $_scs_section_size  }
0x9a: {  	s5 =	simm.s32 $_size__tile_overlayer_lowered;
	s6 =	simm.s32 $_tile_overlayer_lowered  }
0x9b: {  	s22 =	simm.s32 $0x1BFF;
	s21 =	sshll.u32 s6, $0x1;
	s3 =	sadd.s32 s4, s19  }
0x9c: {  	s7 =	simm.s32 $0x0;
	s20 =	sshll.u32 s5, $0x1;
	s5 =	sadd.s32 s21, s3  }
0x9d: {  	[timem:s7], [sflag:s22] =	dma.local [hbm:s5], s20  }
0x9e: {  	_ =	swait.ge [sflag:s22], s20  }
0x9f: {  	s4 =	ssub.s32 $0x0, s20;
	[sflag:s22] =	ssyncset.done $0x0  }
0xa0: {  	[sflag:s22] =	ssyncadd.s32 s4;
	_ =	sdelay $0x1  }
0xa1: {  	s23 =	simm.s32 $0x1B8B  }
0xa2: {  	_ =	swait.ge [sflag:s23], $0x1  }
0xa3: {  	[sflag:s23] =	ssyncset.done $0x0  }
0xa4: {  	s25 =	simm.s32 $0x1B8E;
	s24 =	sld [smem:$0x3FFE];
	[sflag:s23] =	ssyncadd.s32 $0xFFFFFFFF  }
0xa5: {  	s26 =	simm.s32 $execute0_lowered;
	[smem:$0x3FD2] =	sst s25  }
0xa6: {  	s5 =	sshll.u32 s26, $0x1;
	_ =	strace $0x80000049;
	[dreg:$0x1] =	wrdreg $0xFFFFFFFF  }
0xa7: {  	s28 =	simm.s32 $_size_execute0_lowered;
	s3 =	sadd.s32 s3, s5;
	[dreg:$0x0] =	wrdreg $0x0  }
0xa8: {  	s5 =	sshll.u32 s28, $0x1;
	[dreg:$0x2] =	wrdreg s3  }
0xa9: {  	[dreg:$0x3] =	wrdreg s5  }
0xaa: {  	[dreg:$0x4] =	wrdreg $0xC0  }
0xab: {  	_ =	task [dreg:s7], $0x5FFFF  }
0xac: {  	[dreg:$0x1] =	wrdreg $0xFFFFFFFF  }
0xad: {  	[dreg:$0x0] =	wrdreg $0x60  }
0xae: {  	[dreg:$0x2] =	wrdreg s2  }
0xaf: {  	[dreg:$0x3] =	wrdreg s24  }
0xb0: {  	[dreg:$0x4] =	wrdreg $0x0  }
0xb1: {  	[dreg:$0x5] =	wrdreg $0x9  }
0xb2: {  	_ =	task.clear_ibuf [dreg:s7], $0x6FFFF;
	_ =	strace $0x90000049  }
0xb3: {  	s29 =	simm.s32 $0x9;
	_ =	strace $0x8000004B  }
0xb4: {  	_ =	swait.ge [sflag:s29], $0x1  }
0xb5: {  	[sflag:s29] =	ssyncadd.s32 $0xFFFFFFFF  }
0xb6: {  	_ =	strace $0x9000004B  }
0xb7: {  	_ =	sfence  }
0xb8: {  	s30 =	sld [smem:$0x0];
	_ =	sdelay $0x2  }
0xb9: {  	s31 =	sshll.u32 s1, $0xD;
	s1 =	sshrl.u32 s1, $0x2  }
0xba: {  	s3 =	sand.u32 $0x4000, s31;
	s1 =	sadd.s32 s1, s30  }
0xbb: {  	s0 =	sor.u32 s3, s0;
	s1 =	sshll.u32 s1, $0x11  }
0xbc: {  	s0 =	sor.u32 s1, s0  }
0xbd: {  	s0 =	sadd.s32 $0x8F2B, s0  }
0xbe: {  	[sflag:s0] =	ssyncadd.remote.s32 $0x1  }
0xbf: {  	_ =	sfence.sel $0xFFFF  }
0xc0: {  	[dreg:$0x0] =	wrdreg $0xFFFFFFFF;
	(pc) =	sbr.abs _section_cstart, $3  }
0xc1: {  	[dreg:$0x1] =	wrdreg $0xFFFFFFFF  }
0xc2: {  	_ =	task.clear_ibuf [dreg:s7], $0x2FFFF;
	_ =	strace $0x9FFFFFFF  }
0xc3: {  	(tm) =	ssettm $0x7FFFFFFF  }
tec
execute0_lowered:
.L_overlay_start_1:
0x0: {  	(tag) =	ssettag $0x1  }
0x1: {  	s2 =	rddreg [dreg:$0x0]  }
0x2: {  	s0 =	rddreg [dreg:$0x1]  }
0x3: {  	s3 =	rddreg [dreg:$0x2];
	s11 =	stileid.u32  }
0x4: {  	s4 =	srdreg.scid;
	s5 =	simm.s32 $0x0;
	s28 =	simm.s32 $0x9  }
0x5: {  	s12 =	simm.s32 $0x13CE0;
	s14 =	simm.s32 $0x17600;
	s15 =	simm.s32 $0x3  }
0x6: {  	s16 =	simm.s32 $0x80;
	s17 =	simm.s32 $0x17E00;
	s29 =	simm.s32 $0x0  }
0x7: {  	s31 =	simm.s32 $0x0;
	s1 =	smul.u32 $0x13C00, s11;
	s4 =	sand.u32 $0x1, s4  }
0x8: {  	[smem:$0x7FF] =	sst s5;
	s9 =	sadd.s32 $0xC600, s0;
	s5 =	sadd.s32 $0x1C00, s0  }
0x9: {  	s20 =	sshll.u32 s11, $0x6;
	s13 =	sadd.s32 $0xC620, s0;
	s6 =	smul.u32 $0x13C000, s4  }
0xa: {  	_ =	strace $0x8000004A;
	s8 =	ssub.s32 $0x2, s4;
	s4 =	sshll.u32 s4, $0x4  }
0xb: {  	s19 =	sshrl.u32 s1, $0x3;
	s10 =	sshrl.u32 s8, $0x1;
	s4 =	sor.u32 s11, s4  }
0xc: {  	s11 =	simm.s32 $0x16E00;
	s7 =	sadd.s32 s19, s0;
	s6 =	sadd.s32 s1, s6  }
0xd: {  	s10 =	ssub.s32 s8, s10;
	s21 =	smul.u32 $0x500, s4;
	s1 =	sadd.s32 s1, s3  }
0xe: {  	s19 =	sor.u32 $0x1C09, s20;
	s8 =	smul.u32 $0x50, s4;
	s20 =	simm.s32 $0x13C80  }
0xf: {  	s6 =	sshrl.u32 s6, $0x3;
	s7 =	sadd.s32 $0x16600, s7;
	s30 =	smax.u32 s10, $0x1  }
0x10: {  	s10 =	simm.s32 $0x13CC0;
	[dreg:$0x5] =	wrdreg s19;
	s6 =	sadd.s32 s6, s0  }
0x11: {  	[dreg:$0x4] =	wrdreg s7;
	s22 =	sadd.s32 s9, s21;
	s23 =	sor.u32 $0x10, s21  }
0x12: {  	s24 =	sadd.s32 s5, s21;
	[dreg:$0xb] =	wrdreg s30;
	s21 =	simm.s32 $0x13D80  }
0x13: {  	s0 =	simm.s32 $0x15E00;
	s7 =	simm.s32 $0x5;
	[dreg:$0x6] =	wrdreg s22  }
0x14: {  	[dreg:$0x7] =	wrdreg s24;
	s25 =	sadd.s32 s9, s23;
	s4 =	sadd.s32 s5, s23  }
.Ltmp0:
0x15: {  	s26 =	sadd.s32 $0x3E600, s6;
	s22 =	simm.s32 $0x1;
	(pc) =	sbr.rel .LBB2_1-.Ltmp0, $4  }
0x16: {  	s23 =	simm.s32 $0x20;
	s6 =	simm.s32 $0x13CA0;
	[dreg:$0x8] =	wrdreg s25  }
0x17: {  	s9 =	simm.s32 $0x16600;
	s24 =	simm.s32 $0x6;
	[dreg:$0x9] =	wrdreg s4  }
0x18: {  	[dreg:$0xa] =	wrdreg s26;
	s26 =	sshrl.u32 s1, $0x3;
	s1 =	simm.s32 $0x2  }
0x19: {  	s4 =	simm.s32 $0x4;
	s25 =	simm.s32 $0x1BE00;
	[dreg:$0xc] =	wrdreg s26  }
.LBB2_8:
0x1a: {  	s18 =	simm.s32 $0x7  }
0x1b: {  	_ =	swait.ge [sflag:s18], $0x4000  }
0x1c: {  	[sflag:s18] =	ssyncset.done $0x0  }
0x1d: {  	s26 =	simm.s32 $0x8;
	[sflag:s18] =	ssyncadd.s32 $0xFFFFC000  }
0x1e: {  	_ =	swait.ge [sflag:s26], $0x4000  }
0x1f: {  	[sflag:s26] =	ssyncset.done $0x0  }
0x20: {  	[sflag:s26] =	ssyncadd.s32 $0xFFFFC000  }
0x21: {  	[bflag:$0x0] =	sbarrier.arrive $0xFFFF  }
0x22: {  	s19 =	rddreg [dreg:$0x5]  }
0x23: {  	s30 =	rddreg [dreg:$0xa]  }
0x24: {  	s28 =	simm.s32 $0x9;
	s26 =	rddreg [dreg:$0xc]  }
0x25: {  	[hbm:s30], [sflag:s19] =	dma.local [spmem:s26], $0x2780  }
0x26: {  	_ =	swait.ge [sflag:s28], $0x2780  }
0x27: {  	s29 =	rddreg [dreg:$0xd]  }
0x28: {  	s30 =	rddreg [dreg:$0xb];
	s29 =	sadd.s32 $0x1, s29  }
0x29: {  	p0 =	sne.s32 s29, s30  }
.Ltmp1:
0x2a: {  	_ = 	snop;
	(pc) =	sbr.rel @!p0 .LBB2_9-.Ltmp1, $3  }
0x2b: {  	_ =	sdelay $0x1  }
0x2c: {  	[sflag:s28] =	ssyncset.done $0x0  }
0x2d: {  	[sflag:s28] =	ssyncadd.s32 $0xFFFFD880  }
.LBB2_1:
0x2e: {  	[dreg:$0xd] =	wrdreg s29  }
0x2f: {  	s18 =	rddreg [dreg:$0x4]  }
0x30: {  	[spmem:s26], [sflag:s19] =	dma.local [hbm:s18], $0x2780  }
0x31: {  	_ =	swait.ge [sflag:s28], $0x2780  }
0x32: {  	[sflag:s28] =	ssyncset.done $0x0  }
0x33: {  	[sflag:s28] =	ssyncadd.s32 $0xFFFFD880  }
0x34: {  	[bflag:$0x0] =	sbarrier.arrive $0xFFFF  }
0x35: {  	s30 =	simm.s32 $0x13C00;
	s18 =	simm.s32 $0x0;
	s29 =	rddreg [dreg:$0x6]  }
0x36: {  	[tilespmem:s30], [sflag:$0x1] =	stream.linear.gather [hbm4b:s29+s18], $0x80, $0x38;
	[tilespmem:$0x1FE00] =	vst v63  }
0x37: {  	s28 =	simm.s32 $0x13D00;
	s26 =	rddreg [dreg:$0x7]  }
0x38: {  	[tilespmem:s28], [sflag:$0x3] =	stream.linear.gather [hbm4b:s26+s18], $0x80, $0x38;
	[tilespmem:$0x1FE00] =	vst v63  }
0x39: {  	s29 =	rddreg [dreg:$0x8]  }
0x3a: {  	[tilespmem:s20], [sflag:$0x2] =	stream.linear.gather [hbm4b:s29+s18], $0x80, $0x38;
	[tilespmem:$0x1FE00] =	vst v63  }
0x3b: {  	s30 =	rddreg [dreg:$0x9];
	s26 =	simm.s32 $0x0  }
0x3c: {  	[tilespmem:s21], [sflag:$0x4] =	stream.linear.gather [hbm4b:s30+s18], $0x80, $0x38;
	[tilespmem:$0x1FE00] =	vst v63  }
.LBB2_2:
0x3d: {  	p0 =	seq.s32 s26, $0x0  }
0x3e: {  	s18 =	simm.s32 @!p0 $0x7  }
0x3f: {  	s19 =	sshll.u32 s26, $0x1;
	_ =	swait.ge @!p0 [sflag:s18], $0x4000  }
0x40: {  	s29 =	sadd.s32 @!p0 s8, s19;
	[sflag:s18] =	ssyncset.done @!p0 $0x0  }
0x41: {  	[sflag:s18] =	ssyncadd.s32 @!p0 $0xFFFFC000;
	s18 =	sshll.u32 @!p0 s29, $0x4  }
0x42: {  	s30 =	simm.s32 @!p0 $0x0;
	s28 =	simm.s32 @!p0 $0x13D00;
	s18 =	sadd.s32 @!p0 s5, s18  }
0x43: {  	[tilespmem:s28], [sflag:$0x3] =	stream.linear.gather @!p0 [hbm4b:s18+s30], $0x80, $0x38;
	[tilespmem:$0x1FE00] =	vst v63  }
0x44: {  	_ =	swait.ge [sflag:s22], $0x80  }
0x45: {  	[sflag:s22] =	ssyncset.done $0x0  }
0x46: {  	s18 =	simm.s32 $0x13C00;
	s28 =	simm.s32 $0x13E00;
	[sflag:s22] =	ssyncadd.s32 $0xFFFFFF80  }
0x47: {  	[tilespmem:s28], [sflag:$0x5] =	stream.indirect.gather [hbm4b:s2+s23], $0x40, s18, s23, $0xb8;
	[tilespmem:$0x1FE00] =	vst v63  }
0x48: {  	s18 =	simm.s32 $0x13C20;
	s28 =	simm.s32 $0x14600  }
0x49: {  	[tilespmem:s28], [sflag:$0x5] =	stream.indirect.gather [hbm4b:s2+s23], $0x40, s18, s23, $0xb8;
	[tilespmem:$0x1FE00] =	vst v63  }
0x4a: {  	s18 =	simm.s32 $0x13C40;
	s28 =	simm.s32 $0x14E00  }
0x4b: {  	[tilespmem:s28], [sflag:$0x5] =	stream.indirect.gather [hbm4b:s2+s23], $0x40, s18, s23, $0xb8;
	[tilespmem:$0x1FE00] =	vst v63  }
0x4c: {  	s18 =	simm.s32 $0x13C60;
	s28 =	simm.s32 $0x15600  }
0x4d: {  	[tilespmem:s28], [sflag:$0x5] =	stream.indirect.gather [hbm4b:s2+s23], $0x40, s18, s23, $0xb8;
	[tilespmem:$0x1FE00] =	vst v63  }
0x4e: {  	s28 =	sor.u32 $0x1, s19  }
0x4f: {  	s18 =	simm.s32 @!p0 $0x8;
	s19 =	sadd.s32 @!p0 s8, s28  }
0x50: {  	_ =	swait.ge @!p0 [sflag:s18], $0x4000;
	s19 =	sshll.u32 @!p0 s19, $0x4  }
0x51: {  	[sflag:s18] =	ssyncset.done @!p0 $0x0;
	s19 =	sand.u32 @!p0 $0x1FFFFFF0, s19  }
0x52: {  	[sflag:s18] =	ssyncadd.s32 @!p0 $0xFFFFC000;
	s18 =	sadd.s32 @!p0 s5, s19;
	s19 =	simm.s32 @!p0 $0x13D80  }
0x53: {  	[tilespmem:s19], [sflag:$0x4] =	stream.linear.gather @!p0 [hbm4b:s18+s30], $0x80, $0x38;
	[tilespmem:$0x1FE00] =	vst v63  }
0x54: {  	_ =	swait.ge [sflag:s1], $0x80  }
0x55: {  	[sflag:s1] =	ssyncset.done $0x0  }
0x56: {  	[sflag:s1] =	ssyncadd.s32 $0xFFFFFF80  }
0x57: {  	[tilespmem:s0], [sflag:$0x6] =	stream.indirect.gather [hbm4b:s2+s23], $0x40, s20, s23, $0xb8;
	[tilespmem:$0x1FE00] =	vst v63  }
0x58: {  	_ = 	snop  }
0x59: {  	[tilespmem:s9], [sflag:$0x6] =	stream.indirect.gather [hbm4b:s2+s23], $0x40, s6, s23, $0xb8;
	[tilespmem:$0x1FE00] =	vst v63  }
0x5a: {  	_ = 	snop  }
0x5b: {  	[tilespmem:s11], [sflag:$0x6] =	stream.indirect.gather [hbm4b:s2+s23], $0x40, s10, s23, $0xb8;
	[tilespmem:$0x1FE00] =	vst v63  }
0x5c: {  	_ = 	snop  }
0x5d: {  	[tilespmem:s14], [sflag:$0x6] =	stream.indirect.gather [hbm4b:s2+s23], $0x40, s12, s23, $0xb8;
	[tilespmem:$0x1FE00] =	vst v63  }
0x5e: {  	_ =	swait.ge [sflag:s15], $0x80  }
0x5f: {  	[sflag:s15] =	ssyncset.done $0x0  }
0x60: {  	[sflag:s15] =	ssyncadd.s32 $0xFFFFFF80  }
0x61: {  	_ =	swait.ge [sflag:s7], $0x800  }
0x62: {  	[sflag:s7] =	ssyncset.done $0x0  }
0x63: {  	[sflag:s7] =	ssyncadd.s32 $0xFFFFF800  }
0x64: {  	_ =	swait.ge [sflag:s7], $0x800  }
0x65: {  	[sflag:s7] =	ssyncset.done $0x0  }
0x66: {  	[sflag:s7] =	ssyncadd.s32 $0xFFFFF800  }
0x67: {  	_ =	swait.ge [sflag:s7], $0x800  }
0x68: {  	[sflag:s7] =	ssyncset.done $0x0  }
0x69: {  	[sflag:s7] =	ssyncadd.s32 $0xFFFFF800  }
0x6a: {  	_ =	swait.ge [sflag:s7], $0x800  }
0x6b: {  	[sflag:s7] =	ssyncset.done $0x0  }
0x6c: {  	s19 =	simm.s32 $0x0;
	[sflag:s7] =	ssyncadd.s32 $0xFFFFF800  }
0x6d: {  	v0 =	vld [tilespmem:s19+$0x13E00];
	_ =	sdelay $0x4  }
0x6e: {  	s18 =	simm.s32 $0x17E40;
	v1 =	vshll.u32 v0, $0x10  }
0x6f: {  	v0 =	vand.u32 $0xFFFF0000, v0;
	[tilespmem:s18+$0xFFFFFFC0] =	vst v1  }
0x70: {  	[tilespmem:s18+$0x0] =	vst v0  }
0x71: {  	v0 =	vld [tilespmem:s19+$0x13E10];
	_ =	sdelay $0x4  }
0x72: {  	v1 =	vshll.u32 v0, $0x10  }
0x73: {  	v0 =	vand.u32 $0xFFFF0000, v0;
	[tilespmem:s18+$0xFFFFFFD0] =	vst v1  }
0x74: {  	[tilespmem:s18+$0x10] =	vst v0  }
0x75: {  	v0 =	vld [tilespmem:s19+$0x13E20];
	_ =	sdelay $0x4  }
0x76: {  	v1 =	vand.u32 $0xFFFF0000, v0  }
0x77: {  	v0 =	vshll.u32 v0, $0x10;
	[tilespmem:s18+$0x20] =	vst v1  }
0x78: {  	[tilespmem:s18+$0xFFFFFFE0] =	vst v0  }
0x79: {  	v0 =	vld [tilespmem:s19+$0x13E30];
	_ =	sdelay $0x4  }
0x7a: {  	v1 =	vshll.u32 v0, $0x10  }
0x7b: {  	v0 =	vand.u32 $0xFFFF0000, v0;
	[tilespmem:s18+$0xFFFFFFF0] =	vst v1  }
0x7c: {  	s30 =	simm.s32 $0x40;
	[tilespmem:s18+$0x30] =	vst v0  }
0x7d: {  	v0 =	vld [tilespmem:s30+$0x13E00]  }
0x7e: {  	s29 =	smov.u32 @p0 s8;
	s19 =	simm.s32 $0x200  }
.LBB2_3:
0x7f: {  	p0 =	sne.s32 s19, $0x7F00;
	_ =	sdelay $0x2  }
0x80: {  	s18 =	sadd.s32 $0x80, s18;
	v1 =	vshll.u32 v0, $0x10  }
0x81: {  	v0 =	vand.u32 $0xFFFF0000, v0;
	[tilespmem:s18+$0xFFFFFFC0] =	vst v1  }
0x82: {  	[tilespmem:s18+$0x0] =	vst v0  }
0x83: {  	v0 =	vld [tilespmem:s30+$0x13E10];
	_ =	sdelay $0x4  }
0x84: {  	v1 =	vshll.u32 v0, $0x10  }
0x85: {  	v0 =	vand.u32 $0xFFFF0000, v0;
	[tilespmem:s18+$0xFFFFFFD0] =	vst v1  }
0x86: {  	[tilespmem:s18+$0x10] =	vst v0  }
0x87: {  	v0 =	vld [tilespmem:s30+$0x13E20];
	_ =	sdelay $0x4  }
0x88: {  	v1 =	vshll.u32 v0, $0x10;
	v0 =	vand.u32 $0xFFFF0000, v0  }
0x89: {  	[tilespmem:s18+$0x20] =	vst v0  }
0x8a: {  	[tilespmem:s18+$0xFFFFFFE0] =	vst v1  }
0x8b: {  	v0 =	vld [tilespmem:s30+$0x13E30];
	_ =	sdelay $0x4  }
.Ltmp2:
0x8c: {  	v1 =	vshll.u32 v0, $0x10;
	v0 =	vand.u32 $0xFFFF0000, v0;
	(pc) =	sbr.rel @p0 .LBB2_3-.Ltmp2, $4  }
0x8d: {  	[tilespmem:s18+$0xFFFFFFF0] =	vst v1  }
0x8e: {  	s30 =	sshra.s32 s19, $0x2;
	[tilespmem:s18+$0x30] =	vst v0  }
0x8f: {  	v0 =	vld [tilespmem:s30+$0x13E00]  }
0x90: {  	s19 =	sadd.s32 $0x100, s19  }
0x91: {  	_ =	sdelay $0x2  }
0x92: {  	s18 =	sadd.s32 $0x80, s18;
	v1 =	vshll.u32 v0, $0x10  }
0x93: {  	v0 =	vand.u32 $0xFFFF0000, v0;
	[tilespmem:s18+$0xFFFFFFC0] =	vst v1  }
0x94: {  	[tilespmem:s18+$0x0] =	vst v0  }
0x95: {  	v0 =	vld [tilespmem:s30+$0x13E10];
	_ =	sdelay $0x4  }
0x96: {  	v1 =	vshll.u32 v0, $0x10  }
0x97: {  	v0 =	vand.u32 $0xFFFF0000, v0;
	[tilespmem:s18+$0xFFFFFFD0] =	vst v1  }
0x98: {  	[tilespmem:s18+$0x10] =	vst v0  }
0x99: {  	v0 =	vld [tilespmem:s30+$0x13E20];
	_ =	sdelay $0x4  }
0x9a: {  	v1 =	vand.u32 $0xFFFF0000, v0  }
0x9b: {  	v0 =	vshll.u32 v0, $0x10;
	[tilespmem:s18+$0x20] =	vst v1  }
0x9c: {  	[tilespmem:s18+$0xFFFFFFE0] =	vst v0  }
0x9d: {  	v0 =	vld [tilespmem:s30+$0x13E30];
	_ =	sdelay $0x4  }
0x9e: {  	v1 =	vshll.u32 v0, $0x10  }
0x9f: {  	p0 =	seq.s32 s26, $0x27;
	v0 =	vand.u32 $0xFFFF0000, v0;
	[tilespmem:s18+$0xFFFFFFF0] =	vst v1  }
0xa0: {  	s19 =	simm.s32 $0x13D00;
	[tilespmem:s18+$0x30] =	vst v0;
	s18 =	sshll.u32 @!p0 s29, $0x4  }
0xa1: {  	[spmem:s3] =	stream.indirect.scatter.add.f32 [tilespmem:s17], [sflag:$0x7], $0x80, s19, s16, $0xb8;
	[tilespmem:$0x1FE00] =	vst v63  }
0xa2: {  	s29 =	simm.s32 @!p0 $0x13C00;
	s18 =	sadd.s32 @!p0 s18, s13;
	s19 =	simm.s32 @!p0 $0x0  }
0xa3: {  	[tilespmem:s29], [sflag:$0x1] =	stream.linear.gather @!p0 [hbm4b:s18+s19], $0x80, $0x38;
	[tilespmem:$0x1FE00] =	vst v63  }
0xa4: {  	_ =	swait.ge [sflag:s4], $0x80  }
0xa5: {  	[sflag:s4] =	ssyncset.done $0x0  }
0xa6: {  	[sflag:s4] =	ssyncadd.s32 $0xFFFFFF80  }
0xa7: {  	_ =	swait.ge [sflag:s24], $0x800  }
0xa8: {  	[sflag:s24] =	ssyncset.done $0x0  }
0xa9: {  	[sflag:s24] =	ssyncadd.s32 $0xFFFFF800  }
0xaa: {  	_ =	swait.ge [sflag:s24], $0x800  }
0xab: {  	[sflag:s24] =	ssyncset.done $0x0  }
0xac: {  	[sflag:s24] =	ssyncadd.s32 $0xFFFFF800  }
0xad: {  	_ =	swait.ge [sflag:s24], $0x800  }
0xae: {  	[sflag:s24] =	ssyncset.done $0x0  }
0xaf: {  	[sflag:s24] =	ssyncadd.s32 $0xFFFFF800  }
0xb0: {  	_ =	swait.ge [sflag:s24], $0x800  }
0xb1: {  	[sflag:s24] =	ssyncset.done $0x0  }
0xb2: {  	s18 =	simm.s32 $0x15E30;
	[sflag:s24] =	ssyncadd.s32 $0xFFFFF800  }
0xb3: {  	v0 =	vld [tilespmem:s18+$0xFFFFFFD0];
	_ =	sdelay $0x1  }
0xb4: {  	s28 =	sadd.s32 s8, s28;
	s30 =	simm.s32 $0x200;
	s29 =	simm.s32 $0x0  }
.LBB2_5:
0xb5: {  	p1 =	sne.s32 s30, $0xFE00;
	_ =	sdelay $0x1  }
0xb6: {  	s19 =	sshra.s32 s29, $0x2;
	s29 =	smov.u32 s30;
	v1 =	vshll.u32 v0, $0x10  }
0xb7: {  	v0 =	vand.u32 $0xFFFF0000, v0;
	[tilespmem:s19+$0x1BE00] =	vst v1  }
0xb8: {  	[tilespmem:s19+$0x1BE40] =	vst v0  }
0xb9: {  	v0 =	vld [tilespmem:s18+$0xFFFFFFE0];
	_ =	sdelay $0x4  }
0xba: {  	v1 =	vshll.u32 v0, $0x10  }
0xbb: {  	v0 =	vand.u32 $0xFFFF0000, v0;
	[tilespmem:s19+$0x1BE10] =	vst v1  }
0xbc: {  	[tilespmem:s19+$0x1BE50] =	vst v0  }
0xbd: {  	v0 =	vld [tilespmem:s18+$0xFFFFFFF0];
	_ =	sdelay $0x4  }
0xbe: {  	v1 =	vshll.u32 v0, $0x10;
	v0 =	vand.u32 $0xFFFF0000, v0  }
0xbf: {  	[tilespmem:s19+$0x1BE60] =	vst v0  }
0xc0: {  	[tilespmem:s19+$0x1BE20] =	vst v1  }
0xc1: {  	v0 =	vld [tilespmem:s18+$0x0];
	_ =	sdelay $0x4  }
0xc2: {  	v1 =	vshll.u32 v0, $0x10;
	v0 =	vand.u32 $0xFFFF0000, v0  }
.Ltmp3:
0xc3: {  	[tilespmem:s19+$0x1BE30] =	vst v1;
	(pc) =	sbr.rel @p1 .LBB2_5-.Ltmp3, $3  }
0xc4: {  	s18 =	sadd.s32 $0x40, s18;
	[tilespmem:s19+$0x1BE70] =	vst v0  }
0xc5: {  	v0 =	vld [tilespmem:s18+$0xFFFFFFD0];
	_ =	sdelay $0x1  }
0xc6: {  	s30 =	sadd.s32 $0x200, s30  }
0xc7: {  	_ =	sdelay $0x1  }
0xc8: {  	s19 =	sshra.s32 s29, $0x2;
	v1 =	vshll.u32 v0, $0x10  }
0xc9: {  	v60 =	vand.u32 $0xFFFF0000, v0;
	[tilespmem:s19+$0x1BE00] =	vst v1  }
0xca: {  	[tilespmem:s19+$0x1BE40] =	vst v60  }
0xcb: {  	v0 =	vld [tilespmem:s18+$0xFFFFFFE0];
	_ =	sdelay $0x4  }
0xcc: {  	v61 =	vshll.u32 v0, $0x10  }
0xcd: {  	v0 =	vand.u32 $0xFFFF0000, v0;
	[tilespmem:s19+$0x1BE10] =	vst v61  }
0xce: {  	[tilespmem:s19+$0x1BE50] =	vst v0  }
0xcf: {  	v0 =	vld [tilespmem:s18+$0xFFFFFFF0];
	_ =	sdelay $0x4  }
0xd0: {  	v62 =	vand.u32 $0xFFFF0000, v0  }
0xd1: {  	v0 =	vshll.u32 v0, $0x10;
	[tilespmem:s19+$0x1BE60] =	vst v62  }
0xd2: {  	[tilespmem:s19+$0x1BE20] =	vst v0  }
0xd3: {  	v0 =	vld [tilespmem:s18+$0x0];
	_ =	sdelay $0x3  }
.Ltmp4:
0xd4: {  	_ = 	snop;
	(pc) =	sbr.rel @p0 .LBB2_8-.Ltmp4, $4  }
0xd5: {  	v63 =	vshll.u32 v0, $0x10  }
0xd6: {  	v0 =	vand.u32 $0xFFFF0000, v0;
	[tilespmem:s19+$0x1BE30] =	vst v63  }
0xd7: {  	[tilespmem:s19+$0x1BE70] =	vst v0  }
0xd8: {  	[spmem:s3] =	stream.indirect.scatter.add.f32 [tilespmem:s25], [sflag:$0x8], $0x80, s21, s16, $0xb8;
	[tilespmem:$0x1FE00] =	vst v63  }
.Ltmp5:
0xd9: {  	(pc) =	sbr.rel .LBB2_2-.Ltmp5, $4  }
0xda: {  	_ = 	snop  }
0xdb: {  	s18 =	sshll.u32 s28, $0x4  }
0xdc: {  	s26 =	sadd.s32 $0x1, s26;
	s18 =	sadd.s32 s18, s13  }
0xdd: {  	[tilespmem:s20], [sflag:$0x2] =	stream.linear.gather [hbm4b:s18+s31], $0x80, $0x38;
	[tilespmem:$0x1FE00] =	vst v63  }
.LBB2_9:
0xde: {  	_ =	sfence.sel $0x180000  }
0xdf: {  	[bflag:$0x0] =	sbarrier.arrive $0xFFFF  }
0xe0: {  	_ =	strace $0x9000004A  }
0xe1: {  	s0 =	stileid.u32;
	[bflag:$0x2] =	sbarrier.arrive $0xFFFF  }
0xe2: {  	p0 =	sne.s32 s0, $0x0;
	s0 =	rddreg [dreg:$0x3]  }
0xe3: {  	s0 =	sadd.s32 @!p0 $0x100000, s0  }
0xe4: {  	[sflag:s0] =	ssyncadd.tile.s32 @!p0 $0x1;
	_ =	shalt  }
.Lfunc_end2:
_tile_overlayer_lowered:
.L_overlay_start_2:
0xe5: {  	(tag) =	ssettag $0x2  }
0xe6: {  	s0 =	rddreg [dreg:$0x0];
	s2 =	stileid.u32  }
0xe7: {  	s1 =	rddreg [dreg:$0x1];
	p0 =	sne.s32 s2, $0x0  }
0xe8: {  	s3 =	rddreg [dreg:$0x2];
	[bflag:$0x3] =	sbarrier.arrive $0xFFFF;
	s2 =	simm.s32 @!p0 $0x1C09  }
0xe9: {  	[timem:s3], [sflag:s2] =	dma.local @!p0 [hbm:s0], s1  }
0xea: {  	s0 =	simm.s32 @!p0 $0x9  }
0xeb: {  	_ =	swait.ge @!p0 [sflag:s0], s1  }
0xec: {  	s1 =	ssub.s32 @!p0 $0x0, s1;
	[sflag:s0] =	ssyncset.done @!p0 $0x0  }
0xed: {  	[sflag:s0] =	ssyncadd.s32 @!p0 s1  }
0xee: {  	[bflag:$0x3] =	sbarrier.arrive $0xFFFF  }
0xef: {  	_ =	shalt  }

</sc_bundles>
